<compile_context>
chip_gen: v7x
topology: tpu7x:2x2x1
jax: 0.10.2.dev20260603
libtpu: 0.0.44.dev20260713+nightly
codegen_flags: <defaults>
</compile_context>

<pallas_src>
import jax
import jax.numpy as jnp
from jax import lax
from jax.experimental import pallas as pl
from jax.experimental.pallas import tpu as pltpu
from jax.experimental.pallas import tpu_sc as plsc


def _iota16():
    return lax.broadcasted_iota(jnp.int32, (16,), 0)


def _butterfly_sum(x):
    for sh in (8, 4, 2, 1):
        x = x + jnp.take(x, _iota16() ^ sh)
    return x


def _butterfly_max(x):
    for sh in (8, 4, 2, 1):
        x = jnp.maximum(x, jnp.take(x, _iota16() ^ sh))
    return x


def _rsqrt16(d):
    y = jnp.where(d < 4.0, 0.7,
                  jnp.where(d < 16.0, 0.35,
                            jnp.where(d < 64.0, 0.18, 0.09)))
    for _ in range(5):
        y = y * (1.5 - 0.5 * d * y * y)
    return y


def _splat(v):
    return jnp.zeros((16,), jnp.int32) + v


def _sc_body(x_hbm, edges_hbm, wl_hbm, wcb_hbm, out_hbm,
             edges_v, xrows_v, xown_v, wl_v, wcb_v, agg_v,
             outrow_v, sem2, sem3, sem4, gsems):
    sid = lax.axis_index("s")
    it = _iota16()
    zf = jnp.zeros((16,), jnp.float32)

    own = pltpu.async_copy(x_hbm.at[pl.ds(2 * sid, 2)], xown_v, sem2)
    wlc = pltpu.async_copy(wl_hbm, wl_v, sem3)
    wcc = pltpu.async_copy(wcb_hbm, wcb_v, sem4)
    pltpu.sync_copy(edges_hbm, edges_v)
    rows = [edges_v[pl.ds(16 * k, 16)] for k in range(4)]
    cols = [edges_v[pl.ds(64 + 16 * k, 16)] for k in range(4)]
    gathers = [
        pltpu.async_copy(x_hbm.at[edges_v.at[pl.ds(16 * k, 16)]],
                         xrows_v.at[pl.ds(16 * k, 16)], gsems.at[k])
        for k in range(4)
    ]

    def hist_body(i, carry):
        d0, d1 = carry
        lane = _splat(i)
        for k in range(4):
            ce = jnp.take(cols[k], lane)
            d0 = d0 + jnp.where(ce == it, 1, 0)
            d1 = d1 + jnp.where(ce == it + 16, 1, 0)
        return d0, d1

    ones = jnp.ones((16,), jnp.int32)
    deg0, deg1 = lax.fori_loop(0, 16, hist_body, (ones, ones))
    dinv0 = _rsqrt16(deg0.astype(jnp.float32))
    dinv1 = _rsqrt16(deg1.astype(jnp.float32))

    w0c, w1c = [], []
    for k in range(4):
        rk, ck = rows[k], cols[k]
        dr = jnp.where(rk < 16, jnp.take(dinv0, rk & 15),
                       jnp.take(dinv1, rk & 15))
        w0c.append(jnp.where(ck == 2 * sid, dr, zf))
        w1c.append(jnp.where(ck == 2 * sid + 1, dr, zf))

    agg = [zf] * 20
    for k in range(4):
        gathers[k].wait()

        def fma_body(i, carry, k=k):
            carry = list(carry)
            lane = _splat(i)
            w0 = jnp.take(w0c[k], lane)
            w1 = jnp.take(w1c[k], lane)
            for fc in range(10):
                xr = xrows_v[16 * k + i, pl.ds(16 * fc, 16)]
                carry[fc] = carry[fc] + w0 * xr
                carry[10 + fc] = carry[10 + fc] + w1 * xr
            return tuple(carry)

        agg = list(lax.fori_loop(0, 16, fma_body, tuple(agg)))

    own.wait()
    wlc.wait()
    wcc.wait()

    wcb = wcb_v[...]
    dns = []
    for j in range(2):
        n = 2 * sid + j
        dn = jnp.where(_splat(n) < 16, jnp.take(dinv0, _splat(n) & 15),
                       jnp.take(dinv1, _splat(n) & 15))
        dns.append(dn)
        for fc in range(10):
            a = dn * (agg[10 * j + fc] + dn * xown_v[j, pl.ds(16 * fc, 16)])
            agg_v[10 * j + fc, pl.ds(0, 16)] = a

    acc = [zf] * 6
    for k in range(5):
        wk = jnp.take(wcb, _splat(k))
        bk = jnp.take(wcb, _splat(5 + k))

        def dense_body(fc, carry, k=k, wk=wk, bk=bk):
            carry = list(carry)
            t0 = jnp.maximum(agg_v[fc, pl.ds(0, 16)] * wk + bk, 0.0)
            t1 = jnp.maximum(agg_v[10 + fc, pl.ds(0, 16)] * wk + bk, 0.0)
            for cl in range(3):
                w = wl_v[30 * k + 10 * cl + fc, pl.ds(0, 16)]
                carry[cl] = carry[cl] + t0 * w
                carry[3 + cl] = carry[3 + cl] + t1 * w
            return tuple(carry)

        acc = list(lax.fori_loop(0, 10, dense_body, tuple(acc)))

    for j in range(2):
        logit = [_butterfly_sum(a) for a in acc[3 * j:3 * j + 3]]
        lv = jnp.where(it == 0, logit[0],
                       jnp.where(it == 1, logit[1],
                                 jnp.where(it == 2, logit[2],
                                           zf - 1e30)))
        lv = lv + jnp.take(wcb, jnp.minimum(it + 10, 15)) * jnp.where(
            it < 3, 1.0, 0.0)
        m = _butterfly_max(lv)
        e = jnp.exp(lv - m)
        e = jnp.where(it < 3, e, zf)
        outrow_v[j, pl.ds(0, 16)] = e / _butterfly_sum(e)
    pltpu.sync_copy(outrow_v, out_hbm.at[pl.ds(2 * sid, 2)])


def _run(xp, edges, wl2d, wcb):
    mesh = plsc.VectorSubcoreMesh(core_axis_name="c", subcore_axis_name="s",
                                  num_cores=1)
    f = pl.kernel(
        _sc_body,
        out_type=jax.ShapeDtypeStruct((32, 16), jnp.float32),
        mesh=mesh,
        scratch_types=[
            pltpu.VMEM((128,), jnp.int32),
            pltpu.VMEM((64, 256), jnp.float32),
            pltpu.VMEM((2, 256), jnp.float32),
            pltpu.VMEM((150, 16), jnp.float32),
            pltpu.VMEM((16,), jnp.float32),
            pltpu.VMEM((20, 16), jnp.float32),
            pltpu.VMEM((2, 16), jnp.float32),
            pltpu.SemaphoreType.DMA,
            pltpu.SemaphoreType.DMA,
            pltpu.SemaphoreType.DMA,
            pltpu.SemaphoreType.DMA((4,)),
        ],
    )
    return f(xp, edges, wl2d, wcb)


def kernel(x, edge_index, W_gcn, b_gcn, W_lin, b_lin):
    xp = jnp.pad(x.reshape(32, 160), ((0, 0), (0, 96)))
    edges = edge_index.astype(jnp.int32).reshape(128)
    wl2d = jnp.transpose(W_lin.reshape(3, 10, 16, 5), (3, 0, 2, 1)).reshape(150, 16)
    wcb = jnp.pad(jnp.concatenate([W_gcn[0], b_gcn, b_lin]), (0, 3))
    out = _run(xp, edges, wl2d, wcb)
    return out[:, :3]

# --- scband reference (transcript-rebuilt; emitter-appended) ---
"""Pipeline reference for scband-net-77283641524303 (READ-ONLY COPY).

The authoritative reference and input builder live on the scoring server;
editing this copy changes nothing except your own understanding.
"""

import jax, jax.numpy as jnp
import numpy as np

NUM_NODES = 32

def setup_inputs(seed: int = 0) -> dict:
    key = jax.random.key(seed)
    k1, k2, k3, k4, k5, k6 = jax.random.split(key, 6)
    x = jax.random.normal(k1, (32, 16, 10), dtype=jnp.float32)
    edge_index = jax.random.randint(k2, (2, 64), 0, NUM_NODES, dtype=jnp.int64)
    # GCNConv(1, 5): weight [in=1, out=5] xavier_normal, bias zeros
    W_gcn = jax.random.normal(k3, (1, 5), dtype=jnp.float32) * float(np.sqrt(2.0 / (1 + 5)))
    b_gcn = jnp.zeros((5,), dtype=jnp.float32)
    # Linear(800, 3): weight [3, 800] xavier_uniform, bias uniform
    bound = float(np.sqrt(6.0 / (800 + 3)))
    W_lin = jax.random.uniform(k4, (3, 800), dtype=jnp.float32, minval=-bound, maxval=bound)
    b_lin = jax.random.uniform(k5, (3,), dtype=jnp.float32, minval=-1.0/np.sqrt(800), maxval=1.0/np.sqrt(800))
    return {"x": x, "edge_index": edge_index, "W_gcn": W_gcn, "b_gcn": b_gcn, "W_lin": W_lin, "b_lin": b_lin}


def _gcn_conv(x, edge_index, W, b, num_nodes):
    # x: [N, d2, d1, 1] -> linear transform on last dim
    h = x @ W  # [N, d2, d1, 5]
    # add self-loops
    sl = jnp.arange(num_nodes, dtype=edge_index.dtype)
    row = jnp.concatenate([edge_index[0], sl])  # source
    col = jnp.concatenate([edge_index[1], sl])  # target
    # symmetric normalization (gcn_norm): deg over col with weight 1
    deg = jnp.zeros((num_nodes,), dtype=h.dtype).at[col].add(1.0)
    dinv = jnp.where(deg > 0, deg ** -0.5, 0.0)
    norm = dinv[row] * dinv[col]
    # gather messages from source, scale, scatter-add at target (node_dim=0)
    msg = h[row] * norm[:, None, None, None]
    out = jnp.zeros_like(h).at[col].add(msg)
    return out + b


def reference(x, edge_index, W_gcn, b_gcn, W_lin, b_lin):
    # x: [32, 16, 10]
    h = x[:, :, :, None]            # unsqueeze(3) -> [32, 16, 10, 1]
    h = jnp.transpose(h, (0, 2, 1, 3))  # transpose(1,2) -> [32, 10, 16, 1]
    h = _gcn_conv(h, edge_index, W_gcn, b_gcn, NUM_NODES)  # [32, 10, 16, 5]
    h = jax.nn.relu(h)
    # dropout in eval mode = identity
    h = h.reshape(32, -1)           # [32, 800]
    h = h @ W_lin.T + b_lin         # [32, 3]
    return jax.nn.softmax(h, axis=1)

if __name__ == "__main__":
    import jax
    _d = setup_inputs()
    print(jax.jit(kernel)(*tuple(_d.values())))

</pallas_src>

<mosaic_0001>
#map = affine_map<(d0, d1) -> (0, 0)>
#map1 = affine_map<(d0, d1) -> (0)>
module attributes {stable_mosaic.version = 14 : i64} {
  func.func @_sc_body(%arg0: i32, %arg1: i32, %arg2: memref<32x256xf32, #tpu.memory_space<hbm>>, %arg3: memref<128xi32, #tpu.memory_space<hbm>>, %arg4: memref<150x16xf32, #tpu.memory_space<hbm>>, %arg5: memref<16xf32, #tpu.memory_space<hbm>>, %arg6: memref<32x16xf32, #tpu.memory_space<hbm>>, %arg7: memref<128xi32, #tpu.memory_space<vmem>>, %arg8: memref<64x256xf32, #tpu.memory_space<vmem>>, %arg9: memref<2x256xf32, #tpu.memory_space<vmem>>, %arg10: memref<150x16xf32, #tpu.memory_space<vmem>>, %arg11: memref<16xf32, #tpu.memory_space<vmem>>, %arg12: memref<20x16xf32, #tpu.memory_space<vmem>>, %arg13: memref<2x16xf32, #tpu.memory_space<vmem>>, %arg14: memref<!tpu.dma_semaphore, #tpu.memory_space<semaphore_mem>>, %arg15: memref<!tpu.dma_semaphore, #tpu.memory_space<semaphore_mem>>, %arg16: memref<!tpu.dma_semaphore, #tpu.memory_space<semaphore_mem>>, %arg17: memref<4x!tpu.dma_semaphore, #tpu.memory_space<semaphore_mem>>) attributes {dimension_semantics = [#tpu.dimension_semantics<core_parallel>, #tpu.dimension_semantics<subcore_parallel>], iteration_bounds = array<i64: 1, 16>, scalar_prefetch = 0 : i64, scratch_operands = 11 : i64, tpu.core_type = #tpu.core_type<sc_vector_subcore>, window_params = [{transform_indices = #map}, {transform_indices = #map1}, {transform_indices = #map}, {transform_indices = #map1}, {transform_indices = #map}]} {
    %iota3A = tpu.iota {dimensions = array<i32: 0>} : vector<16xi32>
    %broadcast_in_dim3A = arith.constant 0.000000e+00 : f32
    %broadcast_in_dim3A_0 = vector.broadcast %broadcast_in_dim3A : f32 to vector<16xf32>
    %mul3A = arith.constant 2 : i32
    %mul3A_1 = arith.muli %mul3A, %arg1 : i32
    %dma_start3A = arith.constant 0 : i32
    %dma_start3A_2 = tpu.memref_slice %arg2[%mul3A_1, %dma_start3A] : memref<32x256xf32, #tpu.memory_space<hbm>> -> memref<2x256xf32, #tpu.memory_space<hbm>>
    %dma_start3A_3 = arith.constant 0 : i32
    %dma_start3A_4 = tpu.memref_slice %arg2[%mul3A_1, %dma_start3A_3] : memref<32x256xf32, #tpu.memory_space<hbm>> -> memref<2x256xf32, #tpu.memory_space<hbm>>
    tpu.enqueue_dma source(%dma_start3A_4 : memref<2x256xf32, #tpu.memory_space<hbm>>) target(%arg9 : memref<2x256xf32, #tpu.memory_space<vmem>>) target_semaphore(%arg14 : memref<!tpu.dma_semaphore, #tpu.memory_space<semaphore_mem>>)
    tpu.enqueue_dma source(%arg4 : memref<150x16xf32, #tpu.memory_space<hbm>>) target(%arg10 : memref<150x16xf32, #tpu.memory_space<vmem>>) target_semaphore(%arg15 : memref<!tpu.dma_semaphore, #tpu.memory_space<semaphore_mem>>)
    tpu.enqueue_dma source(%arg5 : memref<16xf32, #tpu.memory_space<hbm>>) target(%arg11 : memref<16xf32, #tpu.memory_space<vmem>>) target_semaphore(%arg16 : memref<!tpu.dma_semaphore, #tpu.memory_space<semaphore_mem>>)
    "tpu.region"() ({
      %run_scoped3A = tpu.sem_alloc : memref<!tpu.dma_semaphore, #tpu.memory_space<semaphore_mem>>
      tpu.enqueue_dma source(%arg3 : memref<128xi32, #tpu.memory_space<hbm>>) target(%arg7 : memref<128xi32, #tpu.memory_space<vmem>>) target_semaphore(%run_scoped3A : memref<!tpu.dma_semaphore, #tpu.memory_space<semaphore_mem>>)
      tpu.wait_dma2 semaphore(%run_scoped3A : memref<!tpu.dma_semaphore, #tpu.memory_space<semaphore_mem>>) src(%arg3 : memref<128xi32, #tpu.memory_space<hbm>>) dst(%arg7 : memref<128xi32, #tpu.memory_space<vmem>>)
      tpu.yield
    }) : () -> ()
    %get3A = arith.constant 0 : index
    %get3A_5 = tpu.vector_load %arg7[%get3A] {strides = array<i32>} : memref<128xi32, #tpu.memory_space<vmem>>, vector<16xi32>,
    %get3A_6 = vector.shape_cast %get3A_5 : vector<16xi32> to vector<16xi32>
    %get3A_7 = arith.constant 16 : index
    %get3A_8 = tpu.vector_load %arg7[%get3A_7] {strides = array<i32>} : memref<128xi32, #tpu.memory_space<vmem>>, vector<16xi32>,
    %get3A_9 = vector.shape_cast %get3A_8 : vector<16xi32> to vector<16xi32>
    %get3A_10 = arith.constant 32 : index
    %get3A_11 = tpu.vector_load %arg7[%get3A_10] {strides = array<i32>} : memref<128xi32, #tpu.memory_space<vmem>>, vector<16xi32>,
    %get3A_12 = vector.shape_cast %get3A_11 : vector<16xi32> to vector<16xi32>
    %get3A_13 = arith.constant 48 : index
    %get3A_14 = tpu.vector_load %arg7[%get3A_13] {strides = array<i32>} : memref<128xi32, #tpu.memory_space<vmem>>, vector<16xi32>,
    %get3A_15 = vector.shape_cast %get3A_14 : vector<16xi32> to vector<16xi32>
    %get3A_16 = arith.constant 64 : index
    %get3A_17 = tpu.vector_load %arg7[%get3A_16] {strides = array<i32>} : memref<128xi32, #tpu.memory_space<vmem>>, vector<16xi32>,
    %get3A_18 = vector.shape_cast %get3A_17 : vector<16xi32> to vector<16xi32>
    %get3A_19 = arith.constant 80 : index
    %get3A_20 = tpu.vector_load %arg7[%get3A_19] {strides = array<i32>} : memref<128xi32, #tpu.memory_space<vmem>>, vector<16xi32>,
    %get3A_21 = vector.shape_cast %get3A_20 : vector<16xi32> to vector<16xi32>
    %get3A_22 = arith.constant 96 : index
    %get3A_23 = tpu.vector_load %arg7[%get3A_22] {strides = array<i32>} : memref<128xi32, #tpu.memory_space<vmem>>, vector<16xi32>,
    %get3A_24 = vector.shape_cast %get3A_23 : vector<16xi32> to vector<16xi32>
    %get3A_25 = arith.constant 112 : index
    %get3A_26 = tpu.vector_load %arg7[%get3A_25] {strides = array<i32>} : memref<128xi32, #tpu.memory_space<vmem>>, vector<16xi32>,
    %get3A_27 = vector.shape_cast %get3A_26 : vector<16xi32> to vector<16xi32>
    %dma_start3A_28 = arith.constant 0 : i32
    %dma_start3A_29 = arith.constant 0 : i32
    %dma_start3A_30 = arith.constant 0 : i32
    %dma_start3A_31 = tpu.memref_slice %arg8[%dma_start3A_29, %dma_start3A_30] : memref<64x256xf32, #tpu.memory_space<vmem>> -> memref<16x256xf32, #tpu.memory_space<vmem>>
    %dma_start3A_32 = arith.constant 0 : i32
    %dma_start3A_33 = tpu.memref_slice %arg7[%dma_start3A_32] : memref<128xi32, #tpu.memory_space<vmem>> -> memref<16xi32, #tpu.memory_space<vmem>>
    %dma_start3A_34 = arith.constant 0 : i32
    %dma_start3A_35 = arith.constant 0 : i32
    %dma_start3A_36 = tpu.memref_slice %arg2[%dma_start3A_34, %dma_start3A_35] : memref<32x256xf32, #tpu.memory_space<hbm>> -> memref<32x256xf32, #tpu.memory_space<hbm>>
    %dma_start3A_37 = tpu.memref_slice %arg17[%dma_start3A_28] : memref<4x!tpu.dma_semaphore, #tpu.memory_space<semaphore_mem>> -> memref<1x!tpu.dma_semaphore, #tpu.memory_space<semaphore_mem>>
    %dma_start3A_38 = tpu.memref_squeeze %dma_start3A_37 : memref<1x!tpu.dma_semaphore, #tpu.memory_space<semaphore_mem>> -> memref<!tpu.dma_semaphore, #tpu.memory_space<semaphore_mem>>
    tpu.enqueue_indirect_dma source(%dma_start3A_36 : memref<32x256xf32, #tpu.memory_space<hbm>>) target(%dma_start3A_31 : memref<16x256xf32, #tpu.memory_space<vmem>>) offsets(%dma_start3A_33 : memref<16xi32, #tpu.memory_space<vmem>>) semaphore(%dma_start3A_38 : memref<!tpu.dma_semaphore, #tpu.memory_space<semaphore_mem>>)
    %dma_start3A_39 = arith.constant 1 : i32
    %dma_start3A_40 = arith.constant 16 : i32
    %dma_start3A_41 = arith.constant 0 : i32
    %dma_start3A_42 = tpu.memref_slice %arg8[%dma_start3A_40, %dma_start3A_41] : memref<64x256xf32, #tpu.memory_space<vmem>> -> memref<16x256xf32, #tpu.memory_space<vmem>>
    %dma_start3A_43 = arith.constant 16 : i32
    %dma_start3A_44 = tpu.memref_slice %arg7[%dma_start3A_43] : memref<128xi32, #tpu.memory_space<vmem>> -> memref<16xi32, #tpu.memory_space<vmem>>
    %dma_start3A_45 = arith.constant 0 : i32
    %dma_start3A_46 = arith.constant 0 : i32
    %dma_start3A_47 = tpu.memref_slice %arg2[%dma_start3A_45, %dma_start3A_46] : memref<32x256xf32, #tpu.memory_space<hbm>> -> memref<32x256xf32, #tpu.memory_space<hbm>>
    %dma_start3A_48 = tpu.memref_slice %arg17[%dma_start3A_39] : memref<4x!tpu.dma_semaphore, #tpu.memory_space<semaphore_mem>> -> memref<1x!tpu.dma_semaphore, #tpu.memory_space<semaphore_mem>>
    %dma_start3A_49 = tpu.memref_squeeze %dma_start3A_48 : memref<1x!tpu.dma_semaphore, #tpu.memory_space<semaphore_mem>> -> memref<!tpu.dma_semaphore, #tpu.memory_space<semaphore_mem>>
    tpu.enqueue_indirect_dma source(%dma_start3A_47 : memref<32x256xf32, #tpu.memory_space<hbm>>) target(%dma_start3A_42 : memref<16x256xf32, #tpu.memory_space<vmem>>) offsets(%dma_start3A_44 : memref<16xi32, #tpu.memory_space<vmem>>) semaphore(%dma_start3A_49 : memref<!tpu.dma_semaphore, #tpu.memory_space<semaphore_mem>>)
    %dma_start3A_50 = arith.constant 2 : i32
    %dma_start3A_51 = arith.constant 32 : i32
    %dma_start3A_52 = arith.constant 0 : i32
    %dma_start3A_53 = tpu.memref_slice %arg8[%dma_start3A_51, %dma_start3A_52] : memref<64x256xf32, #tpu.memory_space<vmem>> -> memref<16x256xf32, #tpu.memory_space<vmem>>
    %dma_start3A_54 = arith.constant 32 : i32
    %dma_start3A_55 = tpu.memref_slice %arg7[%dma_start3A_54] : memref<128xi32, #tpu.memory_space<vmem>> -> memref<16xi32, #tpu.memory_space<vmem>>
    %dma_start3A_56 = arith.constant 0 : i32
    %dma_start3A_57 = arith.constant 0 : i32
    %dma_start3A_58 = tpu.memref_slice %arg2[%dma_start3A_56, %dma_start3A_57] : memref<32x256xf32, #tpu.memory_space<hbm>> -> memref<32x256xf32, #tpu.memory_space<hbm>>
    %dma_start3A_59 = tpu.memref_slice %arg17[%dma_start3A_50] : memref<4x!tpu.dma_semaphore, #tpu.memory_space<semaphore_mem>> -> memref<1x!tpu.dma_semaphore, #tpu.memory_space<semaphore_mem>>
    %dma_start3A_60 = tpu.memref_squeeze %dma_start3A_59 : memref<1x!tpu.dma_semaphore, #tpu.memory_space<semaphore_mem>> -> memref<!tpu.dma_semaphore, #tpu.memory_space<semaphore_mem>>
    tpu.enqueue_indirect_dma source(%dma_start3A_58 : memref<32x256xf32, #tpu.memory_space<hbm>>) target(%dma_start3A_53 : memref<16x256xf32, #tpu.memory_space<vmem>>) offsets(%dma_start3A_55 : memref<16xi32, #tpu.memory_space<vmem>>) semaphore(%dma_start3A_60 : memref<!tpu.dma_semaphore, #tpu.memory_space<semaphore_mem>>)
    %dma_start3A_61 = arith.constant 3 : i32
    %dma_start3A_62 = arith.constant 48 : i32
    %dma_start3A_63 = arith.constant 0 : i32
    %dma_start3A_64 = tpu.memref_slice %arg8[%dma_start3A_62, %dma_start3A_63] : memref<64x256xf32, #tpu.memory_space<vmem>> -> memref<16x256xf32, #tpu.memory_space<vmem>>
    %dma_start3A_65 = arith.constant 48 : i32
    %dma_start3A_66 = tpu.memref_slice %arg7[%dma_start3A_65] : memref<128xi32, #tpu.memory_space<vmem>> -> memref<16xi32, #tpu.memory_space<vmem>>
    %dma_start3A_67 = arith.constant 0 : i32
    %dma_start3A_68 = arith.constant 0 : i32
    %dma_start3A_69 = tpu.memref_slice %arg2[%dma_start3A_67, %dma_start3A_68] : memref<32x256xf32, #tpu.memory_space<hbm>> -> memref<32x256xf32, #tpu.memory_space<hbm>>
    %dma_start3A_70 = tpu.memref_slice %arg17[%dma_start3A_61] : memref<4x!tpu.dma_semaphore, #tpu.memory_space<semaphore_mem>> -> memref<1x!tpu.dma_semaphore, #tpu.memory_space<semaphore_mem>>
    %dma_start3A_71 = tpu.memref_squeeze %dma_start3A_70 : memref<1x!tpu.dma_semaphore, #tpu.memory_space<semaphore_mem>> -> memref<!tpu.dma_semaphore, #tpu.memory_space<semaphore_mem>>
    tpu.enqueue_indirect_dma source(%dma_start3A_69 : memref<32x256xf32, #tpu.memory_space<hbm>>) target(%dma_start3A_64 : memref<16x256xf32, #tpu.memory_space<vmem>>) offsets(%dma_start3A_66 : memref<16xi32, #tpu.memory_space<vmem>>) semaphore(%dma_start3A_71 : memref<!tpu.dma_semaphore, #tpu.memory_space<semaphore_mem>>)
    %broadcast_in_dim3A_72 = arith.constant 1 : i32
    %broadcast_in_dim3A_73 = vector.broadcast %broadcast_in_dim3A_72 : i32 to vector<16xi32>
    %scan3A = arith.constant 0 : i32
    %scan3A_74 = arith.constant 16 : i32
    %scan3A_75 = arith.addi %scan3A, %scan3A_74 : i32
    %scan3A_76 = arith.constant 1 : i32
    %scan3A_77:2 = scf.for %scan3A_1700 = %scan3A to %scan3A_75 step %scan3A_76 iter_args(%scan3A_1701 = %broadcast_in_dim3A_73, %scan3A_1702 = %broadcast_in_dim3A_73) -> (vector<16xi32>, vector<16xi32>)  : i32 {
      %broadcast_in_dim3A_1703 = arith.constant 0 : i32
      %broadcast_in_dim3A_1704 = vector.broadcast %broadcast_in_dim3A_1703 : i32 to vector<16xi32>
      %add3A_1705 = vector.broadcast %scan3A_1700 : i32 to vector<16xi32>
      %add3A_1706 = arith.addi %broadcast_in_dim3A_1704, %add3A_1705 : vector<16xi32>
      %lt3A_1707 = arith.constant 0 : i32
      %lt3A_1708 = vector.broadcast %lt3A_1707 : i32 to vector<16xi32>
      %lt3A_1709 = arith.cmpi slt, %add3A_1706, %lt3A_1708 : vector<16xi32>
      %add3A_1710 = arith.constant 16 : i32
      %add3A_1711 = vector.broadcast %add3A_1710 : i32 to vector<16xi32>
      %add3A_1712 = arith.addi %add3A_1706, %add3A_1711 : vector<16xi32>
      %select_n3A_1713 = arith.select %lt3A_1709, %add3A_1712, %add3A_1706 : vector<16xi1>, vector<16xi32>
      %broadcast_in_dim3A_1714 = vector.shape_cast %select_n3A_1713 : vector<16xi32> to vector<16x1xi32>
      %gather3A_1715 = vector.shape_cast %broadcast_in_dim3A_1714 : vector<16x1xi32> to vector<16xi32>
      %gather3A_1716 = tpu.dynamic_gather %get3A_18[%gather3A_1715] in [0] : vector<16xi32>, vector<16xi32> -> vector<16xi32>
      %eq3A_1717 = arith.cmpi eq, %gather3A_1716, %iota3A : vector<16xi32>
      %jit3A_1718 = arith.constant 1 : i32
      %jit3A_1719 = arith.constant 0 : i32
      %broadcast_in_dim3A_1720 = vector.broadcast %jit3A_1718 : i32 to vector<16xi32>
      %broadcast_in_dim3A_1721 = vector.broadcast %jit3A_1719 : i32 to vector<16xi32>
      %select_n3A_1722 = arith.select %eq3A_1717, %broadcast_in_dim3A_1720, %broadcast_in_dim3A_1721 : vector<16xi1>, vector<16xi32>
      %add3A_1723 = arith.addi %scan3A_1701, %select_n3A_1722 : vector<16xi32>
      %add3A_1724 = arith.constant 16 : i32
      %add3A_1725 = vector.broadcast %add3A_1724 : i32 to vector<16xi32>
      %add3A_1726 = arith.addi %iota3A, %add3A_1725 : vector<16xi32>
      %eq3A_1727 = arith.cmpi eq, %gather3A_1716, %add3A_1726 : vector<16xi32>
      %jit3A_1728 = arith.constant 1 : i32
      %jit3A_1729 = arith.constant 0 : i32
      %broadcast_in_dim3A_1730 = vector.broadcast %jit3A_1728 : i32 to vector<16xi32>
      %broadcast_in_dim3A_1731 = vector.broadcast %jit3A_1729 : i32 to vector<16xi32>
      %select_n3A_1732 = arith.select %eq3A_1727, %broadcast_in_dim3A_1730, %broadcast_in_dim3A_1731 : vector<16xi1>, vector<16xi32>
      %add3A_1733 = arith.addi %scan3A_1702, %select_n3A_1732 : vector<16xi32>
      %lt3A_1734 = arith.constant 0 : i32
      %lt3A_1735 = vector.broadcast %lt3A_1734 : i32 to vector<16xi32>
      %lt3A_1736 = arith.cmpi slt, %add3A_1706, %lt3A_1735 : vector<16xi32>
      %add3A_1737 = arith.constant 16 : i32
      %add3A_1738 = vector.broadcast %add3A_1737 : i32 to vector<16xi32>
      %add3A_1739 = arith.addi %add3A_1706, %add3A_1738 : vector<16xi32>
      %select_n3A_1740 = arith.select %lt3A_1736, %add3A_1739, %add3A_1706 : vector<16xi1>, vector<16xi32>
      %broadcast_in_dim3A_1741 = vector.shape_cast %select_n3A_1740 : vector<16xi32> to vector<16x1xi32>
      %gather3A_1742 = vector.shape_cast %broadcast_in_dim3A_1741 : vector<16x1xi32> to vector<16xi32>
      %gather3A_1743 = tpu.dynamic_gather %get3A_21[%gather3A_1742] in [0] : vector<16xi32>, vector<16xi32> -> vector<16xi32>
      %eq3A_1744 = arith.cmpi eq, %gather3A_1743, %iota3A : vector<16xi32>
      %jit3A_1745 = arith.constant 1 : i32
      %jit3A_1746 = arith.constant 0 : i32
      %broadcast_in_dim3A_1747 = vector.broadcast %jit3A_1745 : i32 to vector<16xi32>
      %broadcast_in_dim3A_1748 = vector.broadcast %jit3A_1746 : i32 to vector<16xi32>
      %select_n3A_1749 = arith.select %eq3A_1744, %broadcast_in_dim3A_1747, %broadcast_in_dim3A_1748 : vector<16xi1>, vector<16xi32>
      %add3A_1750 = arith.addi %add3A_1723, %select_n3A_1749 : vector<16xi32>
      %add3A_1751 = arith.constant 16 : i32
      %add3A_1752 = vector.broadcast %add3A_1751 : i32 to vector<16xi32>
      %add3A_1753 = arith.addi %iota3A, %add3A_1752 : vector<16xi32>
      %eq3A_1754 = arith.cmpi eq, %gather3A_1743, %add3A_1753 : vector<16xi32>
      %jit3A_1755 = arith.constant 1 : i32
      %jit3A_1756 = arith.constant 0 : i32
      %broadcast_in_dim3A_1757 = vector.broadcast %jit3A_1755 : i32 to vector<16xi32>
      %broadcast_in_dim3A_1758 = vector.broadcast %jit3A_1756 : i32 to vector<16xi32>
      %select_n3A_1759 = arith.select %eq3A_1754, %broadcast_in_dim3A_1757, %broadcast_in_dim3A_1758 : vector<16xi1>, vector<16xi32>
      %add3A_1760 = arith.addi %add3A_1733, %select_n3A_1759 : vector<16xi32>
      %lt3A_1761 = arith.constant 0 : i32
      %lt3A_1762 = vector.broadcast %lt3A_1761 : i32 to vector<16xi32>
      %lt3A_1763 = arith.cmpi slt, %add3A_1706, %lt3A_1762 : vector<16xi32>
      %add3A_1764 = arith.constant 16 : i32
      %add3A_1765 = vector.broadcast %add3A_1764 : i32 to vector<16xi32>
      %add3A_1766 = arith.addi %add3A_1706, %add3A_1765 : vector<16xi32>
      %select_n3A_1767 = arith.select %lt3A_1763, %add3A_1766, %add3A_1706 : vector<16xi1>, vector<16xi32>
      %broadcast_in_dim3A_1768 = vector.shape_cast %select_n3A_1767 : vector<16xi32> to vector<16x1xi32>
      %gather3A_1769 = vector.shape_cast %broadcast_in_dim3A_1768 : vector<16x1xi32> to vector<16xi32>
      %gather3A_1770 = tpu.dynamic_gather %get3A_24[%gather3A_1769] in [0] : vector<16xi32>, vector<16xi32> -> vector<16xi32>
      %eq3A_1771 = arith.cmpi eq, %gather3A_1770, %iota3A : vector<16xi32>
      %jit3A_1772 = arith.constant 1 : i32
      %jit3A_1773 = arith.constant 0 : i32
      %broadcast_in_dim3A_1774 = vector.broadcast %jit3A_1772 : i32 to vector<16xi32>
      %broadcast_in_dim3A_1775 = vector.broadcast %jit3A_1773 : i32 to vector<16xi32>
      %select_n3A_1776 = arith.select %eq3A_1771, %broadcast_in_dim3A_1774, %broadcast_in_dim3A_1775 : vector<16xi1>, vector<16xi32>
      %add3A_1777 = arith.addi %add3A_1750, %select_n3A_1776 : vector<16xi32>
      %add3A_1778 = arith.constant 16 : i32
      %add3A_1779 = vector.broadcast %add3A_1778 : i32 to vector<16xi32>
      %add3A_1780 = arith.addi %iota3A, %add3A_1779 : vector<16xi32>
      %eq3A_1781 = arith.cmpi eq, %gather3A_1770, %add3A_1780 : vector<16xi32>
      %jit3A_1782 = arith.constant 1 : i32
      %jit3A_1783 = arith.constant 0 : i32
      %broadcast_in_dim3A_1784 = vector.broadcast %jit3A_1782 : i32 to vector<16xi32>
      %broadcast_in_dim3A_1785 = vector.broadcast %jit3A_1783 : i32 to vector<16xi32>
      %select_n3A_1786 = arith.select %eq3A_1781, %broadcast_in_dim3A_1784, %broadcast_in_dim3A_1785 : vector<16xi1>, vector<16xi32>
      %add3A_1787 = arith.addi %add3A_1760, %select_n3A_1786 : vector<16xi32>
      %lt3A_1788 = arith.constant 0 : i32
      %lt3A_1789 = vector.broadcast %lt3A_1788 : i32 to vector<16xi32>
      %lt3A_1790 = arith.cmpi slt, %add3A_1706, %lt3A_1789 : vector<16xi32>
      %add3A_1791 = arith.constant 16 : i32
      %add3A_1792 = vector.broadcast %add3A_1791 : i32 to vector<16xi32>
      %add3A_1793 = arith.addi %add3A_1706, %add3A_1792 : vector<16xi32>
      %select_n3A_1794 = arith.select %lt3A_1790, %add3A_1793, %add3A_1706 : vector<16xi1>, vector<16xi32>
      %broadcast_in_dim3A_1795 = vector.shape_cast %select_n3A_1794 : vector<16xi32> to vector<16x1xi32>
      %gather3A_1796 = vector.shape_cast %broadcast_in_dim3A_1795 : vector<16x1xi32> to vector<16xi32>
      %gather3A_1797 = tpu.dynamic_gather %get3A_27[%gather3A_1796] in [0] : vector<16xi32>, vector<16xi32> -> vector<16xi32>
      %eq3A_1798 = arith.cmpi eq, %gather3A_1797, %iota3A : vector<16xi32>
      %jit3A_1799 = arith.constant 1 : i32
      %jit3A_1800 = arith.constant 0 : i32
      %broadcast_in_dim3A_1801 = vector.broadcast %jit3A_1799 : i32 to vector<16xi32>
      %broadcast_in_dim3A_1802 = vector.broadcast %jit3A_1800 : i32 to vector<16xi32>
      %select_n3A_1803 = arith.select %eq3A_1798, %broadcast_in_dim3A_1801, %broadcast_in_dim3A_1802 : vector<16xi1>, vector<16xi32>
      %add3A_1804 = arith.addi %add3A_1777, %select_n3A_1803 : vector<16xi32>
      %add3A_1805 = arith.constant 16 : i32
      %add3A_1806 = vector.broadcast %add3A_1805 : i32 to vector<16xi32>
      %add3A_1807 = arith.addi %iota3A, %add3A_1806 : vector<16xi32>
      %eq3A_1808 = arith.cmpi eq, %gather3A_1797, %add3A_1807 : vector<16xi32>
      %jit3A_1809 = arith.constant 1 : i32
      %jit3A_1810 = arith.constant 0 : i32
      %broadcast_in_dim3A_1811 = vector.broadcast %jit3A_1809 : i32 to vector<16xi32>
      %broadcast_in_dim3A_1812 = vector.broadcast %jit3A_1810 : i32 to vector<16xi32>
      %select_n3A_1813 = arith.select %eq3A_1808, %broadcast_in_dim3A_1811, %broadcast_in_dim3A_1812 : vector<16xi1>, vector<16xi32>
      %add3A_1814 = arith.addi %add3A_1787, %select_n3A_1813 : vector<16xi32>
      scf.yield %add3A_1804, %add3A_1814 : vector<16xi32>, vector<16xi32>
    }
    %scan3A_78 = arith.constant 16 : i32
    %convert_element_type3A = arith.sitofp %scan3A_77#0 : vector<16xi32> to vector<16xf32>
    %lt3A = arith.constant 4.000000e+00 : f32
    %lt3A_79 = vector.broadcast %lt3A : f32 to vector<16xf32>
    %lt3A_80 = arith.cmpf olt, %convert_element_type3A, %lt3A_79 : vector<16xf32>
    %lt3A_81 = arith.constant 1.600000e+01 : f32
    %lt3A_82 = vector.broadcast %lt3A_81 : f32 to vector<16xf32>
    %lt3A_83 = arith.cmpf olt, %convert_element_type3A, %lt3A_82 : vector<16xf32>
    %lt3A_84 = arith.constant 6.400000e+01 : f32
    %lt3A_85 = vector.broadcast %lt3A_84 : f32 to vector<16xf32>
    %lt3A_86 = arith.cmpf olt, %convert_element_type3A, %lt3A_85 : vector<16xf32>
    %jit3A = arith.constant 1.800000e-01 : f32
    %jit3A_87 = arith.constant 9.000000e-02 : f32
    %broadcast_in_dim3A_88 = vector.broadcast %jit3A : f32 to vector<16xf32>
    %broadcast_in_dim3A_89 = vector.broadcast %jit3A_87 : f32 to vector<16xf32>
    %select_n3A = arith.select %lt3A_86, %broadcast_in_dim3A_88, %broadcast_in_dim3A_89 : vector<16xi1>, vector<16xf32>
    %jit3A_90 = arith.constant 3.500000e-01 : f32
    %broadcast_in_dim3A_91 = vector.broadcast %jit3A_90 : f32 to vector<16xf32>
    %select_n3A_92 = arith.select %lt3A_83, %broadcast_in_dim3A_91, %select_n3A : vector<16xi1>, vector<16xf32>
    %jit3A_93 = arith.constant 0.699999988 : f32
    %broadcast_in_dim3A_94 = vector.broadcast %jit3A_93 : f32 to vector<16xf32>
    %select_n3A_95 = arith.select %lt3A_80, %broadcast_in_dim3A_94, %select_n3A_92 : vector<16xi1>, vector<16xf32>
    %mul3A_96 = arith.constant 5.000000e-01 : f32
    %mul3A_97 = vector.broadcast %mul3A_96 : f32 to vector<16xf32>
    %mul3A_98 = arith.mulf %mul3A_97, %convert_element_type3A : vector<16xf32>
    %mul3A_99 = arith.mulf %mul3A_98, %select_n3A_95 : vector<16xf32>
    %mul3A_100 = arith.mulf %mul3A_99, %select_n3A_95 : vector<16xf32>
    %sub3A = arith.constant 1.500000e+00 : f32
    %sub3A_101 = vector.broadcast %sub3A : f32 to vector<16xf32>
    %sub3A_102 = arith.subf %sub3A_101, %mul3A_100 : vector<16xf32>
    %mul3A_103 = arith.mulf %select_n3A_95, %sub3A_102 : vector<16xf32>
    %mul3A_104 = arith.constant 5.000000e-01 : f32
    %mul3A_105 = vector.broadcast %mul3A_104 : f32 to vector<16xf32>
    %mul3A_106 = arith.mulf %mul3A_105, %convert_element_type3A : vector<16xf32>
    %mul3A_107 = arith.mulf %mul3A_106, %mul3A_103 : vector<16xf32>
    %mul3A_108 = arith.mulf %mul3A_107, %mul3A_103 : vector<16xf32>
    %sub3A_109 = arith.constant 1.500000e+00 : f32
    %sub3A_110 = vector.broadcast %sub3A_109 : f32 to vector<16xf32>
    %sub3A_111 = arith.subf %sub3A_110, %mul3A_108 : vector<16xf32>
    %mul3A_112 = arith.mulf %mul3A_103, %sub3A_111 : vector<16xf32>
    %mul3A_113 = arith.constant 5.000000e-01 : f32
    %mul3A_114 = vector.broadcast %mul3A_113 : f32 to vector<16xf32>
    %mul3A_115 = arith.mulf %mul3A_114, %convert_element_type3A : vector<16xf32>
    %mul3A_116 = arith.mulf %mul3A_115, %mul3A_112 : vector<16xf32>
    %mul3A_117 = arith.mulf %mul3A_116, %mul3A_112 : vector<16xf32>
    %sub3A_118 = arith.constant 1.500000e+00 : f32
    %sub3A_119 = vector.broadcast %sub3A_118 : f32 to vector<16xf32>
    %sub3A_120 = arith.subf %sub3A_119, %mul3A_117 : vector<16xf32>
    %mul3A_121 = arith.mulf %mul3A_112, %sub3A_120 : vector<16xf32>
    %mul3A_122 = arith.constant 5.000000e-01 : f32
    %mul3A_123 = vector.broadcast %mul3A_122 : f32 to vector<16xf32>
    %mul3A_124 = arith.mulf %mul3A_123, %convert_element_type3A : vector<16xf32>
    %mul3A_125 = arith.mulf %mul3A_124, %mul3A_121 : vector<16xf32>
    %mul3A_126 = arith.mulf %mul3A_125, %mul3A_121 : vector<16xf32>
    %sub3A_127 = arith.constant 1.500000e+00 : f32
    %sub3A_128 = vector.broadcast %sub3A_127 : f32 to vector<16xf32>
    %sub3A_129 = arith.subf %sub3A_128, %mul3A_126 : vector<16xf32>
    %mul3A_130 = arith.mulf %mul3A_121, %sub3A_129 : vector<16xf32>
    %mul3A_131 = arith.constant 5.000000e-01 : f32
    %mul3A_132 = vector.broadcast %mul3A_131 : f32 to vector<16xf32>
    %mul3A_133 = arith.mulf %mul3A_132, %convert_element_type3A : vector<16xf32>
    %mul3A_134 = arith.mulf %mul3A_133, %mul3A_130 : vector<16xf32>
    %mul3A_135 = arith.mulf %mul3A_134, %mul3A_130 : vector<16xf32>
    %sub3A_136 = arith.constant 1.500000e+00 : f32
    %sub3A_137 = vector.broadcast %sub3A_136 : f32 to vector<16xf32>
    %sub3A_138 = arith.subf %sub3A_137, %mul3A_135 : vector<16xf32>
    %mul3A_139 = arith.mulf %mul3A_130, %sub3A_138 : vector<16xf32>
    %convert_element_type3A_140 = arith.sitofp %scan3A_77#1 : vector<16xi32> to vector<16xf32>
    %lt3A_141 = arith.constant 4.000000e+00 : f32
    %lt3A_142 = vector.broadcast %lt3A_141 : f32 to vector<16xf32>
    %lt3A_143 = arith.cmpf olt, %convert_element_type3A_140, %lt3A_142 : vector<16xf32>
    %lt3A_144 = arith.constant 1.600000e+01 : f32
    %lt3A_145 = vector.broadcast %lt3A_144 : f32 to vector<16xf32>
    %lt3A_146 = arith.cmpf olt, %convert_element_type3A_140, %lt3A_145 : vector<16xf32>
    %lt3A_147 = arith.constant 6.400000e+01 : f32
    %lt3A_148 = vector.broadcast %lt3A_147 : f32 to vector<16xf32>
    %lt3A_149 = arith.cmpf olt, %convert_element_type3A_140, %lt3A_148 : vector<16xf32>
    %jit3A_150 = arith.constant 1.800000e-01 : f32
    %jit3A_151 = arith.constant 9.000000e-02 : f32
    %broadcast_in_dim3A_152 = vector.broadcast %jit3A_150 : f32 to vector<16xf32>
    %broadcast_in_dim3A_153 = vector.broadcast %jit3A_151 : f32 to vector<16xf32>
    %select_n3A_154 = arith.select %lt3A_149, %broadcast_in_dim3A_152, %broadcast_in_dim3A_153 : vector<16xi1>, vector<16xf32>
    %jit3A_155 = arith.constant 3.500000e-01 : f32
    %broadcast_in_dim3A_156 = vector.broadcast %jit3A_155 : f32 to vector<16xf32>
    %select_n3A_157 = arith.select %lt3A_146, %broadcast_in_dim3A_156, %select_n3A_154 : vector<16xi1>, vector<16xf32>
    %jit3A_158 = arith.constant 0.699999988 : f32
    %broadcast_in_dim3A_159 = vector.broadcast %jit3A_158 : f32 to vector<16xf32>
    %select_n3A_160 = arith.select %lt3A_143, %broadcast_in_dim3A_159, %select_n3A_157 : vector<16xi1>, vector<16xf32>
    %mul3A_161 = arith.constant 5.000000e-01 : f32
    %mul3A_162 = vector.broadcast %mul3A_161 : f32 to vector<16xf32>
    %mul3A_163 = arith.mulf %mul3A_162, %convert_element_type3A_140 : vector<16xf32>
    %mul3A_164 = arith.mulf %mul3A_163, %select_n3A_160 : vector<16xf32>
    %mul3A_165 = arith.mulf %mul3A_164, %select_n3A_160 : vector<16xf32>
    %sub3A_166 = arith.constant 1.500000e+00 : f32
    %sub3A_167 = vector.broadcast %sub3A_166 : f32 to vector<16xf32>
    %sub3A_168 = arith.subf %sub3A_167, %mul3A_165 : vector<16xf32>
    %mul3A_169 = arith.mulf %select_n3A_160, %sub3A_168 : vector<16xf32>
    %mul3A_170 = arith.constant 5.000000e-01 : f32
    %mul3A_171 = vector.broadcast %mul3A_170 : f32 to vector<16xf32>
    %mul3A_172 = arith.mulf %mul3A_171, %convert_element_type3A_140 : vector<16xf32>
    %mul3A_173 = arith.mulf %mul3A_172, %mul3A_169 : vector<16xf32>
    %mul3A_174 = arith.mulf %mul3A_173, %mul3A_169 : vector<16xf32>
    %sub3A_175 = arith.constant 1.500000e+00 : f32
    %sub3A_176 = vector.broadcast %sub3A_175 : f32 to vector<16xf32>
    %sub3A_177 = arith.subf %sub3A_176, %mul3A_174 : vector<16xf32>
    %mul3A_178 = arith.mulf %mul3A_169, %sub3A_177 : vector<16xf32>
    %mul3A_179 = arith.constant 5.000000e-01 : f32
    %mul3A_180 = vector.broadcast %mul3A_179 : f32 to vector<16xf32>
    %mul3A_181 = arith.mulf %mul3A_180, %convert_element_type3A_140 : vector<16xf32>
    %mul3A_182 = arith.mulf %mul3A_181, %mul3A_178 : vector<16xf32>
    %mul3A_183 = arith.mulf %mul3A_182, %mul3A_178 : vector<16xf32>
    %sub3A_184 = arith.constant 1.500000e+00 : f32
    %sub3A_185 = vector.broadcast %sub3A_184 : f32 to vector<16xf32>
    %sub3A_186 = arith.subf %sub3A_185, %mul3A_183 : vector<16xf32>
    %mul3A_187 = arith.mulf %mul3A_178, %sub3A_186 : vector<16xf32>
    %mul3A_188 = arith.constant 5.000000e-01 : f32
    %mul3A_189 = vector.broadcast %mul3A_188 : f32 to vector<16xf32>
    %mul3A_190 = arith.mulf %mul3A_189, %convert_element_type3A_140 : vector<16xf32>
    %mul3A_191 = arith.mulf %mul3A_190, %mul3A_187 : vector<16xf32>
    %mul3A_192 = arith.mulf %mul3A_191, %mul3A_187 : vector<16xf32>
    %sub3A_193 = arith.constant 1.500000e+00 : f32
    %sub3A_194 = vector.broadcast %sub3A_193 : f32 to vector<16xf32>
    %sub3A_195 = arith.subf %sub3A_194, %mul3A_192 : vector<16xf32>
    %mul3A_196 = arith.mulf %mul3A_187, %sub3A_195 : vector<16xf32>
    %mul3A_197 = arith.constant 5.000000e-01 : f32
    %mul3A_198 = vector.broadcast %mul3A_197 : f32 to vector<16xf32>
    %mul3A_199 = arith.mulf %mul3A_198, %convert_element_type3A_140 : vector<16xf32>
    %mul3A_200 = arith.mulf %mul3A_199, %mul3A_196 : vector<16xf32>
    %mul3A_201 = arith.mulf %mul3A_200, %mul3A_196 : vector<16xf32>
    %sub3A_202 = arith.constant 1.500000e+00 : f32
    %sub3A_203 = vector.broadcast %sub3A_202 : f32 to vector<16xf32>
    %sub3A_204 = arith.subf %sub3A_203, %mul3A_201 : vector<16xf32>
    %mul3A_205 = arith.mulf %mul3A_196, %sub3A_204 : vector<16xf32>
    %lt3A_206 = arith.constant 16 : i32
    %lt3A_207 = vector.broadcast %lt3A_206 : i32 to vector<16xi32>
    %lt3A_208 = arith.cmpi slt, %get3A_6, %lt3A_207 : vector<16xi32>
    %and3A = arith.constant 15 : i32
    %and3A_209 = vector.broadcast %and3A : i32 to vector<16xi32>
    %and3A_210 = arith.andi %get3A_6, %and3A_209 : vector<16xi32>
    %lt3A_211 = arith.constant 0 : i32
    %lt3A_212 = vector.broadcast %lt3A_211 : i32 to vector<16xi32>
    %lt3A_213 = arith.cmpi slt, %and3A_210, %lt3A_212 : vector<16xi32>
    %add3A = arith.constant 16 : i32
    %add3A_214 = vector.broadcast %add3A : i32 to vector<16xi32>
    %add3A_215 = arith.addi %and3A_210, %add3A_214 : vector<16xi32>
    %select_n3A_216 = arith.select %lt3A_213, %add3A_215, %and3A_210 : vector<16xi1>, vector<16xi32>
    %broadcast_in_dim3A_217 = vector.shape_cast %select_n3A_216 : vector<16xi32> to vector<16x1xi32>
    %gather3A = vector.shape_cast %broadcast_in_dim3A_217 : vector<16x1xi32> to vector<16xi32>
    %gather3A_218 = tpu.dynamic_gather %mul3A_139[%gather3A] in [0] : vector<16xf32>, vector<16xi32> -> vector<16xf32>
    %and3A_219 = arith.constant 15 : i32
    %and3A_220 = vector.broadcast %and3A_219 : i32 to vector<16xi32>
    %and3A_221 = arith.andi %get3A_6, %and3A_220 : vector<16xi32>
    %lt3A_222 = arith.constant 0 : i32
    %lt3A_223 = vector.broadcast %lt3A_222 : i32 to vector<16xi32>
    %lt3A_224 = arith.cmpi slt, %and3A_221, %lt3A_223 : vector<16xi32>
    %add3A_225 = arith.constant 16 : i32
    %add3A_226 = vector.broadcast %add3A_225 : i32 to vector<16xi32>
    %add3A_227 = arith.addi %and3A_221, %add3A_226 : vector<16xi32>
    %select_n3A_228 = arith.select %lt3A_224, %add3A_227, %and3A_221 : vector<16xi1>, vector<16xi32>
    %broadcast_in_dim3A_229 = vector.shape_cast %select_n3A_228 : vector<16xi32> to vector<16x1xi32>
    %gather3A_230 = vector.shape_cast %broadcast_in_dim3A_229 : vector<16x1xi32> to vector<16xi32>
    %gather3A_231 = tpu.dynamic_gather %mul3A_205[%gather3A_230] in [0] : vector<16xf32>, vector<16xi32> -> vector<16xf32>
    %select_n3A_232 = arith.select %lt3A_208, %gather3A_218, %gather3A_231 : vector<16xi1>, vector<16xf32>
    %mul3A_233 = arith.constant 2 : i32
    %mul3A_234 = arith.muli %mul3A_233, %arg1 : i32
    %eq3A = vector.broadcast %mul3A_234 : i32 to vector<16xi32>
    %eq3A_235 = arith.cmpi eq, %get3A_18, %eq3A : vector<16xi32>
    %select_n3A_236 = arith.select %eq3A_235, %select_n3A_232, %broadcast_in_dim3A_0 : vector<16xi1>, vector<16xf32>
    %mul3A_237 = arith.constant 2 : i32
    %mul3A_238 = arith.muli %mul3A_237, %arg1 : i32
    %add3A_239 = arith.constant 1 : i32
    %add3A_240 = arith.addi %mul3A_238, %add3A_239 : i32
    %eq3A_241 = vector.broadcast %add3A_240 : i32 to vector<16xi32>
    %eq3A_242 = arith.cmpi eq, %get3A_18, %eq3A_241 : vector<16xi32>
    %select_n3A_243 = arith.select %eq3A_242, %select_n3A_232, %broadcast_in_dim3A_0 : vector<16xi1>, vector<16xf32>
    %lt3A_244 = arith.constant 16 : i32
    %lt3A_245 = vector.broadcast %lt3A_244 : i32 to vector<16xi32>
    %lt3A_246 = arith.cmpi slt, %get3A_9, %lt3A_245 : vector<16xi32>
    %and3A_247 = arith.constant 15 : i32
    %and3A_248 = vector.broadcast %and3A_247 : i32 to vector<16xi32>
    %and3A_249 = arith.andi %get3A_9, %and3A_248 : vector<16xi32>
    %lt3A_250 = arith.constant 0 : i32
    %lt3A_251 = vector.broadcast %lt3A_250 : i32 to vector<16xi32>
    %lt3A_252 = arith.cmpi slt, %and3A_249, %lt3A_251 : vector<16xi32>
    %add3A_253 = arith.constant 16 : i32
    %add3A_254 = vector.broadcast %add3A_253 : i32 to vector<16xi32>
    %add3A_255 = arith.addi %and3A_249, %add3A_254 : vector<16xi32>
    %select_n3A_256 = arith.select %lt3A_252, %add3A_255, %and3A_249 : vector<16xi1>, vector<16xi32>
    %broadcast_in_dim3A_257 = vector.shape_cast %select_n3A_256 : vector<16xi32> to vector<16x1xi32>
    %gather3A_258 = vector.shape_cast %broadcast_in_dim3A_257 : vector<16x1xi32> to vector<16xi32>
    %gather3A_259 = tpu.dynamic_gather %mul3A_139[%gather3A_258] in [0] : vector<16xf32>, vector<16xi32> -> vector<16xf32>
    %and3A_260 = arith.constant 15 : i32
    %and3A_261 = vector.broadcast %and3A_260 : i32 to vector<16xi32>
    %and3A_262 = arith.andi %get3A_9, %and3A_261 : vector<16xi32>
    %lt3A_263 = arith.constant 0 : i32
    %lt3A_264 = vector.broadcast %lt3A_263 : i32 to vector<16xi32>
    %lt3A_265 = arith.cmpi slt, %and3A_262, %lt3A_264 : vector<16xi32>
    %add3A_266 = arith.constant 16 : i32
    %add3A_267 = vector.broadcast %add3A_266 : i32 to vector<16xi32>
    %add3A_268 = arith.addi %and3A_262, %add3A_267 : vector<16xi32>
    %select_n3A_269 = arith.select %lt3A_265, %add3A_268, %and3A_262 : vector<16xi1>, vector<16xi32>
    %broadcast_in_dim3A_270 = vector.shape_cast %select_n3A_269 : vector<16xi32> to vector<16x1xi32>
    %gather3A_271 = vector.shape_cast %broadcast_in_dim3A_270 : vector<16x1xi32> to vector<16xi32>
    %gather3A_272 = tpu.dynamic_gather %mul3A_205[%gather3A_271] in [0] : vector<16xf32>, vector<16xi32> -> vector<16xf32>
    %select_n3A_273 = arith.select %lt3A_246, %gather3A_259, %gather3A_272 : vector<16xi1>, vector<16xf32>
    %mul3A_274 = arith.constant 2 : i32
    %mul3A_275 = arith.muli %mul3A_274, %arg1 : i32
    %eq3A_276 = vector.broadcast %mul3A_275 : i32 to vector<16xi32>
    %eq3A_277 = arith.cmpi eq, %get3A_21, %eq3A_276 : vector<16xi32>
    %select_n3A_278 = arith.select %eq3A_277, %select_n3A_273, %broadcast_in_dim3A_0 : vector<16xi1>, vector<16xf32>
    %mul3A_279 = arith.constant 2 : i32
    %mul3A_280 = arith.muli %mul3A_279, %arg1 : i32
    %add3A_281 = arith.constant 1 : i32
    %add3A_282 = arith.addi %mul3A_280, %add3A_281 : i32
    %eq3A_283 = vector.broadcast %add3A_282 : i32 to vector<16xi32>
    %eq3A_284 = arith.cmpi eq, %get3A_21, %eq3A_283 : vector<16xi32>
    %select_n3A_285 = arith.select %eq3A_284, %select_n3A_273, %broadcast_in_dim3A_0 : vector<16xi1>, vector<16xf32>
    %lt3A_286 = arith.constant 16 : i32
    %lt3A_287 = vector.broadcast %lt3A_286 : i32 to vector<16xi32>
    %lt3A_288 = arith.cmpi slt, %get3A_12, %lt3A_287 : vector<16xi32>
    %and3A_289 = arith.constant 15 : i32
    %and3A_290 = vector.broadcast %and3A_289 : i32 to vector<16xi32>
    %and3A_291 = arith.andi %get3A_12, %and3A_290 : vector<16xi32>
    %lt3A_292 = arith.constant 0 : i32
    %lt3A_293 = vector.broadcast %lt3A_292 : i32 to vector<16xi32>
    %lt3A_294 = arith.cmpi slt, %and3A_291, %lt3A_293 : vector<16xi32>
    %add3A_295 = arith.constant 16 : i32
    %add3A_296 = vector.broadcast %add3A_295 : i32 to vector<16xi32>
    %add3A_297 = arith.addi %and3A_291, %add3A_296 : vector<16xi32>
    %select_n3A_298 = arith.select %lt3A_294, %add3A_297, %and3A_291 : vector<16xi1>, vector<16xi32>
    %broadcast_in_dim3A_299 = vector.shape_cast %select_n3A_298 : vector<16xi32> to vector<16x1xi32>
    %gather3A_300 = vector.shape_cast %broadcast_in_dim3A_299 : vector<16x1xi32> to vector<16xi32>
    %gather3A_301 = tpu.dynamic_gather %mul3A_139[%gather3A_300] in [0] : vector<16xf32>, vector<16xi32> -> vector<16xf32>
    %and3A_302 = arith.constant 15 : i32
    %and3A_303 = vector.broadcast %and3A_302 : i32 to vector<16xi32>
    %and3A_304 = arith.andi %get3A_12, %and3A_303 : vector<16xi32>
    %lt3A_305 = arith.constant 0 : i32
    %lt3A_306 = vector.broadcast %lt3A_305 : i32 to vector<16xi32>
    %lt3A_307 = arith.cmpi slt, %and3A_304, %lt3A_306 : vector<16xi32>
    %add3A_308 = arith.constant 16 : i32
    %add3A_309 = vector.broadcast %add3A_308 : i32 to vector<16xi32>
    %add3A_310 = arith.addi %and3A_304, %add3A_309 : vector<16xi32>
    %select_n3A_311 = arith.select %lt3A_307, %add3A_310, %and3A_304 : vector<16xi1>, vector<16xi32>
    %broadcast_in_dim3A_312 = vector.shape_cast %select_n3A_311 : vector<16xi32> to vector<16x1xi32>
    %gather3A_313 = vector.shape_cast %broadcast_in_dim3A_312 : vector<16x1xi32> to vector<16xi32>
    %gather3A_314 = tpu.dynamic_gather %mul3A_205[%gather3A_313] in [0] : vector<16xf32>, vector<16xi32> -> vector<16xf32>
    %select_n3A_315 = arith.select %lt3A_288, %gather3A_301, %gather3A_314 : vector<16xi1>, vector<16xf32>
    %mul3A_316 = arith.constant 2 : i32
    %mul3A_317 = arith.muli %mul3A_316, %arg1 : i32
    %eq3A_318 = vector.broadcast %mul3A_317 : i32 to vector<16xi32>
    %eq3A_319 = arith.cmpi eq, %get3A_24, %eq3A_318 : vector<16xi32>
    %select_n3A_320 = arith.select %eq3A_319, %select_n3A_315, %broadcast_in_dim3A_0 : vector<16xi1>, vector<16xf32>
    %mul3A_321 = arith.constant 2 : i32
    %mul3A_322 = arith.muli %mul3A_321, %arg1 : i32
    %add3A_323 = arith.constant 1 : i32
    %add3A_324 = arith.addi %mul3A_322, %add3A_323 : i32
    %eq3A_325 = vector.broadcast %add3A_324 : i32 to vector<16xi32>
    %eq3A_326 = arith.cmpi eq, %get3A_24, %eq3A_325 : vector<16xi32>
    %select_n3A_327 = arith.select %eq3A_326, %select_n3A_315, %broadcast_in_dim3A_0 : vector<16xi1>, vector<16xf32>
    %lt3A_328 = arith.constant 16 : i32
    %lt3A_329 = vector.broadcast %lt3A_328 : i32 to vector<16xi32>
    %lt3A_330 = arith.cmpi slt, %get3A_15, %lt3A_329 : vector<16xi32>
    %and3A_331 = arith.constant 15 : i32
    %and3A_332 = vector.broadcast %and3A_331 : i32 to vector<16xi32>
    %and3A_333 = arith.andi %get3A_15, %and3A_332 : vector<16xi32>
    %lt3A_334 = arith.constant 0 : i32
    %lt3A_335 = vector.broadcast %lt3A_334 : i32 to vector<16xi32>
    %lt3A_336 = arith.cmpi slt, %and3A_333, %lt3A_335 : vector<16xi32>
    %add3A_337 = arith.constant 16 : i32
    %add3A_338 = vector.broadcast %add3A_337 : i32 to vector<16xi32>
    %add3A_339 = arith.addi %and3A_333, %add3A_338 : vector<16xi32>
    %select_n3A_340 = arith.select %lt3A_336, %add3A_339, %and3A_333 : vector<16xi1>, vector<16xi32>
    %broadcast_in_dim3A_341 = vector.shape_cast %select_n3A_340 : vector<16xi32> to vector<16x1xi32>
    %gather3A_342 = vector.shape_cast %broadcast_in_dim3A_341 : vector<16x1xi32> to vector<16xi32>
    %gather3A_343 = tpu.dynamic_gather %mul3A_139[%gather3A_342] in [0] : vector<16xf32>, vector<16xi32> -> vector<16xf32>
    %and3A_344 = arith.constant 15 : i32
    %and3A_345 = vector.broadcast %and3A_344 : i32 to vector<16xi32>
    %and3A_346 = arith.andi %get3A_15, %and3A_345 : vector<16xi32>
    %lt3A_347 = arith.constant 0 : i32
    %lt3A_348 = vector.broadcast %lt3A_347 : i32 to vector<16xi32>
    %lt3A_349 = arith.cmpi slt, %and3A_346, %lt3A_348 : vector<16xi32>
    %add3A_350 = arith.constant 16 : i32
    %add3A_351 = vector.broadcast %add3A_350 : i32 to vector<16xi32>
    %add3A_352 = arith.addi %and3A_346, %add3A_351 : vector<16xi32>
    %select_n3A_353 = arith.select %lt3A_349, %add3A_352, %and3A_346 : vector<16xi1>, vector<16xi32>
    %broadcast_in_dim3A_354 = vector.shape_cast %select_n3A_353 : vector<16xi32> to vector<16x1xi32>
    %gather3A_355 = vector.shape_cast %broadcast_in_dim3A_354 : vector<16x1xi32> to vector<16xi32>
    %gather3A_356 = tpu.dynamic_gather %mul3A_205[%gather3A_355] in [0] : vector<16xf32>, vector<16xi32> -> vector<16xf32>
    %select_n3A_357 = arith.select %lt3A_330, %gather3A_343, %gather3A_356 : vector<16xi1>, vector<16xf32>
    %mul3A_358 = arith.constant 2 : i32
    %mul3A_359 = arith.muli %mul3A_358, %arg1 : i32
    %eq3A_360 = vector.broadcast %mul3A_359 : i32 to vector<16xi32>
    %eq3A_361 = arith.cmpi eq, %get3A_27, %eq3A_360 : vector<16xi32>
    %select_n3A_362 = arith.select %eq3A_361, %select_n3A_357, %broadcast_in_dim3A_0 : vector<16xi1>, vector<16xf32>
    %mul3A_363 = arith.constant 2 : i32
    %mul3A_364 = arith.muli %mul3A_363, %arg1 : i32
    %add3A_365 = arith.constant 1 : i32
    %add3A_366 = arith.addi %mul3A_364, %add3A_365 : i32
    %eq3A_367 = vector.broadcast %add3A_366 : i32 to vector<16xi32>
    %eq3A_368 = arith.cmpi eq, %get3A_27, %eq3A_367 : vector<16xi32>
    %select_n3A_369 = arith.select %eq3A_368, %select_n3A_357, %broadcast_in_dim3A_0 : vector<16xi1>, vector<16xf32>
    %dma_wait3A = arith.constant 0 : i32
    %dma_wait3A_370 = arith.constant 0 : i32
    %dma_wait3A_371 = arith.constant 0 : i32
    %dma_wait3A_372 = tpu.memref_slice %arg8[%dma_wait3A_370, %dma_wait3A_371] : memref<64x256xf32, #tpu.memory_space<vmem>> -> memref<16x256xf32, #tpu.memory_space<vmem>>
    %dma_wait3A_373 = arith.constant 0 : i32
    %dma_wait3A_374 = tpu.memref_slice %arg7[%dma_wait3A_373] : memref<128xi32, #tpu.memory_space<vmem>> -> memref<16xi32, #tpu.memory_space<vmem>>
    %dma_wait3A_375 = arith.constant 0 : i32
    %dma_wait3A_376 = arith.constant 0 : i32
    %dma_wait3A_377 = tpu.memref_slice %arg2[%dma_wait3A_375, %dma_wait3A_376] : memref<32x256xf32, #tpu.memory_space<hbm>> -> memref<32x256xf32, #tpu.memory_space<hbm>>
    %dma_wait3A_378 = tpu.memref_slice %arg17[%dma_wait3A] : memref<4x!tpu.dma_semaphore, #tpu.memory_space<semaphore_mem>> -> memref<1x!tpu.dma_semaphore, #tpu.memory_space<semaphore_mem>>
    %dma_wait3A_379 = tpu.memref_squeeze %dma_wait3A_378 : memref<1x!tpu.dma_semaphore, #tpu.memory_space<semaphore_mem>> -> memref<!tpu.dma_semaphore, #tpu.memory_space<semaphore_mem>>
    tpu.wait_indirect_dma semaphore(%dma_wait3A_379 : memref<!tpu.dma_semaphore, #tpu.memory_space<semaphore_mem>>) src(%dma_wait3A_377 : memref<32x256xf32, #tpu.memory_space<hbm>>) dst(%dma_wait3A_372 : memref<16x256xf32, #tpu.memory_space<vmem>>)
    %scan3A_380 = arith.constant 0 : i32
    %scan3A_381 = arith.constant 16 : i32
    %scan3A_382 = arith.addi %scan3A_380, %scan3A_381 : i32
    %scan3A_383 = arith.constant 1 : i32
    %scan3A_384:20 = scf.for %scan3A_1700 = %scan3A_380 to %scan3A_382 step %scan3A_383 iter_args(%scan3A_1701 = %broadcast_in_dim3A_0, %scan3A_1702 = %broadcast_in_dim3A_0, %scan3A_1703 = %broadcast_in_dim3A_0, %scan3A_1704 = %broadcast_in_dim3A_0, %scan3A_1705 = %broadcast_in_dim3A_0, %scan3A_1706 = %broadcast_in_dim3A_0, %scan3A_1707 = %broadcast_in_dim3A_0, %scan3A_1708 = %broadcast_in_dim3A_0, %scan3A_1709 = %broadcast_in_dim3A_0, %scan3A_1710 = %broadcast_in_dim3A_0, %scan3A_1711 = %broadcast_in_dim3A_0, %scan3A_1712 = %broadcast_in_dim3A_0, %scan3A_1713 = %broadcast_in_dim3A_0, %scan3A_1714 = %broadcast_in_dim3A_0, %scan3A_1715 = %broadcast_in_dim3A_0, %scan3A_1716 = %broadcast_in_dim3A_0, %scan3A_1717 = %broadcast_in_dim3A_0, %scan3A_1718 = %broadcast_in_dim3A_0, %scan3A_1719 = %broadcast_in_dim3A_0, %scan3A_1720 = %broadcast_in_dim3A_0) -> (vector<16xf32>, vector<16xf32>, vector<16xf32>, vector<16xf32>, vector<16xf32>, vector<16xf32>, vector<16xf32>, vector<16xf32>, vector<16xf32>, vector<16xf32>, vector<16xf32>, vector<16xf32>, vector<16xf32>, vector<16xf32>, vector<16xf32>, vector<16xf32>, vector<16xf32>, vector<16xf32>, vector<16xf32>, vector<16xf32>)  : i32 {
      %broadcast_in_dim3A_1721 = arith.constant 0 : i32
      %broadcast_in_dim3A_1722 = vector.broadcast %broadcast_in_dim3A_1721 : i32 to vector<16xi32>
      %add3A_1723 = vector.broadcast %scan3A_1700 : i32 to vector<16xi32>
      %add3A_1724 = arith.addi %broadcast_in_dim3A_1722, %add3A_1723 : vector<16xi32>
      %lt3A_1725 = arith.constant 0 : i32
      %lt3A_1726 = vector.broadcast %lt3A_1725 : i32 to vector<16xi32>
      %lt3A_1727 = arith.cmpi slt, %add3A_1724, %lt3A_1726 : vector<16xi32>
      %add3A_1728 = arith.constant 16 : i32
      %add3A_1729 = vector.broadcast %add3A_1728 : i32 to vector<16xi32>
      %add3A_1730 = arith.addi %add3A_1724, %add3A_1729 : vector<16xi32>
      %select_n3A_1731 = arith.select %lt3A_1727, %add3A_1730, %add3A_1724 : vector<16xi1>, vector<16xi32>
      %broadcast_in_dim3A_1732 = vector.shape_cast %select_n3A_1731 : vector<16xi32> to vector<16x1xi32>
      %gather3A_1733 = vector.shape_cast %broadcast_in_dim3A_1732 : vector<16x1xi32> to vector<16xi32>
      %gather3A_1734 = tpu.dynamic_gather %select_n3A_236[%gather3A_1733] in [0] : vector<16xf32>, vector<16xi32> -> vector<16xf32>
      %lt3A_1735 = arith.constant 0 : i32
      %lt3A_1736 = vector.broadcast %lt3A_1735 : i32 to vector<16xi32>
      %lt3A_1737 = arith.cmpi slt, %add3A_1724, %lt3A_1736 : vector<16xi32>
      %add3A_1738 = arith.constant 16 : i32
      %add3A_1739 = vector.broadcast %add3A_1738 : i32 to vector<16xi32>
      %add3A_1740 = arith.addi %add3A_1724, %add3A_1739 : vector<16xi32>
      %select_n3A_1741 = arith.select %lt3A_1737, %add3A_1740, %add3A_1724 : vector<16xi1>, vector<16xi32>
      %broadcast_in_dim3A_1742 = vector.shape_cast %select_n3A_1741 : vector<16xi32> to vector<16x1xi32>
      %gather3A_1743 = vector.shape_cast %broadcast_in_dim3A_1742 : vector<16x1xi32> to vector<16xi32>
      %gather3A_1744 = tpu.dynamic_gather %select_n3A_243[%gather3A_1743] in [0] : vector<16xf32>, vector<16xi32> -> vector<16xf32>
      %add3A_1745 = arith.constant 0 : i32
      %add3A_1746 = arith.addi %add3A_1745, %scan3A_1700 : i32
      %get3A_1747 = arith.index_cast %add3A_1746 : i32 to index
      %get3A_1748 = arith.constant 0 : index
      %get3A_1749 = tpu.vector_load %arg8[%get3A_1747, %get3A_1748] {strides = array<i32>} : memref<64x256xf32, #tpu.memory_space<vmem>>, vector<1x16xf32>,
      %get3A_1750 = vector.shape_cast %get3A_1749 : vector<1x16xf32> to vector<16xf32>
      %mul3A_1751 = arith.mulf %gather3A_1734, %get3A_1750 : vector<16xf32>
      %add3A_1752 = arith.addf %scan3A_1701, %mul3A_1751 : vector<16xf32>
      %mul3A_1753 = arith.mulf %gather3A_1744, %get3A_1750 : vector<16xf32>
      %add3A_1754 = arith.addf %scan3A_1711, %mul3A_1753 : vector<16xf32>
      %add3A_1755 = arith.constant 0 : i32
      %add3A_1756 = arith.addi %add3A_1755, %scan3A_1700 : i32
      %get3A_1757 = arith.index_cast %add3A_1756 : i32 to index
      %get3A_1758 = arith.constant 16 : index
      %get3A_1759 = tpu.vector_load %arg8[%get3A_1757, %get3A_1758] {strides = array<i32>} : memref<64x256xf32, #tpu.memory_space<vmem>>, vector<1x16xf32>,
      %get3A_1760 = vector.shape_cast %get3A_1759 : vector<1x16xf32> to vector<16xf32>
      %mul3A_1761 = arith.mulf %gather3A_1734, %get3A_1760 : vector<16xf32>
      %add3A_1762 = arith.addf %scan3A_1702, %mul3A_1761 : vector<16xf32>
      %mul3A_1763 = arith.mulf %gather3A_1744, %get3A_1760 : vector<16xf32>
      %add3A_1764 = arith.addf %scan3A_1712, %mul3A_1763 : vector<16xf32>
      %add3A_1765 = arith.constant 0 : i32
      %add3A_1766 = arith.addi %add3A_1765, %scan3A_1700 : i32
      %get3A_1767 = arith.index_cast %add3A_1766 : i32 to index
      %get3A_1768 = arith.constant 32 : index
      %get3A_1769 = tpu.vector_load %arg8[%get3A_1767, %get3A_1768] {strides = array<i32>} : memref<64x256xf32, #tpu.memory_space<vmem>>, vector<1x16xf32>,
      %get3A_1770 = vector.shape_cast %get3A_1769 : vector<1x16xf32> to vector<16xf32>
      %mul3A_1771 = arith.mulf %gather3A_1734, %get3A_1770 : vector<16xf32>
      %add3A_1772 = arith.addf %scan3A_1703, %mul3A_1771 : vector<16xf32>
      %mul3A_1773 = arith.mulf %gather3A_1744, %get3A_1770 : vector<16xf32>
      %add3A_1774 = arith.addf %scan3A_1713, %mul3A_1773 : vector<16xf32>
      %add3A_1775 = arith.constant 0 : i32
      %add3A_1776 = arith.addi %add3A_1775, %scan3A_1700 : i32
      %get3A_1777 = arith.index_cast %add3A_1776 : i32 to index
      %get3A_1778 = arith.constant 48 : index
      %get3A_1779 = tpu.vector_load %arg8[%get3A_1777, %get3A_1778] {strides = array<i32>} : memref<64x256xf32, #tpu.memory_space<vmem>>, vector<1x16xf32>,
      %get3A_1780 = vector.shape_cast %get3A_1779 : vector<1x16xf32> to vector<16xf32>
      %mul3A_1781 = arith.mulf %gather3A_1734, %get3A_1780 : vector<16xf32>
      %add3A_1782 = arith.addf %scan3A_1704, %mul3A_1781 : vector<16xf32>
      %mul3A_1783 = arith.mulf %gather3A_1744, %get3A_1780 : vector<16xf32>
      %add3A_1784 = arith.addf %scan3A_1714, %mul3A_1783 : vector<16xf32>
      %add3A_1785 = arith.constant 0 : i32
      %add3A_1786 = arith.addi %add3A_1785, %scan3A_1700 : i32
      %get3A_1787 = arith.index_cast %add3A_1786 : i32 to index
      %get3A_1788 = arith.constant 64 : index
      %get3A_1789 = tpu.vector_load %arg8[%get3A_1787, %get3A_1788] {strides = array<i32>} : memref<64x256xf32, #tpu.memory_space<vmem>>, vector<1x16xf32>,
      %get3A_1790 = vector.shape_cast %get3A_1789 : vector<1x16xf32> to vector<16xf32>
      %mul3A_1791 = arith.mulf %gather3A_1734, %get3A_1790 : vector<16xf32>
      %add3A_1792 = arith.addf %scan3A_1705, %mul3A_1791 : vector<16xf32>
      %mul3A_1793 = arith.mulf %gather3A_1744, %get3A_1790 : vector<16xf32>
      %add3A_1794 = arith.addf %scan3A_1715, %mul3A_1793 : vector<16xf32>
      %add3A_1795 = arith.constant 0 : i32
      %add3A_1796 = arith.addi %add3A_1795, %scan3A_1700 : i32
      %get3A_1797 = arith.index_cast %add3A_1796 : i32 to index
      %get3A_1798 = arith.constant 80 : index
      %get3A_1799 = tpu.vector_load %arg8[%get3A_1797, %get3A_1798] {strides = array<i32>} : memref<64x256xf32, #tpu.memory_space<vmem>>, vector<1x16xf32>,
      %get3A_1800 = vector.shape_cast %get3A_1799 : vector<1x16xf32> to vector<16xf32>
      %mul3A_1801 = arith.mulf %gather3A_1734, %get3A_1800 : vector<16xf32>
      %add3A_1802 = arith.addf %scan3A_1706, %mul3A_1801 : vector<16xf32>
      %mul3A_1803 = arith.mulf %gather3A_1744, %get3A_1800 : vector<16xf32>
      %add3A_1804 = arith.addf %scan3A_1716, %mul3A_1803 : vector<16xf32>
      %add3A_1805 = arith.constant 0 : i32
      %add3A_1806 = arith.addi %add3A_1805, %scan3A_1700 : i32
      %get3A_1807 = arith.index_cast %add3A_1806 : i32 to index
      %get3A_1808 = arith.constant 96 : index
      %get3A_1809 = tpu.vector_load %arg8[%get3A_1807, %get3A_1808] {strides = array<i32>} : memref<64x256xf32, #tpu.memory_space<vmem>>, vector<1x16xf32>,
      %get3A_1810 = vector.shape_cast %get3A_1809 : vector<1x16xf32> to vector<16xf32>
      %mul3A_1811 = arith.mulf %gather3A_1734, %get3A_1810 : vector<16xf32>
      %add3A_1812 = arith.addf %scan3A_1707, %mul3A_1811 : vector<16xf32>
      %mul3A_1813 = arith.mulf %gather3A_1744, %get3A_1810 : vector<16xf32>
      %add3A_1814 = arith.addf %scan3A_1717, %mul3A_1813 : vector<16xf32>
      %add3A_1815 = arith.constant 0 : i32
      %add3A_1816 = arith.addi %add3A_1815, %scan3A_1700 : i32
      %get3A_1817 = arith.index_cast %add3A_1816 : i32 to index
      %get3A_1818 = arith.constant 112 : index
      %get3A_1819 = tpu.vector_load %arg8[%get3A_1817, %get3A_1818] {strides = array<i32>} : memref<64x256xf32, #tpu.memory_space<vmem>>, vector<1x16xf32>,
      %get3A_1820 = vector.shape_cast %get3A_1819 : vector<1x16xf32> to vector<16xf32>
      %mul3A_1821 = arith.mulf %gather3A_1734, %get3A_1820 : vector<16xf32>
      %add3A_1822 = arith.addf %scan3A_1708, %mul3A_1821 : vector<16xf32>
      %mul3A_1823 = arith.mulf %gather3A_1744, %get3A_1820 : vector<16xf32>
      %add3A_1824 = arith.addf %scan3A_1718, %mul3A_1823 : vector<16xf32>
      %add3A_1825 = arith.constant 0 : i32
      %add3A_1826 = arith.addi %add3A_1825, %scan3A_1700 : i32
      %get3A_1827 = arith.index_cast %add3A_1826 : i32 to index
      %get3A_1828 = arith.constant 128 : index
      %get3A_1829 = tpu.vector_load %arg8[%get3A_1827, %get3A_1828] {strides = array<i32>} : memref<64x256xf32, #tpu.memory_space<vmem>>, vector<1x16xf32>,
      %get3A_1830 = vector.shape_cast %get3A_1829 : vector<1x16xf32> to vector<16xf32>
      %mul3A_1831 = arith.mulf %gather3A_1734, %get3A_1830 : vector<16xf32>
      %add3A_1832 = arith.addf %scan3A_1709, %mul3A_1831 : vector<16xf32>
      %mul3A_1833 = arith.mulf %gather3A_1744, %get3A_1830 : vector<16xf32>
      %add3A_1834 = arith.addf %scan3A_1719, %mul3A_1833 : vector<16xf32>
      %add3A_1835 = arith.constant 0 : i32
      %add3A_1836 = arith.addi %add3A_1835, %scan3A_1700 : i32
      %get3A_1837 = arith.index_cast %add3A_1836 : i32 to index
      %get3A_1838 = arith.constant 144 : index
      %get3A_1839 = tpu.vector_load %arg8[%get3A_1837, %get3A_1838] {strides = array<i32>} : memref<64x256xf32, #tpu.memory_space<vmem>>, vector<1x16xf32>,
      %get3A_1840 = vector.shape_cast %get3A_1839 : vector<1x16xf32> to vector<16xf32>
      %mul3A_1841 = arith.mulf %gather3A_1734, %get3A_1840 : vector<16xf32>
      %add3A_1842 = arith.addf %scan3A_1710, %mul3A_1841 : vector<16xf32>
      %mul3A_1843 = arith.mulf %gather3A_1744, %get3A_1840 : vector<16xf32>
      %add3A_1844 = arith.addf %scan3A_1720, %mul3A_1843 : vector<16xf32>
      scf.yield %add3A_1752, %add3A_1762, %add3A_1772, %add3A_1782, %add3A_1792, %add3A_1802, %add3A_1812, %add3A_1822, %add3A_1832, %add3A_1842, %add3A_1754, %add3A_1764, %add3A_1774, %add3A_1784, %add3A_1794, %add3A_1804, %add3A_1814, %add3A_1824, %add3A_1834, %add3A_1844 : vector<16xf32>, vector<16xf32>, vector<16xf32>, vector<16xf32>, vector<16xf32>, vector<16xf32>, vector<16xf32>, vector<16xf32>, vector<16xf32>, vector<16xf32>, vector<16xf32>, vector<16xf32>, vector<16xf32>, vector<16xf32>, vector<16xf32>, vector<16xf32>, vector<16xf32>, vector<16xf32>, vector<16xf32>, vector<16xf32>
    }
    %scan3A_385 = arith.constant 16 : i32
    %dma_wait3A_386 = arith.constant 1 : i32
    %dma_wait3A_387 = arith.constant 16 : i32
    %dma_wait3A_388 = arith.constant 0 : i32
    %dma_wait3A_389 = tpu.memref_slice %arg8[%dma_wait3A_387, %dma_wait3A_388] : memref<64x256xf32, #tpu.memory_space<vmem>> -> memref<16x256xf32, #tpu.memory_space<vmem>>
    %dma_wait3A_390 = arith.constant 16 : i32
    %dma_wait3A_391 = tpu.memref_slice %arg7[%dma_wait3A_390] : memref<128xi32, #tpu.memory_space<vmem>> -> memref<16xi32, #tpu.memory_space<vmem>>
    %dma_wait3A_392 = arith.constant 0 : i32
    %dma_wait3A_393 = arith.constant 0 : i32
    %dma_wait3A_394 = tpu.memref_slice %arg2[%dma_wait3A_392, %dma_wait3A_393] : memref<32x256xf32, #tpu.memory_space<hbm>> -> memref<32x256xf32, #tpu.memory_space<hbm>>
    %dma_wait3A_395 = tpu.memref_slice %arg17[%dma_wait3A_386] : memref<4x!tpu.dma_semaphore, #tpu.memory_space<semaphore_mem>> -> memref<1x!tpu.dma_semaphore, #tpu.memory_space<semaphore_mem>>
    %dma_wait3A_396 = tpu.memref_squeeze %dma_wait3A_395 : memref<1x!tpu.dma_semaphore, #tpu.memory_space<semaphore_mem>> -> memref<!tpu.dma_semaphore, #tpu.memory_space<semaphore_mem>>
    tpu.wait_indirect_dma semaphore(%dma_wait3A_396 : memref<!tpu.dma_semaphore, #tpu.memory_space<semaphore_mem>>) src(%dma_wait3A_394 : memref<32x256xf32, #tpu.memory_space<hbm>>) dst(%dma_wait3A_389 : memref<16x256xf32, #tpu.memory_space<vmem>>)
    %scan3A_397 = arith.constant 0 : i32
    %scan3A_398 = arith.constant 16 : i32
    %scan3A_399 = arith.addi %scan3A_397, %scan3A_398 : i32
    %scan3A_400 = arith.constant 1 : i32
    %scan3A_401:20 = scf.for %scan3A_1700 = %scan3A_397 to %scan3A_399 step %scan3A_400 iter_args(%scan3A_1701 = %scan3A_384#0, %scan3A_1702 = %scan3A_384#1, %scan3A_1703 = %scan3A_384#2, %scan3A_1704 = %scan3A_384#3, %scan3A_1705 = %scan3A_384#4, %scan3A_1706 = %scan3A_384#5, %scan3A_1707 = %scan3A_384#6, %scan3A_1708 = %scan3A_384#7, %scan3A_1709 = %scan3A_384#8, %scan3A_1710 = %scan3A_384#9, %scan3A_1711 = %scan3A_384#10, %scan3A_1712 = %scan3A_384#11, %scan3A_1713 = %scan3A_384#12, %scan3A_1714 = %scan3A_384#13, %scan3A_1715 = %scan3A_384#14, %scan3A_1716 = %scan3A_384#15, %scan3A_1717 = %scan3A_384#16, %scan3A_1718 = %scan3A_384#17, %scan3A_1719 = %scan3A_384#18, %scan3A_1720 = %scan3A_384#19) -> (vector<16xf32>, vector<16xf32>, vector<16xf32>, vector<16xf32>, vector<16xf32>, vector<16xf32>, vector<16xf32>, vector<16xf32>, vector<16xf32>, vector<16xf32>, vector<16xf32>, vector<16xf32>, vector<16xf32>, vector<16xf32>, vector<16xf32>, vector<16xf32>, vector<16xf32>, vector<16xf32>, vector<16xf32>, vector<16xf32>)  : i32 {
      %broadcast_in_dim3A_1721 = arith.constant 0 : i32
      %broadcast_in_dim3A_1722 = vector.broadcast %broadcast_in_dim3A_1721 : i32 to vector<16xi32>
      %add3A_1723 = vector.broadcast %scan3A_1700 : i32 to vector<16xi32>
      %add3A_1724 = arith.addi %broadcast_in_dim3A_1722, %add3A_1723 : vector<16xi32>
      %lt3A_1725 = arith.constant 0 : i32
      %lt3A_1726 = vector.broadcast %lt3A_1725 : i32 to vector<16xi32>
      %lt3A_1727 = arith.cmpi slt, %add3A_1724, %lt3A_1726 : vector<16xi32>
      %add3A_1728 = arith.constant 16 : i32
      %add3A_1729 = vector.broadcast %add3A_1728 : i32 to vector<16xi32>
      %add3A_1730 = arith.addi %add3A_1724, %add3A_1729 : vector<16xi32>
      %select_n3A_1731 = arith.select %lt3A_1727, %add3A_1730, %add3A_1724 : vector<16xi1>, vector<16xi32>
      %broadcast_in_dim3A_1732 = vector.shape_cast %select_n3A_1731 : vector<16xi32> to vector<16x1xi32>
      %gather3A_1733 = vector.shape_cast %broadcast_in_dim3A_1732 : vector<16x1xi32> to vector<16xi32>
      %gather3A_1734 = tpu.dynamic_gather %select_n3A_278[%gather3A_1733] in [0] : vector<16xf32>, vector<16xi32> -> vector<16xf32>
      %lt3A_1735 = arith.constant 0 : i32
      %lt3A_1736 = vector.broadcast %lt3A_1735 : i32 to vector<16xi32>
      %lt3A_1737 = arith.cmpi slt, %add3A_1724, %lt3A_1736 : vector<16xi32>
      %add3A_1738 = arith.constant 16 : i32
      %add3A_1739 = vector.broadcast %add3A_1738 : i32 to vector<16xi32>
      %add3A_1740 = arith.addi %add3A_1724, %add3A_1739 : vector<16xi32>
      %select_n3A_1741 = arith.select %lt3A_1737, %add3A_1740, %add3A_1724 : vector<16xi1>, vector<16xi32>
      %broadcast_in_dim3A_1742 = vector.shape_cast %select_n3A_1741 : vector<16xi32> to vector<16x1xi32>
      %gather3A_1743 = vector.shape_cast %broadcast_in_dim3A_1742 : vector<16x1xi32> to vector<16xi32>
      %gather3A_1744 = tpu.dynamic_gather %select_n3A_285[%gather3A_1743] in [0] : vector<16xf32>, vector<16xi32> -> vector<16xf32>
      %add3A_1745 = arith.constant 16 : i32
      %add3A_1746 = arith.addi %add3A_1745, %scan3A_1700 : i32
      %get3A_1747 = arith.index_cast %add3A_1746 : i32 to index
      %get3A_1748 = arith.constant 0 : index
      %get3A_1749 = tpu.vector_load %arg8[%get3A_1747, %get3A_1748] {strides = array<i32>} : memref<64x256xf32, #tpu.memory_space<vmem>>, vector<1x16xf32>,
      %get3A_1750 = vector.shape_cast %get3A_1749 : vector<1x16xf32> to vector<16xf32>
      %mul3A_1751 = arith.mulf %gather3A_1734, %get3A_1750 : vector<16xf32>
      %add3A_1752 = arith.addf %scan3A_1701, %mul3A_1751 : vector<16xf32>
      %mul3A_1753 = arith.mulf %gather3A_1744, %get3A_1750 : vector<16xf32>
      %add3A_1754 = arith.addf %scan3A_1711, %mul3A_1753 : vector<16xf32>
      %add3A_1755 = arith.constant 16 : i32
      %add3A_1756 = arith.addi %add3A_1755, %scan3A_1700 : i32
      %get3A_1757 = arith.index_cast %add3A_1756 : i32 to index
      %get3A_1758 = arith.constant 16 : index
      %get3A_1759 = tpu.vector_load %arg8[%get3A_1757, %get3A_1758] {strides = array<i32>} : memref<64x256xf32, #tpu.memory_space<vmem>>, vector<1x16xf32>,
      %get3A_1760 = vector.shape_cast %get3A_1759 : vector<1x16xf32> to vector<16xf32>
      %mul3A_1761 = arith.mulf %gather3A_1734, %get3A_1760 : vector<16xf32>
      %add3A_1762 = arith.addf %scan3A_1702, %mul3A_1761 : vector<16xf32>
      %mul3A_1763 = arith.mulf %gather3A_1744, %get3A_1760 : vector<16xf32>
      %add3A_1764 = arith.addf %scan3A_1712, %mul3A_1763 : vector<16xf32>
      %add3A_1765 = arith.constant 16 : i32
      %add3A_1766 = arith.addi %add3A_1765, %scan3A_1700 : i32
      %get3A_1767 = arith.index_cast %add3A_1766 : i32 to index
      %get3A_1768 = arith.constant 32 : index
      %get3A_1769 = tpu.vector_load %arg8[%get3A_1767, %get3A_1768] {strides = array<i32>} : memref<64x256xf32, #tpu.memory_space<vmem>>, vector<1x16xf32>,
      %get3A_1770 = vector.shape_cast %get3A_1769 : vector<1x16xf32> to vector<16xf32>
      %mul3A_1771 = arith.mulf %gather3A_1734, %get3A_1770 : vector<16xf32>
      %add3A_1772 = arith.addf %scan3A_1703, %mul3A_1771 : vector<16xf32>
      %mul3A_1773 = arith.mulf %gather3A_1744, %get3A_1770 : vector<16xf32>
      %add3A_1774 = arith.addf %scan3A_1713, %mul3A_1773 : vector<16xf32>
      %add3A_1775 = arith.constant 16 : i32
      %add3A_1776 = arith.addi %add3A_1775, %scan3A_1700 : i32
      %get3A_1777 = arith.index_cast %add3A_1776 : i32 to index
      %get3A_1778 = arith.constant 48 : index
      %get3A_1779 = tpu.vector_load %arg8[%get3A_1777, %get3A_1778] {strides = array<i32>} : memref<64x256xf32, #tpu.memory_space<vmem>>, vector<1x16xf32>,
      %get3A_1780 = vector.shape_cast %get3A_1779 : vector<1x16xf32> to vector<16xf32>
      %mul3A_1781 = arith.mulf %gather3A_1734, %get3A_1780 : vector<16xf32>
      %add3A_1782 = arith.addf %scan3A_1704, %mul3A_1781 : vector<16xf32>
      %mul3A_1783 = arith.mulf %gather3A_1744, %get3A_1780 : vector<16xf32>
      %add3A_1784 = arith.addf %scan3A_1714, %mul3A_1783 : vector<16xf32>
      %add3A_1785 = arith.constant 16 : i32
      %add3A_1786 = arith.addi %add3A_1785, %scan3A_1700 : i32
      %get3A_1787 = arith.index_cast %add3A_1786 : i32 to index
      %get3A_1788 = arith.constant 64 : index
      %get3A_1789 = tpu.vector_load %arg8[%get3A_1787, %get3A_1788] {strides = array<i32>} : memref<64x256xf32, #tpu.memory_space<vmem>>, vector<1x16xf32>,
      %get3A_1790 = vector.shape_cast %get3A_1789 : vector<1x16xf32> to vector<16xf32>
      %mul3A_1791 = arith.mulf %gather3A_1734, %get3A_1790 : vector<16xf32>
      %add3A_1792 = arith.addf %scan3A_1705, %mul3A_1791 : vector<16xf32>
      %mul3A_1793 = arith.mulf %gather3A_1744, %get3A_1790 : vector<16xf32>
      %add3A_1794 = arith.addf %scan3A_1715, %mul3A_1793 : vector<16xf32>
      %add3A_1795 = arith.constant 16 : i32
      %add3A_1796 = arith.addi %add3A_1795, %scan3A_1700 : i32
      %get3A_1797 = arith.index_cast %add3A_1796 : i32 to index
      %get3A_1798 = arith.constant 80 : index
      %get3A_1799 = tpu.vector_load %arg8[%get3A_1797, %get3A_1798] {strides = array<i32>} : memref<64x256xf32, #tpu.memory_space<vmem>>, vector<1x16xf32>,
      %get3A_1800 = vector.shape_cast %get3A_1799 : vector<1x16xf32> to vector<16xf32>
      %mul3A_1801 = arith.mulf %gather3A_1734, %get3A_1800 : vector<16xf32>
      %add3A_1802 = arith.addf %scan3A_1706, %mul3A_1801 : vector<16xf32>
      %mul3A_1803 = arith.mulf %gather3A_1744, %get3A_1800 : vector<16xf32>
      %add3A_1804 = arith.addf %scan3A_1716, %mul3A_1803 : vector<16xf32>
      %add3A_1805 = arith.constant 16 : i32
      %add3A_1806 = arith.addi %add3A_1805, %scan3A_1700 : i32
      %get3A_1807 = arith.index_cast %add3A_1806 : i32 to index
      %get3A_1808 = arith.constant 96 : index
      %get3A_1809 = tpu.vector_load %arg8[%get3A_1807, %get3A_1808] {strides = array<i32>} : memref<64x256xf32, #tpu.memory_space<vmem>>, vector<1x16xf32>,
      %get3A_1810 = vector.shape_cast %get3A_1809 : vector<1x16xf32> to vector<16xf32>
      %mul3A_1811 = arith.mulf %gather3A_1734, %get3A_1810 : vector<16xf32>
      %add3A_1812 = arith.addf %scan3A_1707, %mul3A_1811 : vector<16xf32>
      %mul3A_1813 = arith.mulf %gather3A_1744, %get3A_1810 : vector<16xf32>
      %add3A_1814 = arith.addf %scan3A_1717, %mul3A_1813 : vector<16xf32>
      %add3A_1815 = arith.constant 16 : i32
      %add3A_1816 = arith.addi %add3A_1815, %scan3A_1700 : i32
      %get3A_1817 = arith.index_cast %add3A_1816 : i32 to index
      %get3A_1818 = arith.constant 112 : index
      %get3A_1819 = tpu.vector_load %arg8[%get3A_1817, %get3A_1818] {strides = array<i32>} : memref<64x256xf32, #tpu.memory_space<vmem>>, vector<1x16xf32>,
      %get3A_1820 = vector.shape_cast %get3A_1819 : vector<1x16xf32> to vector<16xf32>
      %mul3A_1821 = arith.mulf %gather3A_1734, %get3A_1820 : vector<16xf32>
      %add3A_1822 = arith.addf %scan3A_1708, %mul3A_1821 : vector<16xf32>
      %mul3A_1823 = arith.mulf %gather3A_1744, %get3A_1820 : vector<16xf32>
      %add3A_1824 = arith.addf %scan3A_1718, %mul3A_1823 : vector<16xf32>
      %add3A_1825 = arith.constant 16 : i32
      %add3A_1826 = arith.addi %add3A_1825, %scan3A_1700 : i32
      %get3A_1827 = arith.index_cast %add3A_1826 : i32 to index
      %get3A_1828 = arith.constant 128 : index
      %get3A_1829 = tpu.vector_load %arg8[%get3A_1827, %get3A_1828] {strides = array<i32>} : memref<64x256xf32, #tpu.memory_space<vmem>>, vector<1x16xf32>,
      %get3A_1830 = vector.shape_cast %get3A_1829 : vector<1x16xf32> to vector<16xf32>
      %mul3A_1831 = arith.mulf %gather3A_1734, %get3A_1830 : vector<16xf32>
      %add3A_1832 = arith.addf %scan3A_1709, %mul3A_1831 : vector<16xf32>
      %mul3A_1833 = arith.mulf %gather3A_1744, %get3A_1830 : vector<16xf32>
      %add3A_1834 = arith.addf %scan3A_1719, %mul3A_1833 : vector<16xf32>
      %add3A_1835 = arith.constant 16 : i32
      %add3A_1836 = arith.addi %add3A_1835, %scan3A_1700 : i32
      %get3A_1837 = arith.index_cast %add3A_1836 : i32 to index
      %get3A_1838 = arith.constant 144 : index
      %get3A_1839 = tpu.vector_load %arg8[%get3A_1837, %get3A_1838] {strides = array<i32>} : memref<64x256xf32, #tpu.memory_space<vmem>>, vector<1x16xf32>,
      %get3A_1840 = vector.shape_cast %get3A_1839 : vector<1x16xf32> to vector<16xf32>
      %mul3A_1841 = arith.mulf %gather3A_1734, %get3A_1840 : vector<16xf32>
      %add3A_1842 = arith.addf %scan3A_1710, %mul3A_1841 : vector<16xf32>
      %mul3A_1843 = arith.mulf %gather3A_1744, %get3A_1840 : vector<16xf32>
      %add3A_1844 = arith.addf %scan3A_1720, %mul3A_1843 : vector<16xf32>
      scf.yield %add3A_1752, %add3A_1762, %add3A_1772, %add3A_1782, %add3A_1792, %add3A_1802, %add3A_1812, %add3A_1822, %add3A_1832, %add3A_1842, %add3A_1754, %add3A_1764, %add3A_1774, %add3A_1784, %add3A_1794, %add3A_1804, %add3A_1814, %add3A_1824, %add3A_1834, %add3A_1844 : vector<16xf32>, vector<16xf32>, vector<16xf32>, vector<16xf32>, vector<16xf32>, vector<16xf32>, vector<16xf32>, vector<16xf32>, vector<16xf32>, vector<16xf32>, vector<16xf32>, vector<16xf32>, vector<16xf32>, vector<16xf32>, vector<16xf32>, vector<16xf32>, vector<16xf32>, vector<16xf32>, vector<16xf32>, vector<16xf32>
    }
    %scan3A_402 = arith.constant 16 : i32
    %dma_wait3A_403 = arith.constant 2 : i32
    %dma_wait3A_404 = arith.constant 32 : i32
    %dma_wait3A_405 = arith.constant 0 : i32
    %dma_wait3A_406 = tpu.memref_slice %arg8[%dma_wait3A_404, %dma_wait3A_405] : memref<64x256xf32, #tpu.memory_space<vmem>> -> memref<16x256xf32, #tpu.memory_space<vmem>>
    %dma_wait3A_407 = arith.constant 32 : i32
    %dma_wait3A_408 = tpu.memref_slice %arg7[%dma_wait3A_407] : memref<128xi32, #tpu.memory_space<vmem>> -> memref<16xi32, #tpu.memory_space<vmem>>
    %dma_wait3A_409 = arith.constant 0 : i32
    %dma_wait3A_410 = arith.constant 0 : i32
    %dma_wait3A_411 = tpu.memref_slice %arg2[%dma_wait3A_409, %dma_wait3A_410] : memref<32x256xf32, #tpu.memory_space<hbm>> -> memref<32x256xf32, #tpu.memory_space<hbm>>
    %dma_wait3A_412 = tpu.memref_slice %arg17[%dma_wait3A_403] : memref<4x!tpu.dma_semaphore, #tpu.memory_space<semaphore_mem>> -> memref<1x!tpu.dma_semaphore, #tpu.memory_space<semaphore_mem>>
    %dma_wait3A_413 = tpu.memref_squeeze %dma_wait3A_412 : memref<1x!tpu.dma_semaphore, #tpu.memory_space<semaphore_mem>> -> memref<!tpu.dma_semaphore, #tpu.memory_space<semaphore_mem>>
    tpu.wait_indirect_dma semaphore(%dma_wait3A_413 : memref<!tpu.dma_semaphore, #tpu.memory_space<semaphore_mem>>) src(%dma_wait3A_411 : memref<32x256xf32, #tpu.memory_space<hbm>>) dst(%dma_wait3A_406 : memref<16x256xf32, #tpu.memory_space<vmem>>)
    %scan3A_414 = arith.constant 0 : i32
    %scan3A_415 = arith.constant 16 : i32
    %scan3A_416 = arith.addi %scan3A_414, %scan3A_415 : i32
    %scan3A_417 = arith.constant 1 : i32
    %scan3A_418:20 = scf.for %scan3A_1700 = %scan3A_414 to %scan3A_416 step %scan3A_417 iter_args(%scan3A_1701 = %scan3A_401#0, %scan3A_1702 = %scan3A_401#1, %scan3A_1703 = %scan3A_401#2, %scan3A_1704 = %scan3A_401#3, %scan3A_1705 = %scan3A_401#4, %scan3A_1706 = %scan3A_401#5, %scan3A_1707 = %scan3A_401#6, %scan3A_1708 = %scan3A_401#7, %scan3A_1709 = %scan3A_401#8, %scan3A_1710 = %scan3A_401#9, %scan3A_1711 = %scan3A_401#10, %scan3A_1712 = %scan3A_401#11, %scan3A_1713 = %scan3A_401#12, %scan3A_1714 = %scan3A_401#13, %scan3A_1715 = %scan3A_401#14, %scan3A_1716 = %scan3A_401#15, %scan3A_1717 = %scan3A_401#16, %scan3A_1718 = %scan3A_401#17, %scan3A_1719 = %scan3A_401#18, %scan3A_1720 = %scan3A_401#19) -> (vector<16xf32>, vector<16xf32>, vector<16xf32>, vector<16xf32>, vector<16xf32>, vector<16xf32>, vector<16xf32>, vector<16xf32>, vector<16xf32>, vector<16xf32>, vector<16xf32>, vector<16xf32>, vector<16xf32>, vector<16xf32>, vector<16xf32>, vector<16xf32>, vector<16xf32>, vector<16xf32>, vector<16xf32>, vector<16xf32>)  : i32 {
      %broadcast_in_dim3A_1721 = arith.constant 0 : i32
      %broadcast_in_dim3A_1722 = vector.broadcast %broadcast_in_dim3A_1721 : i32 to vector<16xi32>
      %add3A_1723 = vector.broadcast %scan3A_1700 : i32 to vector<16xi32>
      %add3A_1724 = arith.addi %broadcast_in_dim3A_1722, %add3A_1723 : vector<16xi32>
      %lt3A_1725 = arith.constant 0 : i32
      %lt3A_1726 = vector.broadcast %lt3A_1725 : i32 to vector<16xi32>
      %lt3A_1727 = arith.cmpi slt, %add3A_1724, %lt3A_1726 : vector<16xi32>
      %add3A_1728 = arith.constant 16 : i32
      %add3A_1729 = vector.broadcast %add3A_1728 : i32 to vector<16xi32>
      %add3A_1730 = arith.addi %add3A_1724, %add3A_1729 : vector<16xi32>
      %select_n3A_1731 = arith.select %lt3A_1727, %add3A_1730, %add3A_1724 : vector<16xi1>, vector<16xi32>
      %broadcast_in_dim3A_1732 = vector.shape_cast %select_n3A_1731 : vector<16xi32> to vector<16x1xi32>
      %gather3A_1733 = vector.shape_cast %broadcast_in_dim3A_1732 : vector<16x1xi32> to vector<16xi32>
      %gather3A_1734 = tpu.dynamic_gather %select_n3A_320[%gather3A_1733] in [0] : vector<16xf32>, vector<16xi32> -> vector<16xf32>
      %lt3A_1735 = arith.constant 0 : i32
      %lt3A_1736 = vector.broadcast %lt3A_1735 : i32 to vector<16xi32>
      %lt3A_1737 = arith.cmpi slt, %add3A_1724, %lt3A_1736 : vector<16xi32>
      %add3A_1738 = arith.constant 16 : i32
      %add3A_1739 = vector.broadcast %add3A_1738 : i32 to vector<16xi32>
      %add3A_1740 = arith.addi %add3A_1724, %add3A_1739 : vector<16xi32>
      %select_n3A_1741 = arith.select %lt3A_1737, %add3A_1740, %add3A_1724 : vector<16xi1>, vector<16xi32>
      %broadcast_in_dim3A_1742 = vector.shape_cast %select_n3A_1741 : vector<16xi32> to vector<16x1xi32>
      %gather3A_1743 = vector.shape_cast %broadcast_in_dim3A_1742 : vector<16x1xi32> to vector<16xi32>
      %gather3A_1744 = tpu.dynamic_gather %select_n3A_327[%gather3A_1743] in [0] : vector<16xf32>, vector<16xi32> -> vector<16xf32>
      %add3A_1745 = arith.constant 32 : i32
      %add3A_1746 = arith.addi %add3A_1745, %scan3A_1700 : i32
      %get3A_1747 = arith.index_cast %add3A_1746 : i32 to index
      %get3A_1748 = arith.constant 0 : index
      %get3A_1749 = tpu.vector_load %arg8[%get3A_1747, %get3A_1748] {strides = array<i32>} : memref<64x256xf32, #tpu.memory_space<vmem>>, vector<1x16xf32>,
      %get3A_1750 = vector.shape_cast %get3A_1749 : vector<1x16xf32> to vector<16xf32>
      %mul3A_1751 = arith.mulf %gather3A_1734, %get3A_1750 : vector<16xf32>
      %add3A_1752 = arith.addf %scan3A_1701, %mul3A_1751 : vector<16xf32>
      %mul3A_1753 = arith.mulf %gather3A_1744, %get3A_1750 : vector<16xf32>
      %add3A_1754 = arith.addf %scan3A_1711, %mul3A_1753 : vector<16xf32>
      %add3A_1755 = arith.constant 32 : i32
      %add3A_1756 = arith.addi %add3A_1755, %scan3A_1700 : i32
      %get3A_1757 = arith.index_cast %add3A_1756 : i32 to index
      %get3A_1758 = arith.constant 16 : index
      %get3A_1759 = tpu.vector_load %arg8[%get3A_1757, %get3A_1758] {strides = array<i32>} : memref<64x256xf32, #tpu.memory_space<vmem>>, vector<1x16xf32>,
      %get3A_1760 = vector.shape_cast %get3A_1759 : vector<1x16xf32> to vector<16xf32>
      %mul3A_1761 = arith.mulf %gather3A_1734, %get3A_1760 : vector<16xf32>
      %add3A_1762 = arith.addf %scan3A_1702, %mul3A_1761 : vector<16xf32>
      %mul3A_1763 = arith.mulf %gather3A_1744, %get3A_1760 : vector<16xf32>
      %add3A_1764 = arith.addf %scan3A_1712, %mul3A_1763 : vector<16xf32>
      %add3A_1765 = arith.constant 32 : i32
      %add3A_1766 = arith.addi %add3A_1765, %scan3A_1700 : i32
      %get3A_1767 = arith.index_cast %add3A_1766 : i32 to index
      %get3A_1768 = arith.constant 32 : index
      %get3A_1769 = tpu.vector_load %arg8[%get3A_1767, %get3A_1768] {strides = array<i32>} : memref<64x256xf32, #tpu.memory_space<vmem>>, vector<1x16xf32>,
      %get3A_1770 = vector.shape_cast %get3A_1769 : vector<1x16xf32> to vector<16xf32>
      %mul3A_1771 = arith.mulf %gather3A_1734, %get3A_1770 : vector<16xf32>
      %add3A_1772 = arith.addf %scan3A_1703, %mul3A_1771 : vector<16xf32>
      %mul3A_1773 = arith.mulf %gather3A_1744, %get3A_1770 : vector<16xf32>
      %add3A_1774 = arith.addf %scan3A_1713, %mul3A_1773 : vector<16xf32>
      %add3A_1775 = arith.constant 32 : i32
      %add3A_1776 = arith.addi %add3A_1775, %scan3A_1700 : i32
      %get3A_1777 = arith.index_cast %add3A_1776 : i32 to index
      %get3A_1778 = arith.constant 48 : index
      %get3A_1779 = tpu.vector_load %arg8[%get3A_1777, %get3A_1778] {strides = array<i32>} : memref<64x256xf32, #tpu.memory_space<vmem>>, vector<1x16xf32>,
      %get3A_1780 = vector.shape_cast %get3A_1779 : vector<1x16xf32> to vector<16xf32>
      %mul3A_1781 = arith.mulf %gather3A_1734, %get3A_1780 : vector<16xf32>
      %add3A_1782 = arith.addf %scan3A_1704, %mul3A_1781 : vector<16xf32>
      %mul3A_1783 = arith.mulf %gather3A_1744, %get3A_1780 : vector<16xf32>
      %add3A_1784 = arith.addf %scan3A_1714, %mul3A_1783 : vector<16xf32>
      %add3A_1785 = arith.constant 32 : i32
      %add3A_1786 = arith.addi %add3A_1785, %scan3A_1700 : i32
      %get3A_1787 = arith.index_cast %add3A_1786 : i32 to index
      %get3A_1788 = arith.constant 64 : index
      %get3A_1789 = tpu.vector_load %arg8[%get3A_1787, %get3A_1788] {strides = array<i32>} : memref<64x256xf32, #tpu.memory_space<vmem>>, vector<1x16xf32>,
      %get3A_1790 = vector.shape_cast %get3A_1789 : vector<1x16xf32> to vector<16xf32>
      %mul3A_1791 = arith.mulf %gather3A_1734, %get3A_1790 : vector<16xf32>
      %add3A_1792 = arith.addf %scan3A_1705, %mul3A_1791 : vector<16xf32>
      %mul3A_1793 = arith.mulf %gather3A_1744, %get3A_1790 : vector<16xf32>
      %add3A_1794 = arith.addf %scan3A_1715, %mul3A_1793 : vector<16xf32>
      %add3A_1795 = arith.constant 32 : i32
      %add3A_1796 = arith.addi %add3A_1795, %scan3A_1700 : i32
      %get3A_1797 = arith.index_cast %add3A_1796 : i32 to index
      %get3A_1798 = arith.constant 80 : index
      %get3A_1799 = tpu.vector_load %arg8[%get3A_1797, %get3A_1798] {strides = array<i32>} : memref<64x256xf32, #tpu.memory_space<vmem>>, vector<1x16xf32>,
      %get3A_1800 = vector.shape_cast %get3A_1799 : vector<1x16xf32> to vector<16xf32>
      %mul3A_1801 = arith.mulf %gather3A_1734, %get3A_1800 : vector<16xf32>
      %add3A_1802 = arith.addf %scan3A_1706, %mul3A_1801 : vector<16xf32>
      %mul3A_1803 = arith.mulf %gather3A_1744, %get3A_1800 : vector<16xf32>
      %add3A_1804 = arith.addf %scan3A_1716, %mul3A_1803 : vector<16xf32>
      %add3A_1805 = arith.constant 32 : i32
      %add3A_1806 = arith.addi %add3A_1805, %scan3A_1700 : i32
      %get3A_1807 = arith.index_cast %add3A_1806 : i32 to index
      %get3A_1808 = arith.constant 96 : index
      %get3A_1809 = tpu.vector_load %arg8[%get3A_1807, %get3A_1808] {strides = array<i32>} : memref<64x256xf32, #tpu.memory_space<vmem>>, vector<1x16xf32>,
      %get3A_1810 = vector.shape_cast %get3A_1809 : vector<1x16xf32> to vector<16xf32>
      %mul3A_1811 = arith.mulf %gather3A_1734, %get3A_1810 : vector<16xf32>
      %add3A_1812 = arith.addf %scan3A_1707, %mul3A_1811 : vector<16xf32>
      %mul3A_1813 = arith.mulf %gather3A_1744, %get3A_1810 : vector<16xf32>
      %add3A_1814 = arith.addf %scan3A_1717, %mul3A_1813 : vector<16xf32>
      %add3A_1815 = arith.constant 32 : i32
      %add3A_1816 = arith.addi %add3A_1815, %scan3A_1700 : i32
      %get3A_1817 = arith.index_cast %add3A_1816 : i32 to index
      %get3A_1818 = arith.constant 112 : index
      %get3A_1819 = tpu.vector_load %arg8[%get3A_1817, %get3A_1818] {strides = array<i32>} : memref<64x256xf32, #tpu.memory_space<vmem>>, vector<1x16xf32>,
      %get3A_1820 = vector.shape_cast %get3A_1819 : vector<1x16xf32> to vector<16xf32>
      %mul3A_1821 = arith.mulf %gather3A_1734, %get3A_1820 : vector<16xf32>
      %add3A_1822 = arith.addf %scan3A_1708, %mul3A_1821 : vector<16xf32>
      %mul3A_1823 = arith.mulf %gather3A_1744, %get3A_1820 : vector<16xf32>
      %add3A_1824 = arith.addf %scan3A_1718, %mul3A_1823 : vector<16xf32>
      %add3A_1825 = arith.constant 32 : i32
      %add3A_1826 = arith.addi %add3A_1825, %scan3A_1700 : i32
      %get3A_1827 = arith.index_cast %add3A_1826 : i32 to index
      %get3A_1828 = arith.constant 128 : index
      %get3A_1829 = tpu.vector_load %arg8[%get3A_1827, %get3A_1828] {strides = array<i32>} : memref<64x256xf32, #tpu.memory_space<vmem>>, vector<1x16xf32>,
      %get3A_1830 = vector.shape_cast %get3A_1829 : vector<1x16xf32> to vector<16xf32>
      %mul3A_1831 = arith.mulf %gather3A_1734, %get3A_1830 : vector<16xf32>
      %add3A_1832 = arith.addf %scan3A_1709, %mul3A_1831 : vector<16xf32>
      %mul3A_1833 = arith.mulf %gather3A_1744, %get3A_1830 : vector<16xf32>
      %add3A_1834 = arith.addf %scan3A_1719, %mul3A_1833 : vector<16xf32>
      %add3A_1835 = arith.constant 32 : i32
      %add3A_1836 = arith.addi %add3A_1835, %scan3A_1700 : i32
      %get3A_1837 = arith.index_cast %add3A_1836 : i32 to index
      %get3A_1838 = arith.constant 144 : index
      %get3A_1839 = tpu.vector_load %arg8[%get3A_1837, %get3A_1838] {strides = array<i32>} : memref<64x256xf32, #tpu.memory_space<vmem>>, vector<1x16xf32>,
      %get3A_1840 = vector.shape_cast %get3A_1839 : vector<1x16xf32> to vector<16xf32>
      %mul3A_1841 = arith.mulf %gather3A_1734, %get3A_1840 : vector<16xf32>
      %add3A_1842 = arith.addf %scan3A_1710, %mul3A_1841 : vector<16xf32>
      %mul3A_1843 = arith.mulf %gather3A_1744, %get3A_1840 : vector<16xf32>
      %add3A_1844 = arith.addf %scan3A_1720, %mul3A_1843 : vector<16xf32>
      scf.yield %add3A_1752, %add3A_1762, %add3A_1772, %add3A_1782, %add3A_1792, %add3A_1802, %add3A_1812, %add3A_1822, %add3A_1832, %add3A_1842, %add3A_1754, %add3A_1764, %add3A_1774, %add3A_1784, %add3A_1794, %add3A_1804, %add3A_1814, %add3A_1824, %add3A_1834, %add3A_1844 : vector<16xf32>, vector<16xf32>, vector<16xf32>, vector<16xf32>, vector<16xf32>, vector<16xf32>, vector<16xf32>, vector<16xf32>, vector<16xf32>, vector<16xf32>, vector<16xf32>, vector<16xf32>, vector<16xf32>, vector<16xf32>, vector<16xf32>, vector<16xf32>, vector<16xf32>, vector<16xf32>, vector<16xf32>, vector<16xf32>
    }
    %scan3A_419 = arith.constant 16 : i32
    %dma_wait3A_420 = arith.constant 3 : i32
    %dma_wait3A_421 = arith.constant 48 : i32
    %dma_wait3A_422 = arith.constant 0 : i32
    %dma_wait3A_423 = tpu.memref_slice %arg8[%dma_wait3A_421, %dma_wait3A_422] : memref<64x256xf32, #tpu.memory_space<vmem>> -> memref<16x256xf32, #tpu.memory_space<vmem>>
    %dma_wait3A_424 = arith.constant 48 : i32
    %dma_wait3A_425 = tpu.memref_slice %arg7[%dma_wait3A_424] : memref<128xi32, #tpu.memory_space<vmem>> -> memref<16xi32, #tpu.memory_space<vmem>>
    %dma_wait3A_426 = arith.constant 0 : i32
    %dma_wait3A_427 = arith.constant 0 : i32
    %dma_wait3A_428 = tpu.memref_slice %arg2[%dma_wait3A_426, %dma_wait3A_427] : memref<32x256xf32, #tpu.memory_space<hbm>> -> memref<32x256xf32, #tpu.memory_space<hbm>>
    %dma_wait3A_429 = tpu.memref_slice %arg17[%dma_wait3A_420] : memref<4x!tpu.dma_semaphore, #tpu.memory_space<semaphore_mem>> -> memref<1x!tpu.dma_semaphore, #tpu.memory_space<semaphore_mem>>
    %dma_wait3A_430 = tpu.memref_squeeze %dma_wait3A_429 : memref<1x!tpu.dma_semaphore, #tpu.memory_space<semaphore_mem>> -> memref<!tpu.dma_semaphore, #tpu.memory_space<semaphore_mem>>
    tpu.wait_indirect_dma semaphore(%dma_wait3A_430 : memref<!tpu.dma_semaphore, #tpu.memory_space<semaphore_mem>>) src(%dma_wait3A_428 : memref<32x256xf32, #tpu.memory_space<hbm>>) dst(%dma_wait3A_423 : memref<16x256xf32, #tpu.memory_space<vmem>>)
    %scan3A_431 = arith.constant 0 : i32
    %scan3A_432 = arith.constant 16 : i32
    %scan3A_433 = arith.addi %scan3A_431, %scan3A_432 : i32
    %scan3A_434 = arith.constant 1 : i32
    %scan3A_435:20 = scf.for %scan3A_1700 = %scan3A_431 to %scan3A_433 step %scan3A_434 iter_args(%scan3A_1701 = %scan3A_418#0, %scan3A_1702 = %scan3A_418#1, %scan3A_1703 = %scan3A_418#2, %scan3A_1704 = %scan3A_418#3, %scan3A_1705 = %scan3A_418#4, %scan3A_1706 = %scan3A_418#5, %scan3A_1707 = %scan3A_418#6, %scan3A_1708 = %scan3A_418#7, %scan3A_1709 = %scan3A_418#8, %scan3A_1710 = %scan3A_418#9, %scan3A_1711 = %scan3A_418#10, %scan3A_1712 = %scan3A_418#11, %scan3A_1713 = %scan3A_418#12, %scan3A_1714 = %scan3A_418#13, %scan3A_1715 = %scan3A_418#14, %scan3A_1716 = %scan3A_418#15, %scan3A_1717 = %scan3A_418#16, %scan3A_1718 = %scan3A_418#17, %scan3A_1719 = %scan3A_418#18, %scan3A_1720 = %scan3A_418#19) -> (vector<16xf32>, vector<16xf32>, vector<16xf32>, vector<16xf32>, vector<16xf32>, vector<16xf32>, vector<16xf32>, vector<16xf32>, vector<16xf32>, vector<16xf32>, vector<16xf32>, vector<16xf32>, vector<16xf32>, vector<16xf32>, vector<16xf32>, vector<16xf32>, vector<16xf32>, vector<16xf32>, vector<16xf32>, vector<16xf32>)  : i32 {
      %broadcast_in_dim3A_1721 = arith.constant 0 : i32
      %broadcast_in_dim3A_1722 = vector.broadcast %broadcast_in_dim3A_1721 : i32 to vector<16xi32>
      %add3A_1723 = vector.broadcast %scan3A_1700 : i32 to vector<16xi32>
      %add3A_1724 = arith.addi %broadcast_in_dim3A_1722, %add3A_1723 : vector<16xi32>
      %lt3A_1725 = arith.constant 0 : i32
      %lt3A_1726 = vector.broadcast %lt3A_1725 : i32 to vector<16xi32>
      %lt3A_1727 = arith.cmpi slt, %add3A_1724, %lt3A_1726 : vector<16xi32>
      %add3A_1728 = arith.constant 16 : i32
      %add3A_1729 = vector.broadcast %add3A_1728 : i32 to vector<16xi32>
      %add3A_1730 = arith.addi %add3A_1724, %add3A_1729 : vector<16xi32>
      %select_n3A_1731 = arith.select %lt3A_1727, %add3A_1730, %add3A_1724 : vector<16xi1>, vector<16xi32>
      %broadcast_in_dim3A_1732 = vector.shape_cast %select_n3A_1731 : vector<16xi32> to vector<16x1xi32>
      %gather3A_1733 = vector.shape_cast %broadcast_in_dim3A_1732 : vector<16x1xi32> to vector<16xi32>
      %gather3A_1734 = tpu.dynamic_gather %select_n3A_362[%gather3A_1733] in [0] : vector<16xf32>, vector<16xi32> -> vector<16xf32>
      %lt3A_1735 = arith.constant 0 : i32
      %lt3A_1736 = vector.broadcast %lt3A_1735 : i32 to vector<16xi32>
      %lt3A_1737 = arith.cmpi slt, %add3A_1724, %lt3A_1736 : vector<16xi32>
      %add3A_1738 = arith.constant 16 : i32
      %add3A_1739 = vector.broadcast %add3A_1738 : i32 to vector<16xi32>
      %add3A_1740 = arith.addi %add3A_1724, %add3A_1739 : vector<16xi32>
      %select_n3A_1741 = arith.select %lt3A_1737, %add3A_1740, %add3A_1724 : vector<16xi1>, vector<16xi32>
      %broadcast_in_dim3A_1742 = vector.shape_cast %select_n3A_1741 : vector<16xi32> to vector<16x1xi32>
      %gather3A_1743 = vector.shape_cast %broadcast_in_dim3A_1742 : vector<16x1xi32> to vector<16xi32>
      %gather3A_1744 = tpu.dynamic_gather %select_n3A_369[%gather3A_1743] in [0] : vector<16xf32>, vector<16xi32> -> vector<16xf32>
      %add3A_1745 = arith.constant 48 : i32
      %add3A_1746 = arith.addi %add3A_1745, %scan3A_1700 : i32
      %get3A_1747 = arith.index_cast %add3A_1746 : i32 to index
      %get3A_1748 = arith.constant 0 : index
      %get3A_1749 = tpu.vector_load %arg8[%get3A_1747, %get3A_1748] {strides = array<i32>} : memref<64x256xf32, #tpu.memory_space<vmem>>, vector<1x16xf32>,
      %get3A_1750 = vector.shape_cast %get3A_1749 : vector<1x16xf32> to vector<16xf32>
      %mul3A_1751 = arith.mulf %gather3A_1734, %get3A_1750 : vector<16xf32>
      %add3A_1752 = arith.addf %scan3A_1701, %mul3A_1751 : vector<16xf32>
      %mul3A_1753 = arith.mulf %gather3A_1744, %get3A_1750 : vector<16xf32>
      %add3A_1754 = arith.addf %scan3A_1711, %mul3A_1753 : vector<16xf32>
      %add3A_1755 = arith.constant 48 : i32
      %add3A_1756 = arith.addi %add3A_1755, %scan3A_1700 : i32
      %get3A_1757 = arith.index_cast %add3A_1756 : i32 to index
      %get3A_1758 = arith.constant 16 : index
      %get3A_1759 = tpu.vector_load %arg8[%get3A_1757, %get3A_1758] {strides = array<i32>} : memref<64x256xf32, #tpu.memory_space<vmem>>, vector<1x16xf32>,
      %get3A_1760 = vector.shape_cast %get3A_1759 : vector<1x16xf32> to vector<16xf32>
      %mul3A_1761 = arith.mulf %gather3A_1734, %get3A_1760 : vector<16xf32>
      %add3A_1762 = arith.addf %scan3A_1702, %mul3A_1761 : vector<16xf32>
      %mul3A_1763 = arith.mulf %gather3A_1744, %get3A_1760 : vector<16xf32>
      %add3A_1764 = arith.addf %scan3A_1712, %mul3A_1763 : vector<16xf32>
      %add3A_1765 = arith.constant 48 : i32
      %add3A_1766 = arith.addi %add3A_1765, %scan3A_1700 : i32
      %get3A_1767 = arith.index_cast %add3A_1766 : i32 to index
      %get3A_1768 = arith.constant 32 : index
      %get3A_1769 = tpu.vector_load %arg8[%get3A_1767, %get3A_1768] {strides = array<i32>} : memref<64x256xf32, #tpu.memory_space<vmem>>, vector<1x16xf32>,
      %get3A_1770 = vector.shape_cast %get3A_1769 : vector<1x16xf32> to vector<16xf32>
      %mul3A_1771 = arith.mulf %gather3A_1734, %get3A_1770 : vector<16xf32>
      %add3A_1772 = arith.addf %scan3A_1703, %mul3A_1771 : vector<16xf32>
      %mul3A_1773 = arith.mulf %gather3A_1744, %get3A_1770 : vector<16xf32>
      %add3A_1774 = arith.addf %scan3A_1713, %mul3A_1773 : vector<16xf32>
      %add3A_1775 = arith.constant 48 : i32
      %add3A_1776 = arith.addi %add3A_1775, %scan3A_1700 : i32
      %get3A_1777 = arith.index_cast %add3A_1776 : i32 to index
      %get3A_1778 = arith.constant 48 : index
      %get3A_1779 = tpu.vector_load %arg8[%get3A_1777, %get3A_1778] {strides = array<i32>} : memref<64x256xf32, #tpu.memory_space<vmem>>, vector<1x16xf32>,
      %get3A_1780 = vector.shape_cast %get3A_1779 : vector<1x16xf32> to vector<16xf32>
      %mul3A_1781 = arith.mulf %gather3A_1734, %get3A_1780 : vector<16xf32>
      %add3A_1782 = arith.addf %scan3A_1704, %mul3A_1781 : vector<16xf32>
      %mul3A_1783 = arith.mulf %gather3A_1744, %get3A_1780 : vector<16xf32>
      %add3A_1784 = arith.addf %scan3A_1714, %mul3A_1783 : vector<16xf32>
      %add3A_1785 = arith.constant 48 : i32
      %add3A_1786 = arith.addi %add3A_1785, %scan3A_1700 : i32
      %get3A_1787 = arith.index_cast %add3A_1786 : i32 to index
      %get3A_1788 = arith.constant 64 : index
      %get3A_1789 = tpu.vector_load %arg8[%get3A_1787, %get3A_1788] {strides = array<i32>} : memref<64x256xf32, #tpu.memory_space<vmem>>, vector<1x16xf32>,
      %get3A_1790 = vector.shape_cast %get3A_1789 : vector<1x16xf32> to vector<16xf32>
      %mul3A_1791 = arith.mulf %gather3A_1734, %get3A_1790 : vector<16xf32>
      %add3A_1792 = arith.addf %scan3A_1705, %mul3A_1791 : vector<16xf32>
      %mul3A_1793 = arith.mulf %gather3A_1744, %get3A_1790 : vector<16xf32>
      %add3A_1794 = arith.addf %scan3A_1715, %mul3A_1793 : vector<16xf32>
      %add3A_1795 = arith.constant 48 : i32
      %add3A_1796 = arith.addi %add3A_1795, %scan3A_1700 : i32
      %get3A_1797 = arith.index_cast %add3A_1796 : i32 to index
      %get3A_1798 = arith.constant 80 : index
      %get3A_1799 = tpu.vector_load %arg8[%get3A_1797, %get3A_1798] {strides = array<i32>} : memref<64x256xf32, #tpu.memory_space<vmem>>, vector<1x16xf32>,
      %get3A_1800 = vector.shape_cast %get3A_1799 : vector<1x16xf32> to vector<16xf32>
      %mul3A_1801 = arith.mulf %gather3A_1734, %get3A_1800 : vector<16xf32>
      %add3A_1802 = arith.addf %scan3A_1706, %mul3A_1801 : vector<16xf32>
      %mul3A_1803 = arith.mulf %gather3A_1744, %get3A_1800 : vector<16xf32>
      %add3A_1804 = arith.addf %scan3A_1716, %mul3A_1803 : vector<16xf32>
      %add3A_1805 = arith.constant 48 : i32
      %add3A_1806 = arith.addi %add3A_1805, %scan3A_1700 : i32
      %get3A_1807 = arith.index_cast %add3A_1806 : i32 to index
      %get3A_1808 = arith.constant 96 : index
      %get3A_1809 = tpu.vector_load %arg8[%get3A_1807, %get3A_1808] {strides = array<i32>} : memref<64x256xf32, #tpu.memory_space<vmem>>, vector<1x16xf32>,
      %get3A_1810 = vector.shape_cast %get3A_1809 : vector<1x16xf32> to vector<16xf32>
      %mul3A_1811 = arith.mulf %gather3A_1734, %get3A_1810 : vector<16xf32>
      %add3A_1812 = arith.addf %scan3A_1707, %mul3A_1811 : vector<16xf32>
      %mul3A_1813 = arith.mulf %gather3A_1744, %get3A_1810 : vector<16xf32>
      %add3A_1814 = arith.addf %scan3A_1717, %mul3A_1813 : vector<16xf32>
      %add3A_1815 = arith.constant 48 : i32
      %add3A_1816 = arith.addi %add3A_1815, %scan3A_1700 : i32
      %get3A_1817 = arith.index_cast %add3A_1816 : i32 to index
      %get3A_1818 = arith.constant 112 : index
      %get3A_1819 = tpu.vector_load %arg8[%get3A_1817, %get3A_1818] {strides = array<i32>} : memref<64x256xf32, #tpu.memory_space<vmem>>, vector<1x16xf32>,
      %get3A_1820 = vector.shape_cast %get3A_1819 : vector<1x16xf32> to vector<16xf32>
      %mul3A_1821 = arith.mulf %gather3A_1734, %get3A_1820 : vector<16xf32>
      %add3A_1822 = arith.addf %scan3A_1708, %mul3A_1821 : vector<16xf32>
      %mul3A_1823 = arith.mulf %gather3A_1744, %get3A_1820 : vector<16xf32>
      %add3A_1824 = arith.addf %scan3A_1718, %mul3A_1823 : vector<16xf32>
      %add3A_1825 = arith.constant 48 : i32
      %add3A_1826 = arith.addi %add3A_1825, %scan3A_1700 : i32
      %get3A_1827 = arith.index_cast %add3A_1826 : i32 to index
      %get3A_1828 = arith.constant 128 : index
      %get3A_1829 = tpu.vector_load %arg8[%get3A_1827, %get3A_1828] {strides = array<i32>} : memref<64x256xf32, #tpu.memory_space<vmem>>, vector<1x16xf32>,
      %get3A_1830 = vector.shape_cast %get3A_1829 : vector<1x16xf32> to vector<16xf32>
      %mul3A_1831 = arith.mulf %gather3A_1734, %get3A_1830 : vector<16xf32>
      %add3A_1832 = arith.addf %scan3A_1709, %mul3A_1831 : vector<16xf32>
      %mul3A_1833 = arith.mulf %gather3A_1744, %get3A_1830 : vector<16xf32>
      %add3A_1834 = arith.addf %scan3A_1719, %mul3A_1833 : vector<16xf32>
      %add3A_1835 = arith.constant 48 : i32
      %add3A_1836 = arith.addi %add3A_1835, %scan3A_1700 : i32
      %get3A_1837 = arith.index_cast %add3A_1836 : i32 to index
      %get3A_1838 = arith.constant 144 : index
      %get3A_1839 = tpu.vector_load %arg8[%get3A_1837, %get3A_1838] {strides = array<i32>} : memref<64x256xf32, #tpu.memory_space<vmem>>, vector<1x16xf32>,
      %get3A_1840 = vector.shape_cast %get3A_1839 : vector<1x16xf32> to vector<16xf32>
      %mul3A_1841 = arith.mulf %gather3A_1734, %get3A_1840 : vector<16xf32>
      %add3A_1842 = arith.addf %scan3A_1710, %mul3A_1841 : vector<16xf32>
      %mul3A_1843 = arith.mulf %gather3A_1744, %get3A_1840 : vector<16xf32>
      %add3A_1844 = arith.addf %scan3A_1720, %mul3A_1843 : vector<16xf32>
      scf.yield %add3A_1752, %add3A_1762, %add3A_1772, %add3A_1782, %add3A_1792, %add3A_1802, %add3A_1812, %add3A_1822, %add3A_1832, %add3A_1842, %add3A_1754, %add3A_1764, %add3A_1774, %add3A_1784, %add3A_1794, %add3A_1804, %add3A_1814, %add3A_1824, %add3A_1834, %add3A_1844 : vector<16xf32>, vector<16xf32>, vector<16xf32>, vector<16xf32>, vector<16xf32>, vector<16xf32>, vector<16xf32>, vector<16xf32>, vector<16xf32>, vector<16xf32>, vector<16xf32>, vector<16xf32>, vector<16xf32>, vector<16xf32>, vector<16xf32>, vector<16xf32>, vector<16xf32>, vector<16xf32>, vector<16xf32>, vector<16xf32>
    }
    %scan3A_436 = arith.constant 16 : i32
    %dma_wait3A_437 = arith.constant 0 : i32
    %dma_wait3A_438 = tpu.memref_slice %arg2[%mul3A_1, %dma_wait3A_437] : memref<32x256xf32, #tpu.memory_space<hbm>> -> memref<2x256xf32, #tpu.memory_space<hbm>>
    %dma_wait3A_439 = arith.constant 0 : i32
    %dma_wait3A_440 = tpu.memref_slice %arg2[%mul3A_1, %dma_wait3A_439] : memref<32x256xf32, #tpu.memory_space<hbm>> -> memref<2x256xf32, #tpu.memory_space<hbm>>
    tpu.wait_dma2 semaphore(%arg14 : memref<!tpu.dma_semaphore, #tpu.memory_space<semaphore_mem>>) src(%dma_wait3A_440 : memref<2x256xf32, #tpu.memory_space<hbm>>) dst(%arg9 : memref<2x256xf32, #tpu.memory_space<vmem>>)
    tpu.wait_dma2 semaphore(%arg15 : memref<!tpu.dma_semaphore, #tpu.memory_space<semaphore_mem>>) src(%arg4 : memref<150x16xf32, #tpu.memory_space<hbm>>) dst(%arg10 : memref<150x16xf32, #tpu.memory_space<vmem>>)
    tpu.wait_dma2 semaphore(%arg16 : memref<!tpu.dma_semaphore, #tpu.memory_space<semaphore_mem>>) src(%arg5 : memref<16xf32, #tpu.memory_space<hbm>>) dst(%arg11 : memref<16xf32, #tpu.memory_space<vmem>>)
    %get3A_441 = arith.constant 0 : index
    %get3A_442 = tpu.vector_load %arg11[%get3A_441] {strides = array<i32>} : memref<16xf32, #tpu.memory_space<vmem>>, vector<16xf32>,
    %get3A_443 = vector.shape_cast %get3A_442 : vector<16xf32> to vector<16xf32>
    %mul3A_444 = arith.constant 2 : i32
    %mul3A_445 = arith.muli %mul3A_444, %arg1 : i32
    %add3A_446 = arith.constant 0 : i32
    %add3A_447 = arith.addi %mul3A_445, %add3A_446 : i32
    %broadcast_in_dim3A_448 = arith.constant 0 : i32
    %broadcast_in_dim3A_449 = vector.broadcast %broadcast_in_dim3A_448 : i32 to vector<16xi32>
    %add3A_450 = vector.broadcast %add3A_447 : i32 to vector<16xi32>
    %add3A_451 = arith.addi %broadcast_in_dim3A_449, %add3A_450 : vector<16xi32>
    %lt3A_452 = arith.constant 16 : i32
    %lt3A_453 = vector.broadcast %lt3A_452 : i32 to vector<16xi32>
    %lt3A_454 = arith.cmpi slt, %add3A_451, %lt3A_453 : vector<16xi32>
    %broadcast_in_dim3A_455 = arith.constant 0 : i32
    %broadcast_in_dim3A_456 = vector.broadcast %broadcast_in_dim3A_455 : i32 to vector<16xi32>
    %add3A_457 = vector.broadcast %add3A_447 : i32 to vector<16xi32>
    %add3A_458 = arith.addi %broadcast_in_dim3A_456, %add3A_457 : vector<16xi32>
    %and3A_459 = arith.constant 15 : i32
    %and3A_460 = vector.broadcast %and3A_459 : i32 to vector<16xi32>
    %and3A_461 = arith.andi %add3A_458, %and3A_460 : vector<16xi32>
    %lt3A_462 = arith.constant 0 : i32
    %lt3A_463 = vector.broadcast %lt3A_462 : i32 to vector<16xi32>
    %lt3A_464 = arith.cmpi slt, %and3A_461, %lt3A_463 : vector<16xi32>
    %add3A_465 = arith.constant 16 : i32
    %add3A_466 = vector.broadcast %add3A_465 : i32 to vector<16xi32>
    %add3A_467 = arith.addi %and3A_461, %add3A_466 : vector<16xi32>
    %select_n3A_468 = arith.select %lt3A_464, %add3A_467, %and3A_461 : vector<16xi1>, vector<16xi32>
    %broadcast_in_dim3A_469 = vector.shape_cast %select_n3A_468 : vector<16xi32> to vector<16x1xi32>
    %gather3A_470 = vector.shape_cast %broadcast_in_dim3A_469 : vector<16x1xi32> to vector<16xi32>
    %gather3A_471 = tpu.dynamic_gather %mul3A_139[%gather3A_470] in [0] : vector<16xf32>, vector<16xi32> -> vector<16xf32>
    %broadcast_in_dim3A_472 = arith.constant 0 : i32
    %broadcast_in_dim3A_473 = vector.broadcast %broadcast_in_dim3A_472 : i32 to vector<16xi32>
    %add3A_474 = vector.broadcast %add3A_447 : i32 to vector<16xi32>
    %add3A_475 = arith.addi %broadcast_in_dim3A_473, %add3A_474 : vector<16xi32>
    %and3A_476 = arith.constant 15 : i32
    %and3A_477 = vector.broadcast %and3A_476 : i32 to vector<16xi32>
    %and3A_478 = arith.andi %add3A_475, %and3A_477 : vector<16xi32>
    %lt3A_479 = arith.constant 0 : i32
    %lt3A_480 = vector.broadcast %lt3A_479 : i32 to vector<16xi32>
    %lt3A_481 = arith.cmpi slt, %and3A_478, %lt3A_480 : vector<16xi32>
    %add3A_482 = arith.constant 16 : i32
    %add3A_483 = vector.broadcast %add3A_482 : i32 to vector<16xi32>
    %add3A_484 = arith.addi %and3A_478, %add3A_483 : vector<16xi32>
    %select_n3A_485 = arith.select %lt3A_481, %add3A_484, %and3A_478 : vector<16xi1>, vector<16xi32>
    %broadcast_in_dim3A_486 = vector.shape_cast %select_n3A_485 : vector<16xi32> to vector<16x1xi32>
    %gather3A_487 = vector.shape_cast %broadcast_in_dim3A_486 : vector<16x1xi32> to vector<16xi32>
    %gather3A_488 = tpu.dynamic_gather %mul3A_205[%gather3A_487] in [0] : vector<16xf32>, vector<16xi32> -> vector<16xf32>
    %select_n3A_489 = arith.select %lt3A_454, %gather3A_471, %gather3A_488 : vector<16xi1>, vector<16xf32>
    %get3A_490 = arith.constant 0 : i32
    %get3A_491 = arith.index_cast %get3A_490 : i32 to index
    %get3A_492 = arith.constant 0 : index
    %get3A_493 = tpu.vector_load %arg9[%get3A_491, %get3A_492] {strides = array<i32>} : memref<2x256xf32, #tpu.memory_space<vmem>>, vector<1x16xf32>,
    %get3A_494 = vector.shape_cast %get3A_493 : vector<1x16xf32> to vector<16xf32>
    %mul3A_495 = arith.mulf %select_n3A_489, %get3A_494 : vector<16xf32>
    %add3A_496 = arith.addf %scan3A_435#0, %mul3A_495 : vector<16xf32>
    %mul3A_497 = arith.mulf %select_n3A_489, %add3A_496 : vector<16xf32>
    %swap3A = arith.constant 0 : i32
    %swap3A_498 = arith.index_cast %swap3A : i32 to index
    %swap3A_499 = arith.constant 0 : index
    %swap3A_500 = tpu.vector_load %arg12[%swap3A_498, %swap3A_499] {strides = array<i32>} : memref<20x16xf32, #tpu.memory_space<vmem>>, vector<1x16xf32>,
    %swap3A_501 = vector.shape_cast %swap3A_500 : vector<1x16xf32> to vector<16xf32>
    %swap3A_502 = vector.shape_cast %mul3A_497 : vector<16xf32> to vector<1x16xf32>
    tpu.vector_store %arg12[%swap3A_498, %swap3A_499], %swap3A_502 {strides = array<i32>} : memref<20x16xf32, #tpu.memory_space<vmem>>, vector<1x16xf32>,
    %get3A_503 = arith.constant 0 : i32
    %get3A_504 = arith.index_cast %get3A_503 : i32 to index
    %get3A_505 = arith.constant 16 : index
    %get3A_506 = tpu.vector_load %arg9[%get3A_504, %get3A_505] {strides = array<i32>} : memref<2x256xf32, #tpu.memory_space<vmem>>, vector<1x16xf32>,
    %get3A_507 = vector.shape_cast %get3A_506 : vector<1x16xf32> to vector<16xf32>
    %mul3A_508 = arith.mulf %select_n3A_489, %get3A_507 : vector<16xf32>
    %add3A_509 = arith.addf %scan3A_435#1, %mul3A_508 : vector<16xf32>
    %mul3A_510 = arith.mulf %select_n3A_489, %add3A_509 : vector<16xf32>
    %swap3A_511 = arith.constant 1 : i32
    %swap3A_512 = arith.index_cast %swap3A_511 : i32 to index
    %swap3A_513 = arith.constant 0 : index
    %swap3A_514 = tpu.vector_load %arg12[%swap3A_512, %swap3A_513] {strides = array<i32>} : memref<20x16xf32, #tpu.memory_space<vmem>>, vector<1x16xf32>,
    %swap3A_515 = vector.shape_cast %swap3A_514 : vector<1x16xf32> to vector<16xf32>
    %swap3A_516 = vector.shape_cast %mul3A_510 : vector<16xf32> to vector<1x16xf32>
    tpu.vector_store %arg12[%swap3A_512, %swap3A_513], %swap3A_516 {strides = array<i32>} : memref<20x16xf32, #tpu.memory_space<vmem>>, vector<1x16xf32>,
    %get3A_517 = arith.constant 0 : i32
    %get3A_518 = arith.index_cast %get3A_517 : i32 to index
    %get3A_519 = arith.constant 32 : index
    %get3A_520 = tpu.vector_load %arg9[%get3A_518, %get3A_519] {strides = array<i32>} : memref<2x256xf32, #tpu.memory_space<vmem>>, vector<1x16xf32>,
    %get3A_521 = vector.shape_cast %get3A_520 : vector<1x16xf32> to vector<16xf32>
    %mul3A_522 = arith.mulf %select_n3A_489, %get3A_521 : vector<16xf32>
    %add3A_523 = arith.addf %scan3A_435#2, %mul3A_522 : vector<16xf32>
    %mul3A_524 = arith.mulf %select_n3A_489, %add3A_523 : vector<16xf32>
    %swap3A_525 = arith.constant 2 : i32
    %swap3A_526 = arith.index_cast %swap3A_525 : i32 to index
    %swap3A_527 = arith.constant 0 : index
    %swap3A_528 = tpu.vector_load %arg12[%swap3A_526, %swap3A_527] {strides = array<i32>} : memref<20x16xf32, #tpu.memory_space<vmem>>, vector<1x16xf32>,
    %swap3A_529 = vector.shape_cast %swap3A_528 : vector<1x16xf32> to vector<16xf32>
    %swap3A_530 = vector.shape_cast %mul3A_524 : vector<16xf32> to vector<1x16xf32>
    tpu.vector_store %arg12[%swap3A_526, %swap3A_527], %swap3A_530 {strides = array<i32>} : memref<20x16xf32, #tpu.memory_space<vmem>>, vector<1x16xf32>,
    %get3A_531 = arith.constant 0 : i32
    %get3A_532 = arith.index_cast %get3A_531 : i32 to index
    %get3A_533 = arith.constant 48 : index
    %get3A_534 = tpu.vector_load %arg9[%get3A_532, %get3A_533] {strides = array<i32>} : memref<2x256xf32, #tpu.memory_space<vmem>>, vector<1x16xf32>,
    %get3A_535 = vector.shape_cast %get3A_534 : vector<1x16xf32> to vector<16xf32>
    %mul3A_536 = arith.mulf %select_n3A_489, %get3A_535 : vector<16xf32>
    %add3A_537 = arith.addf %scan3A_435#3, %mul3A_536 : vector<16xf32>
    %mul3A_538 = arith.mulf %select_n3A_489, %add3A_537 : vector<16xf32>
    %swap3A_539 = arith.constant 3 : i32
    %swap3A_540 = arith.index_cast %swap3A_539 : i32 to index
    %swap3A_541 = arith.constant 0 : index
    %swap3A_542 = tpu.vector_load %arg12[%swap3A_540, %swap3A_541] {strides = array<i32>} : memref<20x16xf32, #tpu.memory_space<vmem>>, vector<1x16xf32>,
    %swap3A_543 = vector.shape_cast %swap3A_542 : vector<1x16xf32> to vector<16xf32>
    %swap3A_544 = vector.shape_cast %mul3A_538 : vector<16xf32> to vector<1x16xf32>
    tpu.vector_store %arg12[%swap3A_540, %swap3A_541], %swap3A_544 {strides = array<i32>} : memref<20x16xf32, #tpu.memory_space<vmem>>, vector<1x16xf32>,
    %get3A_545 = arith.constant 0 : i32
    %get3A_546 = arith.index_cast %get3A_545 : i32 to index
    %get3A_547 = arith.constant 64 : index
    %get3A_548 = tpu.vector_load %arg9[%get3A_546, %get3A_547] {strides = array<i32>} : memref<2x256xf32, #tpu.memory_space<vmem>>, vector<1x16xf32>,
    %get3A_549 = vector.shape_cast %get3A_548 : vector<1x16xf32> to vector<16xf32>
    %mul3A_550 = arith.mulf %select_n3A_489, %get3A_549 : vector<16xf32>
    %add3A_551 = arith.addf %scan3A_435#4, %mul3A_550 : vector<16xf32>
    %mul3A_552 = arith.mulf %select_n3A_489, %add3A_551 : vector<16xf32>
    %swap3A_553 = arith.constant 4 : i32
    %swap3A_554 = arith.index_cast %swap3A_553 : i32 to index
    %swap3A_555 = arith.constant 0 : index
    %swap3A_556 = tpu.vector_load %arg12[%swap3A_554, %swap3A_555] {strides = array<i32>} : memref<20x16xf32, #tpu.memory_space<vmem>>, vector<1x16xf32>,
    %swap3A_557 = vector.shape_cast %swap3A_556 : vector<1x16xf32> to vector<16xf32>
    %swap3A_558 = vector.shape_cast %mul3A_552 : vector<16xf32> to vector<1x16xf32>
    tpu.vector_store %arg12[%swap3A_554, %swap3A_555], %swap3A_558 {strides = array<i32>} : memref<20x16xf32, #tpu.memory_space<vmem>>, vector<1x16xf32>,
    %get3A_559 = arith.constant 0 : i32
    %get3A_560 = arith.index_cast %get3A_559 : i32 to index
    %get3A_561 = arith.constant 80 : index
    %get3A_562 = tpu.vector_load %arg9[%get3A_560, %get3A_561] {strides = array<i32>} : memref<2x256xf32, #tpu.memory_space<vmem>>, vector<1x16xf32>,
    %get3A_563 = vector.shape_cast %get3A_562 : vector<1x16xf32> to vector<16xf32>
    %mul3A_564 = arith.mulf %select_n3A_489, %get3A_563 : vector<16xf32>
    %add3A_565 = arith.addf %scan3A_435#5, %mul3A_564 : vector<16xf32>
    %mul3A_566 = arith.mulf %select_n3A_489, %add3A_565 : vector<16xf32>
    %swap3A_567 = arith.constant 5 : i32
    %swap3A_568 = arith.index_cast %swap3A_567 : i32 to index
    %swap3A_569 = arith.constant 0 : index
    %swap3A_570 = tpu.vector_load %arg12[%swap3A_568, %swap3A_569] {strides = array<i32>} : memref<20x16xf32, #tpu.memory_space<vmem>>, vector<1x16xf32>,
    %swap3A_571 = vector.shape_cast %swap3A_570 : vector<1x16xf32> to vector<16xf32>
    %swap3A_572 = vector.shape_cast %mul3A_566 : vector<16xf32> to vector<1x16xf32>
    tpu.vector_store %arg12[%swap3A_568, %swap3A_569], %swap3A_572 {strides = array<i32>} : memref<20x16xf32, #tpu.memory_space<vmem>>, vector<1x16xf32>,
    %get3A_573 = arith.constant 0 : i32
    %get3A_574 = arith.index_cast %get3A_573 : i32 to index
    %get3A_575 = arith.constant 96 : index
    %get3A_576 = tpu.vector_load %arg9[%get3A_574, %get3A_575] {strides = array<i32>} : memref<2x256xf32, #tpu.memory_space<vmem>>, vector<1x16xf32>,
    %get3A_577 = vector.shape_cast %get3A_576 : vector<1x16xf32> to vector<16xf32>
    %mul3A_578 = arith.mulf %select_n3A_489, %get3A_577 : vector<16xf32>
    %add3A_579 = arith.addf %scan3A_435#6, %mul3A_578 : vector<16xf32>
    %mul3A_580 = arith.mulf %select_n3A_489, %add3A_579 : vector<16xf32>
    %swap3A_581 = arith.constant 6 : i32
    %swap3A_582 = arith.index_cast %swap3A_581 : i32 to index
    %swap3A_583 = arith.constant 0 : index
    %swap3A_584 = tpu.vector_load %arg12[%swap3A_582, %swap3A_583] {strides = array<i32>} : memref<20x16xf32, #tpu.memory_space<vmem>>, vector<1x16xf32>,
    %swap3A_585 = vector.shape_cast %swap3A_584 : vector<1x16xf32> to vector<16xf32>
    %swap3A_586 = vector.shape_cast %mul3A_580 : vector<16xf32> to vector<1x16xf32>
    tpu.vector_store %arg12[%swap3A_582, %swap3A_583], %swap3A_586 {strides = array<i32>} : memref<20x16xf32, #tpu.memory_space<vmem>>, vector<1x16xf32>,
    %get3A_587 = arith.constant 0 : i32
    %get3A_588 = arith.index_cast %get3A_587 : i32 to index
    %get3A_589 = arith.constant 112 : index
    %get3A_590 = tpu.vector_load %arg9[%get3A_588, %get3A_589] {strides = array<i32>} : memref<2x256xf32, #tpu.memory_space<vmem>>, vector<1x16xf32>,
    %get3A_591 = vector.shape_cast %get3A_590 : vector<1x16xf32> to vector<16xf32>
    %mul3A_592 = arith.mulf %select_n3A_489, %get3A_591 : vector<16xf32>
    %add3A_593 = arith.addf %scan3A_435#7, %mul3A_592 : vector<16xf32>
    %mul3A_594 = arith.mulf %select_n3A_489, %add3A_593 : vector<16xf32>
    %swap3A_595 = arith.constant 7 : i32
    %swap3A_596 = arith.index_cast %swap3A_595 : i32 to index
    %swap3A_597 = arith.constant 0 : index
    %swap3A_598 = tpu.vector_load %arg12[%swap3A_596, %swap3A_597] {strides = array<i32>} : memref<20x16xf32, #tpu.memory_space<vmem>>, vector<1x16xf32>,
    %swap3A_599 = vector.shape_cast %swap3A_598 : vector<1x16xf32> to vector<16xf32>
    %swap3A_600 = vector.shape_cast %mul3A_594 : vector<16xf32> to vector<1x16xf32>
    tpu.vector_store %arg12[%swap3A_596, %swap3A_597], %swap3A_600 {strides = array<i32>} : memref<20x16xf32, #tpu.memory_space<vmem>>, vector<1x16xf32>,
    %get3A_601 = arith.constant 0 : i32
    %get3A_602 = arith.index_cast %get3A_601 : i32 to index
    %get3A_603 = arith.constant 128 : index
    %get3A_604 = tpu.vector_load %arg9[%get3A_602, %get3A_603] {strides = array<i32>} : memref<2x256xf32, #tpu.memory_space<vmem>>, vector<1x16xf32>,
    %get3A_605 = vector.shape_cast %get3A_604 : vector<1x16xf32> to vector<16xf32>
    %mul3A_606 = arith.mulf %select_n3A_489, %get3A_605 : vector<16xf32>
    %add3A_607 = arith.addf %scan3A_435#8, %mul3A_606 : vector<16xf32>
    %mul3A_608 = arith.mulf %select_n3A_489, %add3A_607 : vector<16xf32>
    %swap3A_609 = arith.constant 8 : i32
    %swap3A_610 = arith.index_cast %swap3A_609 : i32 to index
    %swap3A_611 = arith.constant 0 : index
    %swap3A_612 = tpu.vector_load %arg12[%swap3A_610, %swap3A_611] {strides = array<i32>} : memref<20x16xf32, #tpu.memory_space<vmem>>, vector<1x16xf32>,
    %swap3A_613 = vector.shape_cast %swap3A_612 : vector<1x16xf32> to vector<16xf32>
    %swap3A_614 = vector.shape_cast %mul3A_608 : vector<16xf32> to vector<1x16xf32>
    tpu.vector_store %arg12[%swap3A_610, %swap3A_611], %swap3A_614 {strides = array<i32>} : memref<20x16xf32, #tpu.memory_space<vmem>>, vector<1x16xf32>,
    %get3A_615 = arith.constant 0 : i32
    %get3A_616 = arith.index_cast %get3A_615 : i32 to index
    %get3A_617 = arith.constant 144 : index
    %get3A_618 = tpu.vector_load %arg9[%get3A_616, %get3A_617] {strides = array<i32>} : memref<2x256xf32, #tpu.memory_space<vmem>>, vector<1x16xf32>,
    %get3A_619 = vector.shape_cast %get3A_618 : vector<1x16xf32> to vector<16xf32>
    %mul3A_620 = arith.mulf %select_n3A_489, %get3A_619 : vector<16xf32>
    %add3A_621 = arith.addf %scan3A_435#9, %mul3A_620 : vector<16xf32>
    %mul3A_622 = arith.mulf %select_n3A_489, %add3A_621 : vector<16xf32>
    %swap3A_623 = arith.constant 9 : i32
    %swap3A_624 = arith.index_cast %swap3A_623 : i32 to index
    %swap3A_625 = arith.constant 0 : index
    %swap3A_626 = tpu.vector_load %arg12[%swap3A_624, %swap3A_625] {strides = array<i32>} : memref<20x16xf32, #tpu.memory_space<vmem>>, vector<1x16xf32>,
    %swap3A_627 = vector.shape_cast %swap3A_626 : vector<1x16xf32> to vector<16xf32>
    %swap3A_628 = vector.shape_cast %mul3A_622 : vector<16xf32> to vector<1x16xf32>
    tpu.vector_store %arg12[%swap3A_624, %swap3A_625], %swap3A_628 {strides = array<i32>} : memref<20x16xf32, #tpu.memory_space<vmem>>, vector<1x16xf32>,
    %mul3A_629 = arith.constant 2 : i32
    %mul3A_630 = arith.muli %mul3A_629, %arg1 : i32
    %add3A_631 = arith.constant 1 : i32
    %add3A_632 = arith.addi %mul3A_630, %add3A_631 : i32
    %broadcast_in_dim3A_633 = arith.constant 0 : i32
    %broadcast_in_dim3A_634 = vector.broadcast %broadcast_in_dim3A_633 : i32 to vector<16xi32>
    %add3A_635 = vector.broadcast %add3A_632 : i32 to vector<16xi32>
    %add3A_636 = arith.addi %broadcast_in_dim3A_634, %add3A_635 : vector<16xi32>
    %lt3A_637 = arith.constant 16 : i32
    %lt3A_638 = vector.broadcast %lt3A_637 : i32 to vector<16xi32>
    %lt3A_639 = arith.cmpi slt, %add3A_636, %lt3A_638 : vector<16xi32>
    %broadcast_in_dim3A_640 = arith.constant 0 : i32
    %broadcast_in_dim3A_641 = vector.broadcast %broadcast_in_dim3A_640 : i32 to vector<16xi32>
    %add3A_642 = vector.broadcast %add3A_632 : i32 to vector<16xi32>
    %add3A_643 = arith.addi %broadcast_in_dim3A_641, %add3A_642 : vector<16xi32>
    %and3A_644 = arith.constant 15 : i32
    %and3A_645 = vector.broadcast %and3A_644 : i32 to vector<16xi32>
    %and3A_646 = arith.andi %add3A_643, %and3A_645 : vector<16xi32>
    %lt3A_647 = arith.constant 0 : i32
    %lt3A_648 = vector.broadcast %lt3A_647 : i32 to vector<16xi32>
    %lt3A_649 = arith.cmpi slt, %and3A_646, %lt3A_648 : vector<16xi32>
    %add3A_650 = arith.constant 16 : i32
    %add3A_651 = vector.broadcast %add3A_650 : i32 to vector<16xi32>
    %add3A_652 = arith.addi %and3A_646, %add3A_651 : vector<16xi32>
    %select_n3A_653 = arith.select %lt3A_649, %add3A_652, %and3A_646 : vector<16xi1>, vector<16xi32>
    %broadcast_in_dim3A_654 = vector.shape_cast %select_n3A_653 : vector<16xi32> to vector<16x1xi32>
    %gather3A_655 = vector.shape_cast %broadcast_in_dim3A_654 : vector<16x1xi32> to vector<16xi32>
    %gather3A_656 = tpu.dynamic_gather %mul3A_139[%gather3A_655] in [0] : vector<16xf32>, vector<16xi32> -> vector<16xf32>
    %broadcast_in_dim3A_657 = arith.constant 0 : i32
    %broadcast_in_dim3A_658 = vector.broadcast %broadcast_in_dim3A_657 : i32 to vector<16xi32>
    %add3A_659 = vector.broadcast %add3A_632 : i32 to vector<16xi32>
    %add3A_660 = arith.addi %broadcast_in_dim3A_658, %add3A_659 : vector<16xi32>
    %and3A_661 = arith.constant 15 : i32
    %and3A_662 = vector.broadcast %and3A_661 : i32 to vector<16xi32>
    %and3A_663 = arith.andi %add3A_660, %and3A_662 : vector<16xi32>
    %lt3A_664 = arith.constant 0 : i32
    %lt3A_665 = vector.broadcast %lt3A_664 : i32 to vector<16xi32>
    %lt3A_666 = arith.cmpi slt, %and3A_663, %lt3A_665 : vector<16xi32>
    %add3A_667 = arith.constant 16 : i32
    %add3A_668 = vector.broadcast %add3A_667 : i32 to vector<16xi32>
    %add3A_669 = arith.addi %and3A_663, %add3A_668 : vector<16xi32>
    %select_n3A_670 = arith.select %lt3A_666, %add3A_669, %and3A_663 : vector<16xi1>, vector<16xi32>
    %broadcast_in_dim3A_671 = vector.shape_cast %select_n3A_670 : vector<16xi32> to vector<16x1xi32>
    %gather3A_672 = vector.shape_cast %broadcast_in_dim3A_671 : vector<16x1xi32> to vector<16xi32>
    %gather3A_673 = tpu.dynamic_gather %mul3A_205[%gather3A_672] in [0] : vector<16xf32>, vector<16xi32> -> vector<16xf32>
    %select_n3A_674 = arith.select %lt3A_639, %gather3A_656, %gather3A_673 : vector<16xi1>, vector<16xf32>
    %get3A_675 = arith.constant 1 : i32
    %get3A_676 = arith.index_cast %get3A_675 : i32 to index
    %get3A_677 = arith.constant 0 : index
    %get3A_678 = tpu.vector_load %arg9[%get3A_676, %get3A_677] {strides = array<i32>} : memref<2x256xf32, #tpu.memory_space<vmem>>, vector<1x16xf32>,
    %get3A_679 = vector.shape_cast %get3A_678 : vector<1x16xf32> to vector<16xf32>
    %mul3A_680 = arith.mulf %select_n3A_674, %get3A_679 : vector<16xf32>
    %add3A_681 = arith.addf %scan3A_435#10, %mul3A_680 : vector<16xf32>
    %mul3A_682 = arith.mulf %select_n3A_674, %add3A_681 : vector<16xf32>
    %swap3A_683 = arith.constant 10 : i32
    %swap3A_684 = arith.index_cast %swap3A_683 : i32 to index
    %swap3A_685 = arith.constant 0 : index
    %swap3A_686 = tpu.vector_load %arg12[%swap3A_684, %swap3A_685] {strides = array<i32>} : memref<20x16xf32, #tpu.memory_space<vmem>>, vector<1x16xf32>,
    %swap3A_687 = vector.shape_cast %swap3A_686 : vector<1x16xf32> to vector<16xf32>
    %swap3A_688 = vector.shape_cast %mul3A_682 : vector<16xf32> to vector<1x16xf32>
    tpu.vector_store %arg12[%swap3A_684, %swap3A_685], %swap3A_688 {strides = array<i32>} : memref<20x16xf32, #tpu.memory_space<vmem>>, vector<1x16xf32>,
    %get3A_689 = arith.constant 1 : i32
    %get3A_690 = arith.index_cast %get3A_689 : i32 to index
    %get3A_691 = arith.constant 16 : index
    %get3A_692 = tpu.vector_load %arg9[%get3A_690, %get3A_691] {strides = array<i32>} : memref<2x256xf32, #tpu.memory_space<vmem>>, vector<1x16xf32>,
    %get3A_693 = vector.shape_cast %get3A_692 : vector<1x16xf32> to vector<16xf32>
    %mul3A_694 = arith.mulf %select_n3A_674, %get3A_693 : vector<16xf32>
    %add3A_695 = arith.addf %scan3A_435#11, %mul3A_694 : vector<16xf32>
    %mul3A_696 = arith.mulf %select_n3A_674, %add3A_695 : vector<16xf32>
    %swap3A_697 = arith.constant 11 : i32
    %swap3A_698 = arith.index_cast %swap3A_697 : i32 to index
    %swap3A_699 = arith.constant 0 : index
    %swap3A_700 = tpu.vector_load %arg12[%swap3A_698, %swap3A_699] {strides = array<i32>} : memref<20x16xf32, #tpu.memory_space<vmem>>, vector<1x16xf32>,
    %swap3A_701 = vector.shape_cast %swap3A_700 : vector<1x16xf32> to vector<16xf32>
    %swap3A_702 = vector.shape_cast %mul3A_696 : vector<16xf32> to vector<1x16xf32>
    tpu.vector_store %arg12[%swap3A_698, %swap3A_699], %swap3A_702 {strides = array<i32>} : memref<20x16xf32, #tpu.memory_space<vmem>>, vector<1x16xf32>,
    %get3A_703 = arith.constant 1 : i32
    %get3A_704 = arith.index_cast %get3A_703 : i32 to index
    %get3A_705 = arith.constant 32 : index
    %get3A_706 = tpu.vector_load %arg9[%get3A_704, %get3A_705] {strides = array<i32>} : memref<2x256xf32, #tpu.memory_space<vmem>>, vector<1x16xf32>,
    %get3A_707 = vector.shape_cast %get3A_706 : vector<1x16xf32> to vector<16xf32>
    %mul3A_708 = arith.mulf %select_n3A_674, %get3A_707 : vector<16xf32>
    %add3A_709 = arith.addf %scan3A_435#12, %mul3A_708 : vector<16xf32>
    %mul3A_710 = arith.mulf %select_n3A_674, %add3A_709 : vector<16xf32>
    %swap3A_711 = arith.constant 12 : i32
    %swap3A_712 = arith.index_cast %swap3A_711 : i32 to index
    %swap3A_713 = arith.constant 0 : index
    %swap3A_714 = tpu.vector_load %arg12[%swap3A_712, %swap3A_713] {strides = array<i32>} : memref<20x16xf32, #tpu.memory_space<vmem>>, vector<1x16xf32>,
    %swap3A_715 = vector.shape_cast %swap3A_714 : vector<1x16xf32> to vector<16xf32>
    %swap3A_716 = vector.shape_cast %mul3A_710 : vector<16xf32> to vector<1x16xf32>
    tpu.vector_store %arg12[%swap3A_712, %swap3A_713], %swap3A_716 {strides = array<i32>} : memref<20x16xf32, #tpu.memory_space<vmem>>, vector<1x16xf32>,
    %get3A_717 = arith.constant 1 : i32
    %get3A_718 = arith.index_cast %get3A_717 : i32 to index
    %get3A_719 = arith.constant 48 : index
    %get3A_720 = tpu.vector_load %arg9[%get3A_718, %get3A_719] {strides = array<i32>} : memref<2x256xf32, #tpu.memory_space<vmem>>, vector<1x16xf32>,
    %get3A_721 = vector.shape_cast %get3A_720 : vector<1x16xf32> to vector<16xf32>
    %mul3A_722 = arith.mulf %select_n3A_674, %get3A_721 : vector<16xf32>
    %add3A_723 = arith.addf %scan3A_435#13, %mul3A_722 : vector<16xf32>
    %mul3A_724 = arith.mulf %select_n3A_674, %add3A_723 : vector<16xf32>
    %swap3A_725 = arith.constant 13 : i32
    %swap3A_726 = arith.index_cast %swap3A_725 : i32 to index
    %swap3A_727 = arith.constant 0 : index
    %swap3A_728 = tpu.vector_load %arg12[%swap3A_726, %swap3A_727] {strides = array<i32>} : memref<20x16xf32, #tpu.memory_space<vmem>>, vector<1x16xf32>,
    %swap3A_729 = vector.shape_cast %swap3A_728 : vector<1x16xf32> to vector<16xf32>
    %swap3A_730 = vector.shape_cast %mul3A_724 : vector<16xf32> to vector<1x16xf32>
    tpu.vector_store %arg12[%swap3A_726, %swap3A_727], %swap3A_730 {strides = array<i32>} : memref<20x16xf32, #tpu.memory_space<vmem>>, vector<1x16xf32>,
    %get3A_731 = arith.constant 1 : i32
    %get3A_732 = arith.index_cast %get3A_731 : i32 to index
    %get3A_733 = arith.constant 64 : index
    %get3A_734 = tpu.vector_load %arg9[%get3A_732, %get3A_733] {strides = array<i32>} : memref<2x256xf32, #tpu.memory_space<vmem>>, vector<1x16xf32>,
    %get3A_735 = vector.shape_cast %get3A_734 : vector<1x16xf32> to vector<16xf32>
    %mul3A_736 = arith.mulf %select_n3A_674, %get3A_735 : vector<16xf32>
    %add3A_737 = arith.addf %scan3A_435#14, %mul3A_736 : vector<16xf32>
    %mul3A_738 = arith.mulf %select_n3A_674, %add3A_737 : vector<16xf32>
    %swap3A_739 = arith.constant 14 : i32
    %swap3A_740 = arith.index_cast %swap3A_739 : i32 to index
    %swap3A_741 = arith.constant 0 : index
    %swap3A_742 = tpu.vector_load %arg12[%swap3A_740, %swap3A_741] {strides = array<i32>} : memref<20x16xf32, #tpu.memory_space<vmem>>, vector<1x16xf32>,
    %swap3A_743 = vector.shape_cast %swap3A_742 : vector<1x16xf32> to vector<16xf32>
    %swap3A_744 = vector.shape_cast %mul3A_738 : vector<16xf32> to vector<1x16xf32>
    tpu.vector_store %arg12[%swap3A_740, %swap3A_741], %swap3A_744 {strides = array<i32>} : memref<20x16xf32, #tpu.memory_space<vmem>>, vector<1x16xf32>,
    %get3A_745 = arith.constant 1 : i32
    %get3A_746 = arith.index_cast %get3A_745 : i32 to index
    %get3A_747 = arith.constant 80 : index
    %get3A_748 = tpu.vector_load %arg9[%get3A_746, %get3A_747] {strides = array<i32>} : memref<2x256xf32, #tpu.memory_space<vmem>>, vector<1x16xf32>,
    %get3A_749 = vector.shape_cast %get3A_748 : vector<1x16xf32> to vector<16xf32>
    %mul3A_750 = arith.mulf %select_n3A_674, %get3A_749 : vector<16xf32>
    %add3A_751 = arith.addf %scan3A_435#15, %mul3A_750 : vector<16xf32>
    %mul3A_752 = arith.mulf %select_n3A_674, %add3A_751 : vector<16xf32>
    %swap3A_753 = arith.constant 15 : i32
    %swap3A_754 = arith.index_cast %swap3A_753 : i32 to index
    %swap3A_755 = arith.constant 0 : index
    %swap3A_756 = tpu.vector_load %arg12[%swap3A_754, %swap3A_755] {strides = array<i32>} : memref<20x16xf32, #tpu.memory_space<vmem>>, vector<1x16xf32>,
    %swap3A_757 = vector.shape_cast %swap3A_756 : vector<1x16xf32> to vector<16xf32>
    %swap3A_758 = vector.shape_cast %mul3A_752 : vector<16xf32> to vector<1x16xf32>
    tpu.vector_store %arg12[%swap3A_754, %swap3A_755], %swap3A_758 {strides = array<i32>} : memref<20x16xf32, #tpu.memory_space<vmem>>, vector<1x16xf32>,
    %get3A_759 = arith.constant 1 : i32
    %get3A_760 = arith.index_cast %get3A_759 : i32 to index
    %get3A_761 = arith.constant 96 : index
    %get3A_762 = tpu.vector_load %arg9[%get3A_760, %get3A_761] {strides = array<i32>} : memref<2x256xf32, #tpu.memory_space<vmem>>, vector<1x16xf32>,
    %get3A_763 = vector.shape_cast %get3A_762 : vector<1x16xf32> to vector<16xf32>
    %mul3A_764 = arith.mulf %select_n3A_674, %get3A_763 : vector<16xf32>
    %add3A_765 = arith.addf %scan3A_435#16, %mul3A_764 : vector<16xf32>
    %mul3A_766 = arith.mulf %select_n3A_674, %add3A_765 : vector<16xf32>
    %swap3A_767 = arith.constant 16 : i32
    %swap3A_768 = arith.index_cast %swap3A_767 : i32 to index
    %swap3A_769 = arith.constant 0 : index
    %swap3A_770 = tpu.vector_load %arg12[%swap3A_768, %swap3A_769] {strides = array<i32>} : memref<20x16xf32, #tpu.memory_space<vmem>>, vector<1x16xf32>,
    %swap3A_771 = vector.shape_cast %swap3A_770 : vector<1x16xf32> to vector<16xf32>
    %swap3A_772 = vector.shape_cast %mul3A_766 : vector<16xf32> to vector<1x16xf32>
    tpu.vector_store %arg12[%swap3A_768, %swap3A_769], %swap3A_772 {strides = array<i32>} : memref<20x16xf32, #tpu.memory_space<vmem>>, vector<1x16xf32>,
    %get3A_773 = arith.constant 1 : i32
    %get3A_774 = arith.index_cast %get3A_773 : i32 to index
    %get3A_775 = arith.constant 112 : index
    %get3A_776 = tpu.vector_load %arg9[%get3A_774, %get3A_775] {strides = array<i32>} : memref<2x256xf32, #tpu.memory_space<vmem>>, vector<1x16xf32>,
    %get3A_777 = vector.shape_cast %get3A_776 : vector<1x16xf32> to vector<16xf32>
    %mul3A_778 = arith.mulf %select_n3A_674, %get3A_777 : vector<16xf32>
    %add3A_779 = arith.addf %scan3A_435#17, %mul3A_778 : vector<16xf32>
    %mul3A_780 = arith.mulf %select_n3A_674, %add3A_779 : vector<16xf32>
    %swap3A_781 = arith.constant 17 : i32
    %swap3A_782 = arith.index_cast %swap3A_781 : i32 to index
    %swap3A_783 = arith.constant 0 : index
    %swap3A_784 = tpu.vector_load %arg12[%swap3A_782, %swap3A_783] {strides = array<i32>} : memref<20x16xf32, #tpu.memory_space<vmem>>, vector<1x16xf32>,
    %swap3A_785 = vector.shape_cast %swap3A_784 : vector<1x16xf32> to vector<16xf32>
    %swap3A_786 = vector.shape_cast %mul3A_780 : vector<16xf32> to vector<1x16xf32>
    tpu.vector_store %arg12[%swap3A_782, %swap3A_783], %swap3A_786 {strides = array<i32>} : memref<20x16xf32, #tpu.memory_space<vmem>>, vector<1x16xf32>,
    %get3A_787 = arith.constant 1 : i32
    %get3A_788 = arith.index_cast %get3A_787 : i32 to index
    %get3A_789 = arith.constant 128 : index
    %get3A_790 = tpu.vector_load %arg9[%get3A_788, %get3A_789] {strides = array<i32>} : memref<2x256xf32, #tpu.memory_space<vmem>>, vector<1x16xf32>,
    %get3A_791 = vector.shape_cast %get3A_790 : vector<1x16xf32> to vector<16xf32>
    %mul3A_792 = arith.mulf %select_n3A_674, %get3A_791 : vector<16xf32>
    %add3A_793 = arith.addf %scan3A_435#18, %mul3A_792 : vector<16xf32>
    %mul3A_794 = arith.mulf %select_n3A_674, %add3A_793 : vector<16xf32>
    %swap3A_795 = arith.constant 18 : i32
    %swap3A_796 = arith.index_cast %swap3A_795 : i32 to index
    %swap3A_797 = arith.constant 0 : index
    %swap3A_798 = tpu.vector_load %arg12[%swap3A_796, %swap3A_797] {strides = array<i32>} : memref<20x16xf32, #tpu.memory_space<vmem>>, vector<1x16xf32>,
    %swap3A_799 = vector.shape_cast %swap3A_798 : vector<1x16xf32> to vector<16xf32>
    %swap3A_800 = vector.shape_cast %mul3A_794 : vector<16xf32> to vector<1x16xf32>
    tpu.vector_store %arg12[%swap3A_796, %swap3A_797], %swap3A_800 {strides = array<i32>} : memref<20x16xf32, #tpu.memory_space<vmem>>, vector<1x16xf32>,
    %get3A_801 = arith.constant 1 : i32
    %get3A_802 = arith.index_cast %get3A_801 : i32 to index
    %get3A_803 = arith.constant 144 : index
    %get3A_804 = tpu.vector_load %arg9[%get3A_802, %get3A_803] {strides = array<i32>} : memref<2x256xf32, #tpu.memory_space<vmem>>, vector<1x16xf32>,
    %get3A_805 = vector.shape_cast %get3A_804 : vector<1x16xf32> to vector<16xf32>
    %mul3A_806 = arith.mulf %select_n3A_674, %get3A_805 : vector<16xf32>
    %add3A_807 = arith.addf %scan3A_435#19, %mul3A_806 : vector<16xf32>
    %mul3A_808 = arith.mulf %select_n3A_674, %add3A_807 : vector<16xf32>
    %swap3A_809 = arith.constant 19 : i32
    %swap3A_810 = arith.index_cast %swap3A_809 : i32 to index
    %swap3A_811 = arith.constant 0 : index
    %swap3A_812 = tpu.vector_load %arg12[%swap3A_810, %swap3A_811] {strides = array<i32>} : memref<20x16xf32, #tpu.memory_space<vmem>>, vector<1x16xf32>,
    %swap3A_813 = vector.shape_cast %swap3A_812 : vector<1x16xf32> to vector<16xf32>
    %swap3A_814 = vector.shape_cast %mul3A_808 : vector<16xf32> to vector<1x16xf32>
    tpu.vector_store %arg12[%swap3A_810, %swap3A_811], %swap3A_814 {strides = array<i32>} : memref<20x16xf32, #tpu.memory_space<vmem>>, vector<1x16xf32>,
    %broadcast_in_dim3A_815 = arith.constant 0 : i32
    %broadcast_in_dim3A_816 = vector.broadcast %broadcast_in_dim3A_815 : i32 to vector<16xi32>
    %add3A_817 = arith.constant 0 : i32
    %add3A_818 = vector.broadcast %add3A_817 : i32 to vector<16xi32>
    %add3A_819 = arith.addi %broadcast_in_dim3A_816, %add3A_818 : vector<16xi32>
    %lt3A_820 = arith.constant 0 : i32
    %lt3A_821 = vector.broadcast %lt3A_820 : i32 to vector<16xi32>
    %lt3A_822 = arith.cmpi slt, %add3A_819, %lt3A_821 : vector<16xi32>
    %add3A_823 = arith.constant 16 : i32
    %add3A_824 = vector.broadcast %add3A_823 : i32 to vector<16xi32>
    %add3A_825 = arith.addi %add3A_819, %add3A_824 : vector<16xi32>
    %select_n3A_826 = arith.select %lt3A_822, %add3A_825, %add3A_819 : vector<16xi1>, vector<16xi32>
    %broadcast_in_dim3A_827 = vector.shape_cast %select_n3A_826 : vector<16xi32> to vector<16x1xi32>
    %gather3A_828 = vector.shape_cast %broadcast_in_dim3A_827 : vector<16x1xi32> to vector<16xi32>
    %gather3A_829 = tpu.dynamic_gather %get3A_443[%gather3A_828] in [0] : vector<16xf32>, vector<16xi32> -> vector<16xf32>
    %broadcast_in_dim3A_830 = arith.constant 0 : i32
    %broadcast_in_dim3A_831 = vector.broadcast %broadcast_in_dim3A_830 : i32 to vector<16xi32>
    %add3A_832 = arith.constant 5 : i32
    %add3A_833 = vector.broadcast %add3A_832 : i32 to vector<16xi32>
    %add3A_834 = arith.addi %broadcast_in_dim3A_831, %add3A_833 : vector<16xi32>
    %lt3A_835 = arith.constant 0 : i32
    %lt3A_836 = vector.broadcast %lt3A_835 : i32 to vector<16xi32>
    %lt3A_837 = arith.cmpi slt, %add3A_834, %lt3A_836 : vector<16xi32>
    %add3A_838 = arith.constant 16 : i32
    %add3A_839 = vector.broadcast %add3A_838 : i32 to vector<16xi32>
    %add3A_840 = arith.addi %add3A_834, %add3A_839 : vector<16xi32>
    %select_n3A_841 = arith.select %lt3A_837, %add3A_840, %add3A_834 : vector<16xi1>, vector<16xi32>
    %broadcast_in_dim3A_842 = vector.shape_cast %select_n3A_841 : vector<16xi32> to vector<16x1xi32>
    %gather3A_843 = vector.shape_cast %broadcast_in_dim3A_842 : vector<16x1xi32> to vector<16xi32>
    %gather3A_844 = tpu.dynamic_gather %get3A_443[%gather3A_843] in [0] : vector<16xf32>, vector<16xi32> -> vector<16xf32>
    %scan3A_845 = arith.constant 0 : i32
    %scan3A_846 = arith.constant 10 : i32
    %scan3A_847 = arith.addi %scan3A_845, %scan3A_846 : i32
    %scan3A_848 = arith.constant 1 : i32
    %scan3A_849:6 = scf.for %scan3A_1700 = %scan3A_845 to %scan3A_847 step %scan3A_848 iter_args(%scan3A_1701 = %broadcast_in_dim3A_0, %scan3A_1702 = %broadcast_in_dim3A_0, %scan3A_1703 = %broadcast_in_dim3A_0, %scan3A_1704 = %broadcast_in_dim3A_0, %scan3A_1705 = %broadcast_in_dim3A_0, %scan3A_1706 = %broadcast_in_dim3A_0) -> (vector<16xf32>, vector<16xf32>, vector<16xf32>, vector<16xf32>, vector<16xf32>, vector<16xf32>)  : i32 {
      %get3A_1707 = arith.index_cast %scan3A_1700 : i32 to index
      %get3A_1708 = arith.constant 0 : index
      %get3A_1709 = tpu.vector_load %arg12[%get3A_1707, %get3A_1708] {strides = array<i32>} : memref<20x16xf32, #tpu.memory_space<vmem>>, vector<1x16xf32>,
      %get3A_1710 = vector.shape_cast %get3A_1709 : vector<1x16xf32> to vector<16xf32>
      %mul3A_1711 = arith.mulf %get3A_1710, %gather3A_829 : vector<16xf32>
      %add3A_1712 = arith.addf %mul3A_1711, %gather3A_844 : vector<16xf32>
      %max3A_1713 = arith.constant 0.000000e+00 : f32
      %max3A_1714 = vector.broadcast %max3A_1713 : f32 to vector<16xf32>
      %max3A_1715 = arith.maximumf %add3A_1712, %max3A_1714 : vector<16xf32>
      %add3A_1716 = arith.constant 10 : i32
      %add3A_1717 = arith.addi %add3A_1716, %scan3A_1700 : i32
      %get3A_1718 = arith.index_cast %add3A_1717 : i32 to index
      %get3A_1719 = arith.constant 0 : index
      %get3A_1720 = tpu.vector_load %arg12[%get3A_1718, %get3A_1719] {strides = array<i32>} : memref<20x16xf32, #tpu.memory_space<vmem>>, vector<1x16xf32>,
      %get3A_1721 = vector.shape_cast %get3A_1720 : vector<1x16xf32> to vector<16xf32>
      %mul3A_1722 = arith.mulf %get3A_1721, %gather3A_829 : vector<16xf32>
      %add3A_1723 = arith.addf %mul3A_1722, %gather3A_844 : vector<16xf32>
      %max3A_1724 = arith.constant 0.000000e+00 : f32
      %max3A_1725 = vector.broadcast %max3A_1724 : f32 to vector<16xf32>
      %max3A_1726 = arith.maximumf %add3A_1723, %max3A_1725 : vector<16xf32>
      %add3A_1727 = arith.constant 0 : i32
      %add3A_1728 = arith.addi %add3A_1727, %scan3A_1700 : i32
      %get3A_1729 = arith.index_cast %add3A_1728 : i32 to index
      %get3A_1730 = arith.constant 0 : index
      %get3A_1731 = tpu.vector_load %arg10[%get3A_1729, %get3A_1730] {strides = array<i32>} : memref<150x16xf32, #tpu.memory_space<vmem>>, vector<1x16xf32>,
      %get3A_1732 = vector.shape_cast %get3A_1731 : vector<1x16xf32> to vector<16xf32>
      %mul3A_1733 = arith.mulf %max3A_1715, %get3A_1732 : vector<16xf32>
      %add3A_1734 = arith.addf %scan3A_1701, %mul3A_1733 : vector<16xf32>
      %mul3A_1735 = arith.mulf %max3A_1726, %get3A_1732 : vector<16xf32>
      %add3A_1736 = arith.addf %scan3A_1704, %mul3A_1735 : vector<16xf32>
      %add3A_1737 = arith.constant 10 : i32
      %add3A_1738 = arith.addi %add3A_1737, %scan3A_1700 : i32
      %get3A_1739 = arith.index_cast %add3A_1738 : i32 to index
      %get3A_1740 = arith.constant 0 : index
      %get3A_1741 = tpu.vector_load %arg10[%get3A_1739, %get3A_1740] {strides = array<i32>} : memref<150x16xf32, #tpu.memory_space<vmem>>, vector<1x16xf32>,
      %get3A_1742 = vector.shape_cast %get3A_1741 : vector<1x16xf32> to vector<16xf32>
      %mul3A_1743 = arith.mulf %max3A_1715, %get3A_1742 : vector<16xf32>
      %add3A_1744 = arith.addf %scan3A_1702, %mul3A_1743 : vector<16xf32>
      %mul3A_1745 = arith.mulf %max3A_1726, %get3A_1742 : vector<16xf32>
      %add3A_1746 = arith.addf %scan3A_1705, %mul3A_1745 : vector<16xf32>
      %add3A_1747 = arith.constant 20 : i32
      %add3A_1748 = arith.addi %add3A_1747, %scan3A_1700 : i32
      %get3A_1749 = arith.index_cast %add3A_1748 : i32 to index
      %get3A_1750 = arith.constant 0 : index
      %get3A_1751 = tpu.vector_load %arg10[%get3A_1749, %get3A_1750] {strides = array<i32>} : memref<150x16xf32, #tpu.memory_space<vmem>>, vector<1x16xf32>,
      %get3A_1752 = vector.shape_cast %get3A_1751 : vector<1x16xf32> to vector<16xf32>
      %mul3A_1753 = arith.mulf %max3A_1715, %get3A_1752 : vector<16xf32>
      %add3A_1754 = arith.addf %scan3A_1703, %mul3A_1753 : vector<16xf32>
      %mul3A_1755 = arith.mulf %max3A_1726, %get3A_1752 : vector<16xf32>
      %add3A_1756 = arith.addf %scan3A_1706, %mul3A_1755 : vector<16xf32>
      scf.yield %add3A_1734, %add3A_1744, %add3A_1754, %add3A_1736, %add3A_1746, %add3A_1756 : vector<16xf32>, vector<16xf32>, vector<16xf32>, vector<16xf32>, vector<16xf32>, vector<16xf32>
    }
    %scan3A_850 = arith.constant 10 : i32
    %broadcast_in_dim3A_851 = arith.constant 0 : i32
    %broadcast_in_dim3A_852 = vector.broadcast %broadcast_in_dim3A_851 : i32 to vector<16xi32>
    %add3A_853 = arith.constant 1 : i32
    %add3A_854 = vector.broadcast %add3A_853 : i32 to vector<16xi32>
    %add3A_855 = arith.addi %broadcast_in_dim3A_852, %add3A_854 : vector<16xi32>
    %lt3A_856 = arith.constant 0 : i32
    %lt3A_857 = vector.broadcast %lt3A_856 : i32 to vector<16xi32>
    %lt3A_858 = arith.cmpi slt, %add3A_855, %lt3A_857 : vector<16xi32>
    %add3A_859 = arith.constant 16 : i32
    %add3A_860 = vector.broadcast %add3A_859 : i32 to vector<16xi32>
    %add3A_861 = arith.addi %add3A_855, %add3A_860 : vector<16xi32>
    %select_n3A_862 = arith.select %lt3A_858, %add3A_861, %add3A_855 : vector<16xi1>, vector<16xi32>
    %broadcast_in_dim3A_863 = vector.shape_cast %select_n3A_862 : vector<16xi32> to vector<16x1xi32>
    %gather3A_864 = vector.shape_cast %broadcast_in_dim3A_863 : vector<16x1xi32> to vector<16xi32>
    %gather3A_865 = tpu.dynamic_gather %get3A_443[%gather3A_864] in [0] : vector<16xf32>, vector<16xi32> -> vector<16xf32>
    %broadcast_in_dim3A_866 = arith.constant 0 : i32
    %broadcast_in_dim3A_867 = vector.broadcast %broadcast_in_dim3A_866 : i32 to vector<16xi32>
    %add3A_868 = arith.constant 6 : i32
    %add3A_869 = vector.broadcast %add3A_868 : i32 to vector<16xi32>
    %add3A_870 = arith.addi %broadcast_in_dim3A_867, %add3A_869 : vector<16xi32>
    %lt3A_871 = arith.constant 0 : i32
    %lt3A_872 = vector.broadcast %lt3A_871 : i32 to vector<16xi32>
    %lt3A_873 = arith.cmpi slt, %add3A_870, %lt3A_872 : vector<16xi32>
    %add3A_874 = arith.constant 16 : i32
    %add3A_875 = vector.broadcast %add3A_874 : i32 to vector<16xi32>
    %add3A_876 = arith.addi %add3A_870, %add3A_875 : vector<16xi32>
    %select_n3A_877 = arith.select %lt3A_873, %add3A_876, %add3A_870 : vector<16xi1>, vector<16xi32>
    %broadcast_in_dim3A_878 = vector.shape_cast %select_n3A_877 : vector<16xi32> to vector<16x1xi32>
    %gather3A_879 = vector.shape_cast %broadcast_in_dim3A_878 : vector<16x1xi32> to vector<16xi32>
    %gather3A_880 = tpu.dynamic_gather %get3A_443[%gather3A_879] in [0] : vector<16xf32>, vector<16xi32> -> vector<16xf32>
    %scan3A_881 = arith.constant 0 : i32
    %scan3A_882 = arith.constant 10 : i32
    %scan3A_883 = arith.addi %scan3A_881, %scan3A_882 : i32
    %scan3A_884 = arith.constant 1 : i32
    %scan3A_885:6 = scf.for %scan3A_1700 = %scan3A_881 to %scan3A_883 step %scan3A_884 iter_args(%scan3A_1701 = %scan3A_849#0, %scan3A_1702 = %scan3A_849#1, %scan3A_1703 = %scan3A_849#2, %scan3A_1704 = %scan3A_849#3, %scan3A_1705 = %scan3A_849#4, %scan3A_1706 = %scan3A_849#5) -> (vector<16xf32>, vector<16xf32>, vector<16xf32>, vector<16xf32>, vector<16xf32>, vector<16xf32>)  : i32 {
      %get3A_1707 = arith.index_cast %scan3A_1700 : i32 to index
      %get3A_1708 = arith.constant 0 : index
      %get3A_1709 = tpu.vector_load %arg12[%get3A_1707, %get3A_1708] {strides = array<i32>} : memref<20x16xf32, #tpu.memory_space<vmem>>, vector<1x16xf32>,
      %get3A_1710 = vector.shape_cast %get3A_1709 : vector<1x16xf32> to vector<16xf32>
      %mul3A_1711 = arith.mulf %get3A_1710, %gather3A_865 : vector<16xf32>
      %add3A_1712 = arith.addf %mul3A_1711, %gather3A_880 : vector<16xf32>
      %max3A_1713 = arith.constant 0.000000e+00 : f32
      %max3A_1714 = vector.broadcast %max3A_1713 : f32 to vector<16xf32>
      %max3A_1715 = arith.maximumf %add3A_1712, %max3A_1714 : vector<16xf32>
      %add3A_1716 = arith.constant 10 : i32
      %add3A_1717 = arith.addi %add3A_1716, %scan3A_1700 : i32
      %get3A_1718 = arith.index_cast %add3A_1717 : i32 to index
      %get3A_1719 = arith.constant 0 : index
      %get3A_1720 = tpu.vector_load %arg12[%get3A_1718, %get3A_1719] {strides = array<i32>} : memref<20x16xf32, #tpu.memory_space<vmem>>, vector<1x16xf32>,
      %get3A_1721 = vector.shape_cast %get3A_1720 : vector<1x16xf32> to vector<16xf32>
      %mul3A_1722 = arith.mulf %get3A_1721, %gather3A_865 : vector<16xf32>
      %add3A_1723 = arith.addf %mul3A_1722, %gather3A_880 : vector<16xf32>
      %max3A_1724 = arith.constant 0.000000e+00 : f32
      %max3A_1725 = vector.broadcast %max3A_1724 : f32 to vector<16xf32>
      %max3A_1726 = arith.maximumf %add3A_1723, %max3A_1725 : vector<16xf32>
      %add3A_1727 = arith.constant 30 : i32
      %add3A_1728 = arith.addi %add3A_1727, %scan3A_1700 : i32
      %get3A_1729 = arith.index_cast %add3A_1728 : i32 to index
      %get3A_1730 = arith.constant 0 : index
      %get3A_1731 = tpu.vector_load %arg10[%get3A_1729, %get3A_1730] {strides = array<i32>} : memref<150x16xf32, #tpu.memory_space<vmem>>, vector<1x16xf32>,
      %get3A_1732 = vector.shape_cast %get3A_1731 : vector<1x16xf32> to vector<16xf32>
      %mul3A_1733 = arith.mulf %max3A_1715, %get3A_1732 : vector<16xf32>
      %add3A_1734 = arith.addf %scan3A_1701, %mul3A_1733 : vector<16xf32>
      %mul3A_1735 = arith.mulf %max3A_1726, %get3A_1732 : vector<16xf32>
      %add3A_1736 = arith.addf %scan3A_1704, %mul3A_1735 : vector<16xf32>
      %add3A_1737 = arith.constant 40 : i32
      %add3A_1738 = arith.addi %add3A_1737, %scan3A_1700 : i32
      %get3A_1739 = arith.index_cast %add3A_1738 : i32 to index
      %get3A_1740 = arith.constant 0 : index
      %get3A_1741 = tpu.vector_load %arg10[%get3A_1739, %get3A_1740] {strides = array<i32>} : memref<150x16xf32, #tpu.memory_space<vmem>>, vector<1x16xf32>,
      %get3A_1742 = vector.shape_cast %get3A_1741 : vector<1x16xf32> to vector<16xf32>
      %mul3A_1743 = arith.mulf %max3A_1715, %get3A_1742 : vector<16xf32>
      %add3A_1744 = arith.addf %scan3A_1702, %mul3A_1743 : vector<16xf32>
      %mul3A_1745 = arith.mulf %max3A_1726, %get3A_1742 : vector<16xf32>
      %add3A_1746 = arith.addf %scan3A_1705, %mul3A_1745 : vector<16xf32>
      %add3A_1747 = arith.constant 50 : i32
      %add3A_1748 = arith.addi %add3A_1747, %scan3A_1700 : i32
      %get3A_1749 = arith.index_cast %add3A_1748 : i32 to index
      %get3A_1750 = arith.constant 0 : index
      %get3A_1751 = tpu.vector_load %arg10[%get3A_1749, %get3A_1750] {strides = array<i32>} : memref<150x16xf32, #tpu.memory_space<vmem>>, vector<1x16xf32>,
      %get3A_1752 = vector.shape_cast %get3A_1751 : vector<1x16xf32> to vector<16xf32>
      %mul3A_1753 = arith.mulf %max3A_1715, %get3A_1752 : vector<16xf32>
      %add3A_1754 = arith.addf %scan3A_1703, %mul3A_1753 : vector<16xf32>
      %mul3A_1755 = arith.mulf %max3A_1726, %get3A_1752 : vector<16xf32>
      %add3A_1756 = arith.addf %scan3A_1706, %mul3A_1755 : vector<16xf32>
      scf.yield %add3A_1734, %add3A_1744, %add3A_1754, %add3A_1736, %add3A_1746, %add3A_1756 : vector<16xf32>, vector<16xf32>, vector<16xf32>, vector<16xf32>, vector<16xf32>, vector<16xf32>
    }
    %scan3A_886 = arith.constant 10 : i32
    %broadcast_in_dim3A_887 = arith.constant 0 : i32
    %broadcast_in_dim3A_888 = vector.broadcast %broadcast_in_dim3A_887 : i32 to vector<16xi32>
    %add3A_889 = arith.constant 2 : i32
    %add3A_890 = vector.broadcast %add3A_889 : i32 to vector<16xi32>
    %add3A_891 = arith.addi %broadcast_in_dim3A_888, %add3A_890 : vector<16xi32>
    %lt3A_892 = arith.constant 0 : i32
    %lt3A_893 = vector.broadcast %lt3A_892 : i32 to vector<16xi32>
    %lt3A_894 = arith.cmpi slt, %add3A_891, %lt3A_893 : vector<16xi32>
    %add3A_895 = arith.constant 16 : i32
    %add3A_896 = vector.broadcast %add3A_895 : i32 to vector<16xi32>
    %add3A_897 = arith.addi %add3A_891, %add3A_896 : vector<16xi32>
    %select_n3A_898 = arith.select %lt3A_894, %add3A_897, %add3A_891 : vector<16xi1>, vector<16xi32>
    %broadcast_in_dim3A_899 = vector.shape_cast %select_n3A_898 : vector<16xi32> to vector<16x1xi32>
    %gather3A_900 = vector.shape_cast %broadcast_in_dim3A_899 : vector<16x1xi32> to vector<16xi32>
    %gather3A_901 = tpu.dynamic_gather %get3A_443[%gather3A_900] in [0] : vector<16xf32>, vector<16xi32> -> vector<16xf32>
    %broadcast_in_dim3A_902 = arith.constant 0 : i32
    %broadcast_in_dim3A_903 = vector.broadcast %broadcast_in_dim3A_902 : i32 to vector<16xi32>
    %add3A_904 = arith.constant 7 : i32
    %add3A_905 = vector.broadcast %add3A_904 : i32 to vector<16xi32>
    %add3A_906 = arith.addi %broadcast_in_dim3A_903, %add3A_905 : vector<16xi32>
    %lt3A_907 = arith.constant 0 : i32
    %lt3A_908 = vector.broadcast %lt3A_907 : i32 to vector<16xi32>
    %lt3A_909 = arith.cmpi slt, %add3A_906, %lt3A_908 : vector<16xi32>
    %add3A_910 = arith.constant 16 : i32
    %add3A_911 = vector.broadcast %add3A_910 : i32 to vector<16xi32>
    %add3A_912 = arith.addi %add3A_906, %add3A_911 : vector<16xi32>
    %select_n3A_913 = arith.select %lt3A_909, %add3A_912, %add3A_906 : vector<16xi1>, vector<16xi32>
    %broadcast_in_dim3A_914 = vector.shape_cast %select_n3A_913 : vector<16xi32> to vector<16x1xi32>
    %gather3A_915 = vector.shape_cast %broadcast_in_dim3A_914 : vector<16x1xi32> to vector<16xi32>
    %gather3A_916 = tpu.dynamic_gather %get3A_443[%gather3A_915] in [0] : vector<16xf32>, vector<16xi32> -> vector<16xf32>
    %scan3A_917 = arith.constant 0 : i32
    %scan3A_918 = arith.constant 10 : i32
    %scan3A_919 = arith.addi %scan3A_917, %scan3A_918 : i32
    %scan3A_920 = arith.constant 1 : i32
    %scan3A_921:6 = scf.for %scan3A_1700 = %scan3A_917 to %scan3A_919 step %scan3A_920 iter_args(%scan3A_1701 = %scan3A_885#0, %scan3A_1702 = %scan3A_885#1, %scan3A_1703 = %scan3A_885#2, %scan3A_1704 = %scan3A_885#3, %scan3A_1705 = %scan3A_885#4, %scan3A_1706 = %scan3A_885#5) -> (vector<16xf32>, vector<16xf32>, vector<16xf32>, vector<16xf32>, vector<16xf32>, vector<16xf32>)  : i32 {
      %get3A_1707 = arith.index_cast %scan3A_1700 : i32 to index
      %get3A_1708 = arith.constant 0 : index
      %get3A_1709 = tpu.vector_load %arg12[%get3A_1707, %get3A_1708] {strides = array<i32>} : memref<20x16xf32, #tpu.memory_space<vmem>>, vector<1x16xf32>,
      %get3A_1710 = vector.shape_cast %get3A_1709 : vector<1x16xf32> to vector<16xf32>
      %mul3A_1711 = arith.mulf %get3A_1710, %gather3A_901 : vector<16xf32>
      %add3A_1712 = arith.addf %mul3A_1711, %gather3A_916 : vector<16xf32>
      %max3A_1713 = arith.constant 0.000000e+00 : f32
      %max3A_1714 = vector.broadcast %max3A_1713 : f32 to vector<16xf32>
      %max3A_1715 = arith.maximumf %add3A_1712, %max3A_1714 : vector<16xf32>
      %add3A_1716 = arith.constant 10 : i32
      %add3A_1717 = arith.addi %add3A_1716, %scan3A_1700 : i32
      %get3A_1718 = arith.index_cast %add3A_1717 : i32 to index
      %get3A_1719 = arith.constant 0 : index
      %get3A_1720 = tpu.vector_load %arg12[%get3A_1718, %get3A_1719] {strides = array<i32>} : memref<20x16xf32, #tpu.memory_space<vmem>>, vector<1x16xf32>,
      %get3A_1721 = vector.shape_cast %get3A_1720 : vector<1x16xf32> to vector<16xf32>
      %mul3A_1722 = arith.mulf %get3A_1721, %gather3A_901 : vector<16xf32>
      %add3A_1723 = arith.addf %mul3A_1722, %gather3A_916 : vector<16xf32>
      %max3A_1724 = arith.constant 0.000000e+00 : f32
      %max3A_1725 = vector.broadcast %max3A_1724 : f32 to vector<16xf32>
      %max3A_1726 = arith.maximumf %add3A_1723, %max3A_1725 : vector<16xf32>
      %add3A_1727 = arith.constant 60 : i32
      %add3A_1728 = arith.addi %add3A_1727, %scan3A_1700 : i32
      %get3A_1729 = arith.index_cast %add3A_1728 : i32 to index
      %get3A_1730 = arith.constant 0 : index
      %get3A_1731 = tpu.vector_load %arg10[%get3A_1729, %get3A_1730] {strides = array<i32>} : memref<150x16xf32, #tpu.memory_space<vmem>>, vector<1x16xf32>,
      %get3A_1732 = vector.shape_cast %get3A_1731 : vector<1x16xf32> to vector<16xf32>
      %mul3A_1733 = arith.mulf %max3A_1715, %get3A_1732 : vector<16xf32>
      %add3A_1734 = arith.addf %scan3A_1701, %mul3A_1733 : vector<16xf32>
      %mul3A_1735 = arith.mulf %max3A_1726, %get3A_1732 : vector<16xf32>
      %add3A_1736 = arith.addf %scan3A_1704, %mul3A_1735 : vector<16xf32>
      %add3A_1737 = arith.constant 70 : i32
      %add3A_1738 = arith.addi %add3A_1737, %scan3A_1700 : i32
      %get3A_1739 = arith.index_cast %add3A_1738 : i32 to index
      %get3A_1740 = arith.constant 0 : index
      %get3A_1741 = tpu.vector_load %arg10[%get3A_1739, %get3A_1740] {strides = array<i32>} : memref<150x16xf32, #tpu.memory_space<vmem>>, vector<1x16xf32>,
      %get3A_1742 = vector.shape_cast %get3A_1741 : vector<1x16xf32> to vector<16xf32>
      %mul3A_1743 = arith.mulf %max3A_1715, %get3A_1742 : vector<16xf32>
      %add3A_1744 = arith.addf %scan3A_1702, %mul3A_1743 : vector<16xf32>
      %mul3A_1745 = arith.mulf %max3A_1726, %get3A_1742 : vector<16xf32>
      %add3A_1746 = arith.addf %scan3A_1705, %mul3A_1745 : vector<16xf32>
      %add3A_1747 = arith.constant 80 : i32
      %add3A_1748 = arith.addi %add3A_1747, %scan3A_1700 : i32
      %get3A_1749 = arith.index_cast %add3A_1748 : i32 to index
      %get3A_1750 = arith.constant 0 : index
      %get3A_1751 = tpu.vector_load %arg10[%get3A_1749, %get3A_1750] {strides = array<i32>} : memref<150x16xf32, #tpu.memory_space<vmem>>, vector<1x16xf32>,
      %get3A_1752 = vector.shape_cast %get3A_1751 : vector<1x16xf32> to vector<16xf32>
      %mul3A_1753 = arith.mulf %max3A_1715, %get3A_1752 : vector<16xf32>
      %add3A_1754 = arith.addf %scan3A_1703, %mul3A_1753 : vector<16xf32>
      %mul3A_1755 = arith.mulf %max3A_1726, %get3A_1752 : vector<16xf32>
      %add3A_1756 = arith.addf %scan3A_1706, %mul3A_1755 : vector<16xf32>
      scf.yield %add3A_1734, %add3A_1744, %add3A_1754, %add3A_1736, %add3A_1746, %add3A_1756 : vector<16xf32>, vector<16xf32>, vector<16xf32>, vector<16xf32>, vector<16xf32>, vector<16xf32>
    }
    %scan3A_922 = arith.constant 10 : i32
    %broadcast_in_dim3A_923 = arith.constant 0 : i32
    %broadcast_in_dim3A_924 = vector.broadcast %broadcast_in_dim3A_923 : i32 to vector<16xi32>
    %add3A_925 = arith.constant 3 : i32
    %add3A_926 = vector.broadcast %add3A_925 : i32 to vector<16xi32>
    %add3A_927 = arith.addi %broadcast_in_dim3A_924, %add3A_926 : vector<16xi32>
    %lt3A_928 = arith.constant 0 : i32
    %lt3A_929 = vector.broadcast %lt3A_928 : i32 to vector<16xi32>
    %lt3A_930 = arith.cmpi slt, %add3A_927, %lt3A_929 : vector<16xi32>
    %add3A_931 = arith.constant 16 : i32
    %add3A_932 = vector.broadcast %add3A_931 : i32 to vector<16xi32>
    %add3A_933 = arith.addi %add3A_927, %add3A_932 : vector<16xi32>
    %select_n3A_934 = arith.select %lt3A_930, %add3A_933, %add3A_927 : vector<16xi1>, vector<16xi32>
    %broadcast_in_dim3A_935 = vector.shape_cast %select_n3A_934 : vector<16xi32> to vector<16x1xi32>
    %gather3A_936 = vector.shape_cast %broadcast_in_dim3A_935 : vector<16x1xi32> to vector<16xi32>
    %gather3A_937 = tpu.dynamic_gather %get3A_443[%gather3A_936] in [0] : vector<16xf32>, vector<16xi32> -> vector<16xf32>
    %broadcast_in_dim3A_938 = arith.constant 0 : i32
    %broadcast_in_dim3A_939 = vector.broadcast %broadcast_in_dim3A_938 : i32 to vector<16xi32>
    %add3A_940 = arith.constant 8 : i32
    %add3A_941 = vector.broadcast %add3A_940 : i32 to vector<16xi32>
    %add3A_942 = arith.addi %broadcast_in_dim3A_939, %add3A_941 : vector<16xi32>
    %lt3A_943 = arith.constant 0 : i32
    %lt3A_944 = vector.broadcast %lt3A_943 : i32 to vector<16xi32>
    %lt3A_945 = arith.cmpi slt, %add3A_942, %lt3A_944 : vector<16xi32>
    %add3A_946 = arith.constant 16 : i32
    %add3A_947 = vector.broadcast %add3A_946 : i32 to vector<16xi32>
    %add3A_948 = arith.addi %add3A_942, %add3A_947 : vector<16xi32>
    %select_n3A_949 = arith.select %lt3A_945, %add3A_948, %add3A_942 : vector<16xi1>, vector<16xi32>
    %broadcast_in_dim3A_950 = vector.shape_cast %select_n3A_949 : vector<16xi32> to vector<16x1xi32>
    %gather3A_951 = vector.shape_cast %broadcast_in_dim3A_950 : vector<16x1xi32> to vector<16xi32>
    %gather3A_952 = tpu.dynamic_gather %get3A_443[%gather3A_951] in [0] : vector<16xf32>, vector<16xi32> -> vector<16xf32>
    %scan3A_953 = arith.constant 0 : i32
    %scan3A_954 = arith.constant 10 : i32
    %scan3A_955 = arith.addi %scan3A_953, %scan3A_954 : i32
    %scan3A_956 = arith.constant 1 : i32
    %scan3A_957:6 = scf.for %scan3A_1700 = %scan3A_953 to %scan3A_955 step %scan3A_956 iter_args(%scan3A_1701 = %scan3A_921#0, %scan3A_1702 = %scan3A_921#1, %scan3A_1703 = %scan3A_921#2, %scan3A_1704 = %scan3A_921#3, %scan3A_1705 = %scan3A_921#4, %scan3A_1706 = %scan3A_921#5) -> (vector<16xf32>, vector<16xf32>, vector<16xf32>, vector<16xf32>, vector<16xf32>, vector<16xf32>)  : i32 {
      %get3A_1707 = arith.index_cast %scan3A_1700 : i32 to index
      %get3A_1708 = arith.constant 0 : index
      %get3A_1709 = tpu.vector_load %arg12[%get3A_1707, %get3A_1708] {strides = array<i32>} : memref<20x16xf32, #tpu.memory_space<vmem>>, vector<1x16xf32>,
      %get3A_1710 = vector.shape_cast %get3A_1709 : vector<1x16xf32> to vector<16xf32>
      %mul3A_1711 = arith.mulf %get3A_1710, %gather3A_937 : vector<16xf32>
      %add3A_1712 = arith.addf %mul3A_1711, %gather3A_952 : vector<16xf32>
      %max3A_1713 = arith.constant 0.000000e+00 : f32
      %max3A_1714 = vector.broadcast %max3A_1713 : f32 to vector<16xf32>
      %max3A_1715 = arith.maximumf %add3A_1712, %max3A_1714 : vector<16xf32>
      %add3A_1716 = arith.constant 10 : i32
      %add3A_1717 = arith.addi %add3A_1716, %scan3A_1700 : i32
      %get3A_1718 = arith.index_cast %add3A_1717 : i32 to index
      %get3A_1719 = arith.constant 0 : index
      %get3A_1720 = tpu.vector_load %arg12[%get3A_1718, %get3A_1719] {strides = array<i32>} : memref<20x16xf32, #tpu.memory_space<vmem>>, vector<1x16xf32>,
      %get3A_1721 = vector.shape_cast %get3A_1720 : vector<1x16xf32> to vector<16xf32>
      %mul3A_1722 = arith.mulf %get3A_1721, %gather3A_937 : vector<16xf32>
      %add3A_1723 = arith.addf %mul3A_1722, %gather3A_952 : vector<16xf32>
      %max3A_1724 = arith.constant 0.000000e+00 : f32
      %max3A_1725 = vector.broadcast %max3A_1724 : f32 to vector<16xf32>
      %max3A_1726 = arith.maximumf %add3A_1723, %max3A_1725 : vector<16xf32>
      %add3A_1727 = arith.constant 90 : i32
      %add3A_1728 = arith.addi %add3A_1727, %scan3A_1700 : i32
      %get3A_1729 = arith.index_cast %add3A_1728 : i32 to index
      %get3A_1730 = arith.constant 0 : index
      %get3A_1731 = tpu.vector_load %arg10[%get3A_1729, %get3A_1730] {strides = array<i32>} : memref<150x16xf32, #tpu.memory_space<vmem>>, vector<1x16xf32>,
      %get3A_1732 = vector.shape_cast %get3A_1731 : vector<1x16xf32> to vector<16xf32>
      %mul3A_1733 = arith.mulf %max3A_1715, %get3A_1732 : vector<16xf32>
      %add3A_1734 = arith.addf %scan3A_1701, %mul3A_1733 : vector<16xf32>
      %mul3A_1735 = arith.mulf %max3A_1726, %get3A_1732 : vector<16xf32>
      %add3A_1736 = arith.addf %scan3A_1704, %mul3A_1735 : vector<16xf32>
      %add3A_1737 = arith.constant 100 : i32
      %add3A_1738 = arith.addi %add3A_1737, %scan3A_1700 : i32
      %get3A_1739 = arith.index_cast %add3A_1738 : i32 to index
      %get3A_1740 = arith.constant 0 : index
      %get3A_1741 = tpu.vector_load %arg10[%get3A_1739, %get3A_1740] {strides = array<i32>} : memref<150x16xf32, #tpu.memory_space<vmem>>, vector<1x16xf32>,
      %get3A_1742 = vector.shape_cast %get3A_1741 : vector<1x16xf32> to vector<16xf32>
      %mul3A_1743 = arith.mulf %max3A_1715, %get3A_1742 : vector<16xf32>
      %add3A_1744 = arith.addf %scan3A_1702, %mul3A_1743 : vector<16xf32>
      %mul3A_1745 = arith.mulf %max3A_1726, %get3A_1742 : vector<16xf32>
      %add3A_1746 = arith.addf %scan3A_1705, %mul3A_1745 : vector<16xf32>
      %add3A_1747 = arith.constant 110 : i32
      %add3A_1748 = arith.addi %add3A_1747, %scan3A_1700 : i32
      %get3A_1749 = arith.index_cast %add3A_1748 : i32 to index
      %get3A_1750 = arith.constant 0 : index
      %get3A_1751 = tpu.vector_load %arg10[%get3A_1749, %get3A_1750] {strides = array<i32>} : memref<150x16xf32, #tpu.memory_space<vmem>>, vector<1x16xf32>,
      %get3A_1752 = vector.shape_cast %get3A_1751 : vector<1x16xf32> to vector<16xf32>
      %mul3A_1753 = arith.mulf %max3A_1715, %get3A_1752 : vector<16xf32>
      %add3A_1754 = arith.addf %scan3A_1703, %mul3A_1753 : vector<16xf32>
      %mul3A_1755 = arith.mulf %max3A_1726, %get3A_1752 : vector<16xf32>
      %add3A_1756 = arith.addf %scan3A_1706, %mul3A_1755 : vector<16xf32>
      scf.yield %add3A_1734, %add3A_1744, %add3A_1754, %add3A_1736, %add3A_1746, %add3A_1756 : vector<16xf32>, vector<16xf32>, vector<16xf32>, vector<16xf32>, vector<16xf32>, vector<16xf32>
    }
    %scan3A_958 = arith.constant 10 : i32
    %broadcast_in_dim3A_959 = arith.constant 0 : i32
    %broadcast_in_dim3A_960 = vector.broadcast %broadcast_in_dim3A_959 : i32 to vector<16xi32>
    %add3A_961 = arith.constant 4 : i32
    %add3A_962 = vector.broadcast %add3A_961 : i32 to vector<16xi32>
    %add3A_963 = arith.addi %broadcast_in_dim3A_960, %add3A_962 : vector<16xi32>
    %lt3A_964 = arith.constant 0 : i32
    %lt3A_965 = vector.broadcast %lt3A_964 : i32 to vector<16xi32>
    %lt3A_966 = arith.cmpi slt, %add3A_963, %lt3A_965 : vector<16xi32>
    %add3A_967 = arith.constant 16 : i32
    %add3A_968 = vector.broadcast %add3A_967 : i32 to vector<16xi32>
    %add3A_969 = arith.addi %add3A_963, %add3A_968 : vector<16xi32>
    %select_n3A_970 = arith.select %lt3A_966, %add3A_969, %add3A_963 : vector<16xi1>, vector<16xi32>
    %broadcast_in_dim3A_971 = vector.shape_cast %select_n3A_970 : vector<16xi32> to vector<16x1xi32>
    %gather3A_972 = vector.shape_cast %broadcast_in_dim3A_971 : vector<16x1xi32> to vector<16xi32>
    %gather3A_973 = tpu.dynamic_gather %get3A_443[%gather3A_972] in [0] : vector<16xf32>, vector<16xi32> -> vector<16xf32>
    %broadcast_in_dim3A_974 = arith.constant 0 : i32
    %broadcast_in_dim3A_975 = vector.broadcast %broadcast_in_dim3A_974 : i32 to vector<16xi32>
    %add3A_976 = arith.constant 9 : i32
    %add3A_977 = vector.broadcast %add3A_976 : i32 to vector<16xi32>
    %add3A_978 = arith.addi %broadcast_in_dim3A_975, %add3A_977 : vector<16xi32>
    %lt3A_979 = arith.constant 0 : i32
    %lt3A_980 = vector.broadcast %lt3A_979 : i32 to vector<16xi32>
    %lt3A_981 = arith.cmpi slt, %add3A_978, %lt3A_980 : vector<16xi32>
    %add3A_982 = arith.constant 16 : i32
    %add3A_983 = vector.broadcast %add3A_982 : i32 to vector<16xi32>
    %add3A_984 = arith.addi %add3A_978, %add3A_983 : vector<16xi32>
    %select_n3A_985 = arith.select %lt3A_981, %add3A_984, %add3A_978 : vector<16xi1>, vector<16xi32>
    %broadcast_in_dim3A_986 = vector.shape_cast %select_n3A_985 : vector<16xi32> to vector<16x1xi32>
    %gather3A_987 = vector.shape_cast %broadcast_in_dim3A_986 : vector<16x1xi32> to vector<16xi32>
    %gather3A_988 = tpu.dynamic_gather %get3A_443[%gather3A_987] in [0] : vector<16xf32>, vector<16xi32> -> vector<16xf32>
    %scan3A_989 = arith.constant 0 : i32
    %scan3A_990 = arith.constant 10 : i32
    %scan3A_991 = arith.addi %scan3A_989, %scan3A_990 : i32
    %scan3A_992 = arith.constant 1 : i32
    %scan3A_993:6 = scf.for %scan3A_1700 = %scan3A_989 to %scan3A_991 step %scan3A_992 iter_args(%scan3A_1701 = %scan3A_957#0, %scan3A_1702 = %scan3A_957#1, %scan3A_1703 = %scan3A_957#2, %scan3A_1704 = %scan3A_957#3, %scan3A_1705 = %scan3A_957#4, %scan3A_1706 = %scan3A_957#5) -> (vector<16xf32>, vector<16xf32>, vector<16xf32>, vector<16xf32>, vector<16xf32>, vector<16xf32>)  : i32 {
      %get3A_1707 = arith.index_cast %scan3A_1700 : i32 to index
      %get3A_1708 = arith.constant 0 : index
      %get3A_1709 = tpu.vector_load %arg12[%get3A_1707, %get3A_1708] {strides = array<i32>} : memref<20x16xf32, #tpu.memory_space<vmem>>, vector<1x16xf32>,
      %get3A_1710 = vector.shape_cast %get3A_1709 : vector<1x16xf32> to vector<16xf32>
      %mul3A_1711 = arith.mulf %get3A_1710, %gather3A_973 : vector<16xf32>
      %add3A_1712 = arith.addf %mul3A_1711, %gather3A_988 : vector<16xf32>
      %max3A_1713 = arith.constant 0.000000e+00 : f32
      %max3A_1714 = vector.broadcast %max3A_1713 : f32 to vector<16xf32>
      %max3A_1715 = arith.maximumf %add3A_1712, %max3A_1714 : vector<16xf32>
      %add3A_1716 = arith.constant 10 : i32
      %add3A_1717 = arith.addi %add3A_1716, %scan3A_1700 : i32
      %get3A_1718 = arith.index_cast %add3A_1717 : i32 to index
      %get3A_1719 = arith.constant 0 : index
      %get3A_1720 = tpu.vector_load %arg12[%get3A_1718, %get3A_1719] {strides = array<i32>} : memref<20x16xf32, #tpu.memory_space<vmem>>, vector<1x16xf32>,
      %get3A_1721 = vector.shape_cast %get3A_1720 : vector<1x16xf32> to vector<16xf32>
      %mul3A_1722 = arith.mulf %get3A_1721, %gather3A_973 : vector<16xf32>
      %add3A_1723 = arith.addf %mul3A_1722, %gather3A_988 : vector<16xf32>
      %max3A_1724 = arith.constant 0.000000e+00 : f32
      %max3A_1725 = vector.broadcast %max3A_1724 : f32 to vector<16xf32>
      %max3A_1726 = arith.maximumf %add3A_1723, %max3A_1725 : vector<16xf32>
      %add3A_1727 = arith.constant 120 : i32
      %add3A_1728 = arith.addi %add3A_1727, %scan3A_1700 : i32
      %get3A_1729 = arith.index_cast %add3A_1728 : i32 to index
      %get3A_1730 = arith.constant 0 : index
      %get3A_1731 = tpu.vector_load %arg10[%get3A_1729, %get3A_1730] {strides = array<i32>} : memref<150x16xf32, #tpu.memory_space<vmem>>, vector<1x16xf32>,
      %get3A_1732 = vector.shape_cast %get3A_1731 : vector<1x16xf32> to vector<16xf32>
      %mul3A_1733 = arith.mulf %max3A_1715, %get3A_1732 : vector<16xf32>
      %add3A_1734 = arith.addf %scan3A_1701, %mul3A_1733 : vector<16xf32>
      %mul3A_1735 = arith.mulf %max3A_1726, %get3A_1732 : vector<16xf32>
      %add3A_1736 = arith.addf %scan3A_1704, %mul3A_1735 : vector<16xf32>
      %add3A_1737 = arith.constant 130 : i32
      %add3A_1738 = arith.addi %add3A_1737, %scan3A_1700 : i32
      %get3A_1739 = arith.index_cast %add3A_1738 : i32 to index
      %get3A_1740 = arith.constant 0 : index
      %get3A_1741 = tpu.vector_load %arg10[%get3A_1739, %get3A_1740] {strides = array<i32>} : memref<150x16xf32, #tpu.memory_space<vmem>>, vector<1x16xf32>,
      %get3A_1742 = vector.shape_cast %get3A_1741 : vector<1x16xf32> to vector<16xf32>
      %mul3A_1743 = arith.mulf %max3A_1715, %get3A_1742 : vector<16xf32>
      %add3A_1744 = arith.addf %scan3A_1702, %mul3A_1743 : vector<16xf32>
      %mul3A_1745 = arith.mulf %max3A_1726, %get3A_1742 : vector<16xf32>
      %add3A_1746 = arith.addf %scan3A_1705, %mul3A_1745 : vector<16xf32>
      %add3A_1747 = arith.constant 140 : i32
      %add3A_1748 = arith.addi %add3A_1747, %scan3A_1700 : i32
      %get3A_1749 = arith.index_cast %add3A_1748 : i32 to index
      %get3A_1750 = arith.constant 0 : index
      %get3A_1751 = tpu.vector_load %arg10[%get3A_1749, %get3A_1750] {strides = array<i32>} : memref<150x16xf32, #tpu.memory_space<vmem>>, vector<1x16xf32>,
      %get3A_1752 = vector.shape_cast %get3A_1751 : vector<1x16xf32> to vector<16xf32>
      %mul3A_1753 = arith.mulf %max3A_1715, %get3A_1752 : vector<16xf32>
      %add3A_1754 = arith.addf %scan3A_1703, %mul3A_1753 : vector<16xf32>
      %mul3A_1755 = arith.mulf %max3A_1726, %get3A_1752 : vector<16xf32>
      %add3A_1756 = arith.addf %scan3A_1706, %mul3A_1755 : vector<16xf32>
      scf.yield %add3A_1734, %add3A_1744, %add3A_1754, %add3A_1736, %add3A_1746, %add3A_1756 : vector<16xf32>, vector<16xf32>, vector<16xf32>, vector<16xf32>, vector<16xf32>, vector<16xf32>
    }
    %scan3A_994 = arith.constant 10 : i32
    %iota3A_995 = tpu.iota {dimensions = array<i32: 0>} : vector<16xi32>
    %xor3A = arith.constant 8 : i32
    %xor3A_996 = vector.broadcast %xor3A : i32 to vector<16xi32>
    %xor3A_997 = arith.xori %iota3A_995, %xor3A_996 : vector<16xi32>
    %lt3A_998 = arith.constant 0 : i32
    %lt3A_999 = vector.broadcast %lt3A_998 : i32 to vector<16xi32>
    %lt3A_1000 = arith.cmpi slt, %xor3A_997, %lt3A_999 : vector<16xi32>
    %add3A_1001 = arith.constant 16 : i32
    %add3A_1002 = vector.broadcast %add3A_1001 : i32 to vector<16xi32>
    %add3A_1003 = arith.addi %xor3A_997, %add3A_1002 : vector<16xi32>
    %select_n3A_1004 = arith.select %lt3A_1000, %add3A_1003, %xor3A_997 : vector<16xi1>, vector<16xi32>
    %broadcast_in_dim3A_1005 = vector.shape_cast %select_n3A_1004 : vector<16xi32> to vector<16x1xi32>
    %gather3A_1006 = vector.shape_cast %broadcast_in_dim3A_1005 : vector<16x1xi32> to vector<16xi32>
    %gather3A_1007 = tpu.dynamic_gather %scan3A_993#0[%gather3A_1006] in [0] : vector<16xf32>, vector<16xi32> -> vector<16xf32>
    %add3A_1008 = arith.addf %scan3A_993#0, %gather3A_1007 : vector<16xf32>
    %iota3A_1009 = tpu.iota {dimensions = array<i32: 0>} : vector<16xi32>
    %xor3A_1010 = arith.constant 4 : i32
    %xor3A_1011 = vector.broadcast %xor3A_1010 : i32 to vector<16xi32>
    %xor3A_1012 = arith.xori %iota3A_1009, %xor3A_1011 : vector<16xi32>
    %lt3A_1013 = arith.constant 0 : i32
    %lt3A_1014 = vector.broadcast %lt3A_1013 : i32 to vector<16xi32>
    %lt3A_1015 = arith.cmpi slt, %xor3A_1012, %lt3A_1014 : vector<16xi32>
    %add3A_1016 = arith.constant 16 : i32
    %add3A_1017 = vector.broadcast %add3A_1016 : i32 to vector<16xi32>
    %add3A_1018 = arith.addi %xor3A_1012, %add3A_1017 : vector<16xi32>
    %select_n3A_1019 = arith.select %lt3A_1015, %add3A_1018, %xor3A_1012 : vector<16xi1>, vector<16xi32>
    %broadcast_in_dim3A_1020 = vector.shape_cast %select_n3A_1019 : vector<16xi32> to vector<16x1xi32>
    %gather3A_1021 = vector.shape_cast %broadcast_in_dim3A_1020 : vector<16x1xi32> to vector<16xi32>
    %gather3A_1022 = tpu.dynamic_gather %add3A_1008[%gather3A_1021] in [0] : vector<16xf32>, vector<16xi32> -> vector<16xf32>
    %add3A_1023 = arith.addf %add3A_1008, %gather3A_1022 : vector<16xf32>
    %iota3A_1024 = tpu.iota {dimensions = array<i32: 0>} : vector<16xi32>
    %xor3A_1025 = arith.constant 2 : i32
    %xor3A_1026 = vector.broadcast %xor3A_1025 : i32 to vector<16xi32>
    %xor3A_1027 = arith.xori %iota3A_1024, %xor3A_1026 : vector<16xi32>
    %lt3A_1028 = arith.constant 0 : i32
    %lt3A_1029 = vector.broadcast %lt3A_1028 : i32 to vector<16xi32>
    %lt3A_1030 = arith.cmpi slt, %xor3A_1027, %lt3A_1029 : vector<16xi32>
    %add3A_1031 = arith.constant 16 : i32
    %add3A_1032 = vector.broadcast %add3A_1031 : i32 to vector<16xi32>
    %add3A_1033 = arith.addi %xor3A_1027, %add3A_1032 : vector<16xi32>
    %select_n3A_1034 = arith.select %lt3A_1030, %add3A_1033, %xor3A_1027 : vector<16xi1>, vector<16xi32>
    %broadcast_in_dim3A_1035 = vector.shape_cast %select_n3A_1034 : vector<16xi32> to vector<16x1xi32>
    %gather3A_1036 = vector.shape_cast %broadcast_in_dim3A_1035 : vector<16x1xi32> to vector<16xi32>
    %gather3A_1037 = tpu.dynamic_gather %add3A_1023[%gather3A_1036] in [0] : vector<16xf32>, vector<16xi32> -> vector<16xf32>
    %add3A_1038 = arith.addf %add3A_1023, %gather3A_1037 : vector<16xf32>
    %iota3A_1039 = tpu.iota {dimensions = array<i32: 0>} : vector<16xi32>
    %xor3A_1040 = arith.constant 1 : i32
    %xor3A_1041 = vector.broadcast %xor3A_1040 : i32 to vector<16xi32>
    %xor3A_1042 = arith.xori %iota3A_1039, %xor3A_1041 : vector<16xi32>
    %lt3A_1043 = arith.constant 0 : i32
    %lt3A_1044 = vector.broadcast %lt3A_1043 : i32 to vector<16xi32>
    %lt3A_1045 = arith.cmpi slt, %xor3A_1042, %lt3A_1044 : vector<16xi32>
    %add3A_1046 = arith.constant 16 : i32
    %add3A_1047 = vector.broadcast %add3A_1046 : i32 to vector<16xi32>
    %add3A_1048 = arith.addi %xor3A_1042, %add3A_1047 : vector<16xi32>
    %select_n3A_1049 = arith.select %lt3A_1045, %add3A_1048, %xor3A_1042 : vector<16xi1>, vector<16xi32>
    %broadcast_in_dim3A_1050 = vector.shape_cast %select_n3A_1049 : vector<16xi32> to vector<16x1xi32>
    %gather3A_1051 = vector.shape_cast %broadcast_in_dim3A_1050 : vector<16x1xi32> to vector<16xi32>
    %gather3A_1052 = tpu.dynamic_gather %add3A_1038[%gather3A_1051] in [0] : vector<16xf32>, vector<16xi32> -> vector<16xf32>
    %add3A_1053 = arith.addf %add3A_1038, %gather3A_1052 : vector<16xf32>
    %iota3A_1054 = tpu.iota {dimensions = array<i32: 0>} : vector<16xi32>
    %xor3A_1055 = arith.constant 8 : i32
    %xor3A_1056 = vector.broadcast %xor3A_1055 : i32 to vector<16xi32>
    %xor3A_1057 = arith.xori %iota3A_1054, %xor3A_1056 : vector<16xi32>
    %lt3A_1058 = arith.constant 0 : i32
    %lt3A_1059 = vector.broadcast %lt3A_1058 : i32 to vector<16xi32>
    %lt3A_1060 = arith.cmpi slt, %xor3A_1057, %lt3A_1059 : vector<16xi32>
    %add3A_1061 = arith.constant 16 : i32
    %add3A_1062 = vector.broadcast %add3A_1061 : i32 to vector<16xi32>
    %add3A_1063 = arith.addi %xor3A_1057, %add3A_1062 : vector<16xi32>
    %select_n3A_1064 = arith.select %lt3A_1060, %add3A_1063, %xor3A_1057 : vector<16xi1>, vector<16xi32>
    %broadcast_in_dim3A_1065 = vector.shape_cast %select_n3A_1064 : vector<16xi32> to vector<16x1xi32>
    %gather3A_1066 = vector.shape_cast %broadcast_in_dim3A_1065 : vector<16x1xi32> to vector<16xi32>
    %gather3A_1067 = tpu.dynamic_gather %scan3A_993#1[%gather3A_1066] in [0] : vector<16xf32>, vector<16xi32> -> vector<16xf32>
    %add3A_1068 = arith.addf %scan3A_993#1, %gather3A_1067 : vector<16xf32>
    %iota3A_1069 = tpu.iota {dimensions = array<i32: 0>} : vector<16xi32>
    %xor3A_1070 = arith.constant 4 : i32
    %xor3A_1071 = vector.broadcast %xor3A_1070 : i32 to vector<16xi32>
    %xor3A_1072 = arith.xori %iota3A_1069, %xor3A_1071 : vector<16xi32>
    %lt3A_1073 = arith.constant 0 : i32
    %lt3A_1074 = vector.broadcast %lt3A_1073 : i32 to vector<16xi32>
    %lt3A_1075 = arith.cmpi slt, %xor3A_1072, %lt3A_1074 : vector<16xi32>
    %add3A_1076 = arith.constant 16 : i32
    %add3A_1077 = vector.broadcast %add3A_1076 : i32 to vector<16xi32>
    %add3A_1078 = arith.addi %xor3A_1072, %add3A_1077 : vector<16xi32>
    %select_n3A_1079 = arith.select %lt3A_1075, %add3A_1078, %xor3A_1072 : vector<16xi1>, vector<16xi32>
    %broadcast_in_dim3A_1080 = vector.shape_cast %select_n3A_1079 : vector<16xi32> to vector<16x1xi32>
    %gather3A_1081 = vector.shape_cast %broadcast_in_dim3A_1080 : vector<16x1xi32> to vector<16xi32>
    %gather3A_1082 = tpu.dynamic_gather %add3A_1068[%gather3A_1081] in [0] : vector<16xf32>, vector<16xi32> -> vector<16xf32>
    %add3A_1083 = arith.addf %add3A_1068, %gather3A_1082 : vector<16xf32>
    %iota3A_1084 = tpu.iota {dimensions = array<i32: 0>} : vector<16xi32>
    %xor3A_1085 = arith.constant 2 : i32
    %xor3A_1086 = vector.broadcast %xor3A_1085 : i32 to vector<16xi32>
    %xor3A_1087 = arith.xori %iota3A_1084, %xor3A_1086 : vector<16xi32>
    %lt3A_1088 = arith.constant 0 : i32
    %lt3A_1089 = vector.broadcast %lt3A_1088 : i32 to vector<16xi32>
    %lt3A_1090 = arith.cmpi slt, %xor3A_1087, %lt3A_1089 : vector<16xi32>
    %add3A_1091 = arith.constant 16 : i32
    %add3A_1092 = vector.broadcast %add3A_1091 : i32 to vector<16xi32>
    %add3A_1093 = arith.addi %xor3A_1087, %add3A_1092 : vector<16xi32>
    %select_n3A_1094 = arith.select %lt3A_1090, %add3A_1093, %xor3A_1087 : vector<16xi1>, vector<16xi32>
    %broadcast_in_dim3A_1095 = vector.shape_cast %select_n3A_1094 : vector<16xi32> to vector<16x1xi32>
    %gather3A_1096 = vector.shape_cast %broadcast_in_dim3A_1095 : vector<16x1xi32> to vector<16xi32>
    %gather3A_1097 = tpu.dynamic_gather %add3A_1083[%gather3A_1096] in [0] : vector<16xf32>, vector<16xi32> -> vector<16xf32>
    %add3A_1098 = arith.addf %add3A_1083, %gather3A_1097 : vector<16xf32>
    %iota3A_1099 = tpu.iota {dimensions = array<i32: 0>} : vector<16xi32>
    %xor3A_1100 = arith.constant 1 : i32
    %xor3A_1101 = vector.broadcast %xor3A_1100 : i32 to vector<16xi32>
    %xor3A_1102 = arith.xori %iota3A_1099, %xor3A_1101 : vector<16xi32>
    %lt3A_1103 = arith.constant 0 : i32
    %lt3A_1104 = vector.broadcast %lt3A_1103 : i32 to vector<16xi32>
    %lt3A_1105 = arith.cmpi slt, %xor3A_1102, %lt3A_1104 : vector<16xi32>
    %add3A_1106 = arith.constant 16 : i32
    %add3A_1107 = vector.broadcast %add3A_1106 : i32 to vector<16xi32>
    %add3A_1108 = arith.addi %xor3A_1102, %add3A_1107 : vector<16xi32>
    %select_n3A_1109 = arith.select %lt3A_1105, %add3A_1108, %xor3A_1102 : vector<16xi1>, vector<16xi32>
    %broadcast_in_dim3A_1110 = vector.shape_cast %select_n3A_1109 : vector<16xi32> to vector<16x1xi32>
    %gather3A_1111 = vector.shape_cast %broadcast_in_dim3A_1110 : vector<16x1xi32> to vector<16xi32>
    %gather3A_1112 = tpu.dynamic_gather %add3A_1098[%gather3A_1111] in [0] : vector<16xf32>, vector<16xi32> -> vector<16xf32>
    %add3A_1113 = arith.addf %add3A_1098, %gather3A_1112 : vector<16xf32>
    %iota3A_1114 = tpu.iota {dimensions = array<i32: 0>} : vector<16xi32>
    %xor3A_1115 = arith.constant 8 : i32
    %xor3A_1116 = vector.broadcast %xor3A_1115 : i32 to vector<16xi32>
    %xor3A_1117 = arith.xori %iota3A_1114, %xor3A_1116 : vector<16xi32>
    %lt3A_1118 = arith.constant 0 : i32
    %lt3A_1119 = vector.broadcast %lt3A_1118 : i32 to vector<16xi32>
    %lt3A_1120 = arith.cmpi slt, %xor3A_1117, %lt3A_1119 : vector<16xi32>
    %add3A_1121 = arith.constant 16 : i32
    %add3A_1122 = vector.broadcast %add3A_1121 : i32 to vector<16xi32>
    %add3A_1123 = arith.addi %xor3A_1117, %add3A_1122 : vector<16xi32>
    %select_n3A_1124 = arith.select %lt3A_1120, %add3A_1123, %xor3A_1117 : vector<16xi1>, vector<16xi32>
    %broadcast_in_dim3A_1125 = vector.shape_cast %select_n3A_1124 : vector<16xi32> to vector<16x1xi32>
    %gather3A_1126 = vector.shape_cast %broadcast_in_dim3A_1125 : vector<16x1xi32> to vector<16xi32>
    %gather3A_1127 = tpu.dynamic_gather %scan3A_993#2[%gather3A_1126] in [0] : vector<16xf32>, vector<16xi32> -> vector<16xf32>
    %add3A_1128 = arith.addf %scan3A_993#2, %gather3A_1127 : vector<16xf32>
    %iota3A_1129 = tpu.iota {dimensions = array<i32: 0>} : vector<16xi32>
    %xor3A_1130 = arith.constant 4 : i32
    %xor3A_1131 = vector.broadcast %xor3A_1130 : i32 to vector<16xi32>
    %xor3A_1132 = arith.xori %iota3A_1129, %xor3A_1131 : vector<16xi32>
    %lt3A_1133 = arith.constant 0 : i32
    %lt3A_1134 = vector.broadcast %lt3A_1133 : i32 to vector<16xi32>
    %lt3A_1135 = arith.cmpi slt, %xor3A_1132, %lt3A_1134 : vector<16xi32>
    %add3A_1136 = arith.constant 16 : i32
    %add3A_1137 = vector.broadcast %add3A_1136 : i32 to vector<16xi32>
    %add3A_1138 = arith.addi %xor3A_1132, %add3A_1137 : vector<16xi32>
    %select_n3A_1139 = arith.select %lt3A_1135, %add3A_1138, %xor3A_1132 : vector<16xi1>, vector<16xi32>
    %broadcast_in_dim3A_1140 = vector.shape_cast %select_n3A_1139 : vector<16xi32> to vector<16x1xi32>
    %gather3A_1141 = vector.shape_cast %broadcast_in_dim3A_1140 : vector<16x1xi32> to vector<16xi32>
    %gather3A_1142 = tpu.dynamic_gather %add3A_1128[%gather3A_1141] in [0] : vector<16xf32>, vector<16xi32> -> vector<16xf32>
    %add3A_1143 = arith.addf %add3A_1128, %gather3A_1142 : vector<16xf32>
    %iota3A_1144 = tpu.iota {dimensions = array<i32: 0>} : vector<16xi32>
    %xor3A_1145 = arith.constant 2 : i32
    %xor3A_1146 = vector.broadcast %xor3A_1145 : i32 to vector<16xi32>
    %xor3A_1147 = arith.xori %iota3A_1144, %xor3A_1146 : vector<16xi32>
    %lt3A_1148 = arith.constant 0 : i32
    %lt3A_1149 = vector.broadcast %lt3A_1148 : i32 to vector<16xi32>
    %lt3A_1150 = arith.cmpi slt, %xor3A_1147, %lt3A_1149 : vector<16xi32>
    %add3A_1151 = arith.constant 16 : i32
    %add3A_1152 = vector.broadcast %add3A_1151 : i32 to vector<16xi32>
    %add3A_1153 = arith.addi %xor3A_1147, %add3A_1152 : vector<16xi32>
    %select_n3A_1154 = arith.select %lt3A_1150, %add3A_1153, %xor3A_1147 : vector<16xi1>, vector<16xi32>
    %broadcast_in_dim3A_1155 = vector.shape_cast %select_n3A_1154 : vector<16xi32> to vector<16x1xi32>
    %gather3A_1156 = vector.shape_cast %broadcast_in_dim3A_1155 : vector<16x1xi32> to vector<16xi32>
    %gather3A_1157 = tpu.dynamic_gather %add3A_1143[%gather3A_1156] in [0] : vector<16xf32>, vector<16xi32> -> vector<16xf32>
    %add3A_1158 = arith.addf %add3A_1143, %gather3A_1157 : vector<16xf32>
    %iota3A_1159 = tpu.iota {dimensions = array<i32: 0>} : vector<16xi32>
    %xor3A_1160 = arith.constant 1 : i32
    %xor3A_1161 = vector.broadcast %xor3A_1160 : i32 to vector<16xi32>
    %xor3A_1162 = arith.xori %iota3A_1159, %xor3A_1161 : vector<16xi32>
    %lt3A_1163 = arith.constant 0 : i32
    %lt3A_1164 = vector.broadcast %lt3A_1163 : i32 to vector<16xi32>
    %lt3A_1165 = arith.cmpi slt, %xor3A_1162, %lt3A_1164 : vector<16xi32>
    %add3A_1166 = arith.constant 16 : i32
    %add3A_1167 = vector.broadcast %add3A_1166 : i32 to vector<16xi32>
    %add3A_1168 = arith.addi %xor3A_1162, %add3A_1167 : vector<16xi32>
    %select_n3A_1169 = arith.select %lt3A_1165, %add3A_1168, %xor3A_1162 : vector<16xi1>, vector<16xi32>
    %broadcast_in_dim3A_1170 = vector.shape_cast %select_n3A_1169 : vector<16xi32> to vector<16x1xi32>
    %gather3A_1171 = vector.shape_cast %broadcast_in_dim3A_1170 : vector<16x1xi32> to vector<16xi32>
    %gather3A_1172 = tpu.dynamic_gather %add3A_1158[%gather3A_1171] in [0] : vector<16xf32>, vector<16xi32> -> vector<16xf32>
    %add3A_1173 = arith.addf %add3A_1158, %gather3A_1172 : vector<16xf32>
    %eq3A_1174 = arith.constant 0 : i32
    %eq3A_1175 = vector.broadcast %eq3A_1174 : i32 to vector<16xi32>
    %eq3A_1176 = arith.cmpi eq, %iota3A, %eq3A_1175 : vector<16xi32>
    %eq3A_1177 = arith.constant 1 : i32
    %eq3A_1178 = vector.broadcast %eq3A_1177 : i32 to vector<16xi32>
    %eq3A_1179 = arith.cmpi eq, %iota3A, %eq3A_1178 : vector<16xi32>
    %eq3A_1180 = arith.constant 2 : i32
    %eq3A_1181 = vector.broadcast %eq3A_1180 : i32 to vector<16xi32>
    %eq3A_1182 = arith.cmpi eq, %iota3A, %eq3A_1181 : vector<16xi32>
    %sub3A_1183 = arith.constant 1.000000e+30 : f32
    %sub3A_1184 = vector.broadcast %sub3A_1183 : f32 to vector<16xf32>
    %sub3A_1185 = arith.subf %broadcast_in_dim3A_0, %sub3A_1184 : vector<16xf32>
    %select_n3A_1186 = arith.select %eq3A_1182, %add3A_1173, %sub3A_1185 : vector<16xi1>, vector<16xf32>
    %select_n3A_1187 = arith.select %eq3A_1179, %add3A_1113, %select_n3A_1186 : vector<16xi1>, vector<16xf32>
    %select_n3A_1188 = arith.select %eq3A_1176, %add3A_1053, %select_n3A_1187 : vector<16xi1>, vector<16xf32>
    %add3A_1189 = arith.constant 10 : i32
    %add3A_1190 = vector.broadcast %add3A_1189 : i32 to vector<16xi32>
    %add3A_1191 = arith.addi %iota3A, %add3A_1190 : vector<16xi32>
    %min3A = arith.constant 15 : i32
    %min3A_1192 = vector.broadcast %min3A : i32 to vector<16xi32>
    %min3A_1193 = arith.minsi %add3A_1191, %min3A_1192 : vector<16xi32>
    %lt3A_1194 = arith.constant 0 : i32
    %lt3A_1195 = vector.broadcast %lt3A_1194 : i32 to vector<16xi32>
    %lt3A_1196 = arith.cmpi slt, %min3A_1193, %lt3A_1195 : vector<16xi32>
    %add3A_1197 = arith.constant 16 : i32
    %add3A_1198 = vector.broadcast %add3A_1197 : i32 to vector<16xi32>
    %add3A_1199 = arith.addi %min3A_1193, %add3A_1198 : vector<16xi32>
    %select_n3A_1200 = arith.select %lt3A_1196, %add3A_1199, %min3A_1193 : vector<16xi1>, vector<16xi32>
    %broadcast_in_dim3A_1201 = vector.shape_cast %select_n3A_1200 : vector<16xi32> to vector<16x1xi32>
    %gather3A_1202 = vector.shape_cast %broadcast_in_dim3A_1201 : vector<16x1xi32> to vector<16xi32>
    %gather3A_1203 = tpu.dynamic_gather %get3A_443[%gather3A_1202] in [0] : vector<16xf32>, vector<16xi32> -> vector<16xf32>
    %lt3A_1204 = arith.constant 3 : i32
    %lt3A_1205 = vector.broadcast %lt3A_1204 : i32 to vector<16xi32>
    %lt3A_1206 = arith.cmpi slt, %iota3A, %lt3A_1205 : vector<16xi32>
    %jit3A_1207 = arith.constant 1.000000e+00 : f32
    %jit3A_1208 = arith.constant 0.000000e+00 : f32
    %broadcast_in_dim3A_1209 = vector.broadcast %jit3A_1207 : f32 to vector<16xf32>
    %broadcast_in_dim3A_1210 = vector.broadcast %jit3A_1208 : f32 to vector<16xf32>
    %select_n3A_1211 = arith.select %lt3A_1206, %broadcast_in_dim3A_1209, %broadcast_in_dim3A_1210 : vector<16xi1>, vector<16xf32>
    %mul3A_1212 = arith.mulf %gather3A_1203, %select_n3A_1211 : vector<16xf32>
    %add3A_1213 = arith.addf %select_n3A_1188, %mul3A_1212 : vector<16xf32>
    %iota3A_1214 = tpu.iota {dimensions = array<i32: 0>} : vector<16xi32>
    %xor3A_1215 = arith.constant 8 : i32
    %xor3A_1216 = vector.broadcast %xor3A_1215 : i32 to vector<16xi32>
    %xor3A_1217 = arith.xori %iota3A_1214, %xor3A_1216 : vector<16xi32>
    %lt3A_1218 = arith.constant 0 : i32
    %lt3A_1219 = vector.broadcast %lt3A_1218 : i32 to vector<16xi32>
    %lt3A_1220 = arith.cmpi slt, %xor3A_1217, %lt3A_1219 : vector<16xi32>
    %add3A_1221 = arith.constant 16 : i32
    %add3A_1222 = vector.broadcast %add3A_1221 : i32 to vector<16xi32>
    %add3A_1223 = arith.addi %xor3A_1217, %add3A_1222 : vector<16xi32>
    %select_n3A_1224 = arith.select %lt3A_1220, %add3A_1223, %xor3A_1217 : vector<16xi1>, vector<16xi32>
    %broadcast_in_dim3A_1225 = vector.shape_cast %select_n3A_1224 : vector<16xi32> to vector<16x1xi32>
    %gather3A_1226 = vector.shape_cast %broadcast_in_dim3A_1225 : vector<16x1xi32> to vector<16xi32>
    %gather3A_1227 = tpu.dynamic_gather %add3A_1213[%gather3A_1226] in [0] : vector<16xf32>, vector<16xi32> -> vector<16xf32>
    %max3A = arith.maximumf %add3A_1213, %gather3A_1227 : vector<16xf32>
    %iota3A_1228 = tpu.iota {dimensions = array<i32: 0>} : vector<16xi32>
    %xor3A_1229 = arith.constant 4 : i32
    %xor3A_1230 = vector.broadcast %xor3A_1229 : i32 to vector<16xi32>
    %xor3A_1231 = arith.xori %iota3A_1228, %xor3A_1230 : vector<16xi32>
    %lt3A_1232 = arith.constant 0 : i32
    %lt3A_1233 = vector.broadcast %lt3A_1232 : i32 to vector<16xi32>
    %lt3A_1234 = arith.cmpi slt, %xor3A_1231, %lt3A_1233 : vector<16xi32>
    %add3A_1235 = arith.constant 16 : i32
    %add3A_1236 = vector.broadcast %add3A_1235 : i32 to vector<16xi32>
    %add3A_1237 = arith.addi %xor3A_1231, %add3A_1236 : vector<16xi32>
    %select_n3A_1238 = arith.select %lt3A_1234, %add3A_1237, %xor3A_1231 : vector<16xi1>, vector<16xi32>
    %broadcast_in_dim3A_1239 = vector.shape_cast %select_n3A_1238 : vector<16xi32> to vector<16x1xi32>
    %gather3A_1240 = vector.shape_cast %broadcast_in_dim3A_1239 : vector<16x1xi32> to vector<16xi32>
    %gather3A_1241 = tpu.dynamic_gather %max3A[%gather3A_1240] in [0] : vector<16xf32>, vector<16xi32> -> vector<16xf32>
    %max3A_1242 = arith.maximumf %max3A, %gather3A_1241 : vector<16xf32>
    %iota3A_1243 = tpu.iota {dimensions = array<i32: 0>} : vector<16xi32>
    %xor3A_1244 = arith.constant 2 : i32
    %xor3A_1245 = vector.broadcast %xor3A_1244 : i32 to vector<16xi32>
    %xor3A_1246 = arith.xori %iota3A_1243, %xor3A_1245 : vector<16xi32>
    %lt3A_1247 = arith.constant 0 : i32
    %lt3A_1248 = vector.broadcast %lt3A_1247 : i32 to vector<16xi32>
    %lt3A_1249 = arith.cmpi slt, %xor3A_1246, %lt3A_1248 : vector<16xi32>
    %add3A_1250 = arith.constant 16 : i32
    %add3A_1251 = vector.broadcast %add3A_1250 : i32 to vector<16xi32>
    %add3A_1252 = arith.addi %xor3A_1246, %add3A_1251 : vector<16xi32>
    %select_n3A_1253 = arith.select %lt3A_1249, %add3A_1252, %xor3A_1246 : vector<16xi1>, vector<16xi32>
    %broadcast_in_dim3A_1254 = vector.shape_cast %select_n3A_1253 : vector<16xi32> to vector<16x1xi32>
    %gather3A_1255 = vector.shape_cast %broadcast_in_dim3A_1254 : vector<16x1xi32> to vector<16xi32>
    %gather3A_1256 = tpu.dynamic_gather %max3A_1242[%gather3A_1255] in [0] : vector<16xf32>, vector<16xi32> -> vector<16xf32>
    %max3A_1257 = arith.maximumf %max3A_1242, %gather3A_1256 : vector<16xf32>
    %iota3A_1258 = tpu.iota {dimensions = array<i32: 0>} : vector<16xi32>
    %xor3A_1259 = arith.constant 1 : i32
    %xor3A_1260 = vector.broadcast %xor3A_1259 : i32 to vector<16xi32>
    %xor3A_1261 = arith.xori %iota3A_1258, %xor3A_1260 : vector<16xi32>
    %lt3A_1262 = arith.constant 0 : i32
    %lt3A_1263 = vector.broadcast %lt3A_1262 : i32 to vector<16xi32>
    %lt3A_1264 = arith.cmpi slt, %xor3A_1261, %lt3A_1263 : vector<16xi32>
    %add3A_1265 = arith.constant 16 : i32
    %add3A_1266 = vector.broadcast %add3A_1265 : i32 to vector<16xi32>
    %add3A_1267 = arith.addi %xor3A_1261, %add3A_1266 : vector<16xi32>
    %select_n3A_1268 = arith.select %lt3A_1264, %add3A_1267, %xor3A_1261 : vector<16xi1>, vector<16xi32>
    %broadcast_in_dim3A_1269 = vector.shape_cast %select_n3A_1268 : vector<16xi32> to vector<16x1xi32>
    %gather3A_1270 = vector.shape_cast %broadcast_in_dim3A_1269 : vector<16x1xi32> to vector<16xi32>
    %gather3A_1271 = tpu.dynamic_gather %max3A_1257[%gather3A_1270] in [0] : vector<16xf32>, vector<16xi32> -> vector<16xf32>
    %max3A_1272 = arith.maximumf %max3A_1257, %gather3A_1271 : vector<16xf32>
    %sub3A_1273 = arith.subf %add3A_1213, %max3A_1272 : vector<16xf32>
    %exp3A = math.exp %sub3A_1273 : vector<16xf32>
    %lt3A_1274 = arith.constant 3 : i32
    %lt3A_1275 = vector.broadcast %lt3A_1274 : i32 to vector<16xi32>
    %lt3A_1276 = arith.cmpi slt, %iota3A, %lt3A_1275 : vector<16xi32>
    %select_n3A_1277 = arith.select %lt3A_1276, %exp3A, %broadcast_in_dim3A_0 : vector<16xi1>, vector<16xf32>
    %iota3A_1278 = tpu.iota {dimensions = array<i32: 0>} : vector<16xi32>
    %xor3A_1279 = arith.constant 8 : i32
    %xor3A_1280 = vector.broadcast %xor3A_1279 : i32 to vector<16xi32>
    %xor3A_1281 = arith.xori %iota3A_1278, %xor3A_1280 : vector<16xi32>
    %lt3A_1282 = arith.constant 0 : i32
    %lt3A_1283 = vector.broadcast %lt3A_1282 : i32 to vector<16xi32>
    %lt3A_1284 = arith.cmpi slt, %xor3A_1281, %lt3A_1283 : vector<16xi32>
    %add3A_1285 = arith.constant 16 : i32
    %add3A_1286 = vector.broadcast %add3A_1285 : i32 to vector<16xi32>
    %add3A_1287 = arith.addi %xor3A_1281, %add3A_1286 : vector<16xi32>
    %select_n3A_1288 = arith.select %lt3A_1284, %add3A_1287, %xor3A_1281 : vector<16xi1>, vector<16xi32>
    %broadcast_in_dim3A_1289 = vector.shape_cast %select_n3A_1288 : vector<16xi32> to vector<16x1xi32>
    %gather3A_1290 = vector.shape_cast %broadcast_in_dim3A_1289 : vector<16x1xi32> to vector<16xi32>
    %gather3A_1291 = tpu.dynamic_gather %select_n3A_1277[%gather3A_1290] in [0] : vector<16xf32>, vector<16xi32> -> vector<16xf32>
    %add3A_1292 = arith.addf %select_n3A_1277, %gather3A_1291 : vector<16xf32>
    %iota3A_1293 = tpu.iota {dimensions = array<i32: 0>} : vector<16xi32>
    %xor3A_1294 = arith.constant 4 : i32
    %xor3A_1295 = vector.broadcast %xor3A_1294 : i32 to vector<16xi32>
    %xor3A_1296 = arith.xori %iota3A_1293, %xor3A_1295 : vector<16xi32>
    %lt3A_1297 = arith.constant 0 : i32
    %lt3A_1298 = vector.broadcast %lt3A_1297 : i32 to vector<16xi32>
    %lt3A_1299 = arith.cmpi slt, %xor3A_1296, %lt3A_1298 : vector<16xi32>
    %add3A_1300 = arith.constant 16 : i32
    %add3A_1301 = vector.broadcast %add3A_1300 : i32 to vector<16xi32>
    %add3A_1302 = arith.addi %xor3A_1296, %add3A_1301 : vector<16xi32>
    %select_n3A_1303 = arith.select %lt3A_1299, %add3A_1302, %xor3A_1296 : vector<16xi1>, vector<16xi32>
    %broadcast_in_dim3A_1304 = vector.shape_cast %select_n3A_1303 : vector<16xi32> to vector<16x1xi32>
    %gather3A_1305 = vector.shape_cast %broadcast_in_dim3A_1304 : vector<16x1xi32> to vector<16xi32>
    %gather3A_1306 = tpu.dynamic_gather %add3A_1292[%gather3A_1305] in [0] : vector<16xf32>, vector<16xi32> -> vector<16xf32>
    %add3A_1307 = arith.addf %add3A_1292, %gather3A_1306 : vector<16xf32>
    %iota3A_1308 = tpu.iota {dimensions = array<i32: 0>} : vector<16xi32>
    %xor3A_1309 = arith.constant 2 : i32
    %xor3A_1310 = vector.broadcast %xor3A_1309 : i32 to vector<16xi32>
    %xor3A_1311 = arith.xori %iota3A_1308, %xor3A_1310 : vector<16xi32>
    %lt3A_1312 = arith.constant 0 : i32
    %lt3A_1313 = vector.broadcast %lt3A_1312 : i32 to vector<16xi32>
    %lt3A_1314 = arith.cmpi slt, %xor3A_1311, %lt3A_1313 : vector<16xi32>
    %add3A_1315 = arith.constant 16 : i32
    %add3A_1316 = vector.broadcast %add3A_1315 : i32 to vector<16xi32>
    %add3A_1317 = arith.addi %xor3A_1311, %add3A_1316 : vector<16xi32>
    %select_n3A_1318 = arith.select %lt3A_1314, %add3A_1317, %xor3A_1311 : vector<16xi1>, vector<16xi32>
    %broadcast_in_dim3A_1319 = vector.shape_cast %select_n3A_1318 : vector<16xi32> to vector<16x1xi32>
    %gather3A_1320 = vector.shape_cast %broadcast_in_dim3A_1319 : vector<16x1xi32> to vector<16xi32>
    %gather3A_1321 = tpu.dynamic_gather %add3A_1307[%gather3A_1320] in [0] : vector<16xf32>, vector<16xi32> -> vector<16xf32>
    %add3A_1322 = arith.addf %add3A_1307, %gather3A_1321 : vector<16xf32>
    %iota3A_1323 = tpu.iota {dimensions = array<i32: 0>} : vector<16xi32>
    %xor3A_1324 = arith.constant 1 : i32
    %xor3A_1325 = vector.broadcast %xor3A_1324 : i32 to vector<16xi32>
    %xor3A_1326 = arith.xori %iota3A_1323, %xor3A_1325 : vector<16xi32>
    %lt3A_1327 = arith.constant 0 : i32
    %lt3A_1328 = vector.broadcast %lt3A_1327 : i32 to vector<16xi32>
    %lt3A_1329 = arith.cmpi slt, %xor3A_1326, %lt3A_1328 : vector<16xi32>
    %add3A_1330 = arith.constant 16 : i32
    %add3A_1331 = vector.broadcast %add3A_1330 : i32 to vector<16xi32>
    %add3A_1332 = arith.addi %xor3A_1326, %add3A_1331 : vector<16xi32>
    %select_n3A_1333 = arith.select %lt3A_1329, %add3A_1332, %xor3A_1326 : vector<16xi1>, vector<16xi32>
    %broadcast_in_dim3A_1334 = vector.shape_cast %select_n3A_1333 : vector<16xi32> to vector<16x1xi32>
    %gather3A_1335 = vector.shape_cast %broadcast_in_dim3A_1334 : vector<16x1xi32> to vector<16xi32>
    %gather3A_1336 = tpu.dynamic_gather %add3A_1322[%gather3A_1335] in [0] : vector<16xf32>, vector<16xi32> -> vector<16xf32>
    %add3A_1337 = arith.addf %add3A_1322, %gather3A_1336 : vector<16xf32>
    %div3A = arith.divf %select_n3A_1277, %add3A_1337 : vector<16xf32>
    %swap3A_1338 = arith.constant 0 : i32
    %swap3A_1339 = arith.index_cast %swap3A_1338 : i32 to index
    %swap3A_1340 = arith.constant 0 : index
    %swap3A_1341 = tpu.vector_load %arg13[%swap3A_1339, %swap3A_1340] {strides = array<i32>} : memref<2x16xf32, #tpu.memory_space<vmem>>, vector<1x16xf32>,
    %swap3A_1342 = vector.shape_cast %swap3A_1341 : vector<1x16xf32> to vector<16xf32>
    %swap3A_1343 = vector.shape_cast %div3A : vector<16xf32> to vector<1x16xf32>
    tpu.vector_store %arg13[%swap3A_1339, %swap3A_1340], %swap3A_1343 {strides = array<i32>} : memref<2x16xf32, #tpu.memory_space<vmem>>, vector<1x16xf32>,
    %iota3A_1344 = tpu.iota {dimensions = array<i32: 0>} : vector<16xi32>
    %xor3A_1345 = arith.constant 8 : i32
    %xor3A_1346 = vector.broadcast %xor3A_1345 : i32 to vector<16xi32>
    %xor3A_1347 = arith.xori %iota3A_1344, %xor3A_1346 : vector<16xi32>
    %lt3A_1348 = arith.constant 0 : i32
    %lt3A_1349 = vector.broadcast %lt3A_1348 : i32 to vector<16xi32>
    %lt3A_1350 = arith.cmpi slt, %xor3A_1347, %lt3A_1349 : vector<16xi32>
    %add3A_1351 = arith.constant 16 : i32
    %add3A_1352 = vector.broadcast %add3A_1351 : i32 to vector<16xi32>
    %add3A_1353 = arith.addi %xor3A_1347, %add3A_1352 : vector<16xi32>
    %select_n3A_1354 = arith.select %lt3A_1350, %add3A_1353, %xor3A_1347 : vector<16xi1>, vector<16xi32>
    %broadcast_in_dim3A_1355 = vector.shape_cast %select_n3A_1354 : vector<16xi32> to vector<16x1xi32>
    %gather3A_1356 = vector.shape_cast %broadcast_in_dim3A_1355 : vector<16x1xi32> to vector<16xi32>
    %gather3A_1357 = tpu.dynamic_gather %scan3A_993#3[%gather3A_1356] in [0] : vector<16xf32>, vector<16xi32> -> vector<16xf32>
    %add3A_1358 = arith.addf %scan3A_993#3, %gather3A_1357 : vector<16xf32>
    %iota3A_1359 = tpu.iota {dimensions = array<i32: 0>} : vector<16xi32>
    %xor3A_1360 = arith.constant 4 : i32
    %xor3A_1361 = vector.broadcast %xor3A_1360 : i32 to vector<16xi32>
    %xor3A_1362 = arith.xori %iota3A_1359, %xor3A_1361 : vector<16xi32>
    %lt3A_1363 = arith.constant 0 : i32
    %lt3A_1364 = vector.broadcast %lt3A_1363 : i32 to vector<16xi32>
    %lt3A_1365 = arith.cmpi slt, %xor3A_1362, %lt3A_1364 : vector<16xi32>
    %add3A_1366 = arith.constant 16 : i32
    %add3A_1367 = vector.broadcast %add3A_1366 : i32 to vector<16xi32>
    %add3A_1368 = arith.addi %xor3A_1362, %add3A_1367 : vector<16xi32>
    %select_n3A_1369 = arith.select %lt3A_1365, %add3A_1368, %xor3A_1362 : vector<16xi1>, vector<16xi32>
    %broadcast_in_dim3A_1370 = vector.shape_cast %select_n3A_1369 : vector<16xi32> to vector<16x1xi32>
    %gather3A_1371 = vector.shape_cast %broadcast_in_dim3A_1370 : vector<16x1xi32> to vector<16xi32>
    %gather3A_1372 = tpu.dynamic_gather %add3A_1358[%gather3A_1371] in [0] : vector<16xf32>, vector<16xi32> -> vector<16xf32>
    %add3A_1373 = arith.addf %add3A_1358, %gather3A_1372 : vector<16xf32>
    %iota3A_1374 = tpu.iota {dimensions = array<i32: 0>} : vector<16xi32>
    %xor3A_1375 = arith.constant 2 : i32
    %xor3A_1376 = vector.broadcast %xor3A_1375 : i32 to vector<16xi32>
    %xor3A_1377 = arith.xori %iota3A_1374, %xor3A_1376 : vector<16xi32>
    %lt3A_1378 = arith.constant 0 : i32
    %lt3A_1379 = vector.broadcast %lt3A_1378 : i32 to vector<16xi32>
    %lt3A_1380 = arith.cmpi slt, %xor3A_1377, %lt3A_1379 : vector<16xi32>
    %add3A_1381 = arith.constant 16 : i32
    %add3A_1382 = vector.broadcast %add3A_1381 : i32 to vector<16xi32>
    %add3A_1383 = arith.addi %xor3A_1377, %add3A_1382 : vector<16xi32>
    %select_n3A_1384 = arith.select %lt3A_1380, %add3A_1383, %xor3A_1377 : vector<16xi1>, vector<16xi32>
    %broadcast_in_dim3A_1385 = vector.shape_cast %select_n3A_1384 : vector<16xi32> to vector<16x1xi32>
    %gather3A_1386 = vector.shape_cast %broadcast_in_dim3A_1385 : vector<16x1xi32> to vector<16xi32>
    %gather3A_1387 = tpu.dynamic_gather %add3A_1373[%gather3A_1386] in [0] : vector<16xf32>, vector<16xi32> -> vector<16xf32>
    %add3A_1388 = arith.addf %add3A_1373, %gather3A_1387 : vector<16xf32>
    %iota3A_1389 = tpu.iota {dimensions = array<i32: 0>} : vector<16xi32>
    %xor3A_1390 = arith.constant 1 : i32
    %xor3A_1391 = vector.broadcast %xor3A_1390 : i32 to vector<16xi32>
    %xor3A_1392 = arith.xori %iota3A_1389, %xor3A_1391 : vector<16xi32>
    %lt3A_1393 = arith.constant 0 : i32
    %lt3A_1394 = vector.broadcast %lt3A_1393 : i32 to vector<16xi32>
    %lt3A_1395 = arith.cmpi slt, %xor3A_1392, %lt3A_1394 : vector<16xi32>
    %add3A_1396 = arith.constant 16 : i32
    %add3A_1397 = vector.broadcast %add3A_1396 : i32 to vector<16xi32>
    %add3A_1398 = arith.addi %xor3A_1392, %add3A_1397 : vector<16xi32>
    %select_n3A_1399 = arith.select %lt3A_1395, %add3A_1398, %xor3A_1392 : vector<16xi1>, vector<16xi32>
    %broadcast_in_dim3A_1400 = vector.shape_cast %select_n3A_1399 : vector<16xi32> to vector<16x1xi32>
    %gather3A_1401 = vector.shape_cast %broadcast_in_dim3A_1400 : vector<16x1xi32> to vector<16xi32>
    %gather3A_1402 = tpu.dynamic_gather %add3A_1388[%gather3A_1401] in [0] : vector<16xf32>, vector<16xi32> -> vector<16xf32>
    %add3A_1403 = arith.addf %add3A_1388, %gather3A_1402 : vector<16xf32>
    %iota3A_1404 = tpu.iota {dimensions = array<i32: 0>} : vector<16xi32>
    %xor3A_1405 = arith.constant 8 : i32
    %xor3A_1406 = vector.broadcast %xor3A_1405 : i32 to vector<16xi32>
    %xor3A_1407 = arith.xori %iota3A_1404, %xor3A_1406 : vector<16xi32>
    %lt3A_1408 = arith.constant 0 : i32
    %lt3A_1409 = vector.broadcast %lt3A_1408 : i32 to vector<16xi32>
    %lt3A_1410 = arith.cmpi slt, %xor3A_1407, %lt3A_1409 : vector<16xi32>
    %add3A_1411 = arith.constant 16 : i32
    %add3A_1412 = vector.broadcast %add3A_1411 : i32 to vector<16xi32>
    %add3A_1413 = arith.addi %xor3A_1407, %add3A_1412 : vector<16xi32>
    %select_n3A_1414 = arith.select %lt3A_1410, %add3A_1413, %xor3A_1407 : vector<16xi1>, vector<16xi32>
    %broadcast_in_dim3A_1415 = vector.shape_cast %select_n3A_1414 : vector<16xi32> to vector<16x1xi32>
    %gather3A_1416 = vector.shape_cast %broadcast_in_dim3A_1415 : vector<16x1xi32> to vector<16xi32>
    %gather3A_1417 = tpu.dynamic_gather %scan3A_993#4[%gather3A_1416] in [0] : vector<16xf32>, vector<16xi32> -> vector<16xf32>
    %add3A_1418 = arith.addf %scan3A_993#4, %gather3A_1417 : vector<16xf32>
    %iota3A_1419 = tpu.iota {dimensions = array<i32: 0>} : vector<16xi32>
    %xor3A_1420 = arith.constant 4 : i32
    %xor3A_1421 = vector.broadcast %xor3A_1420 : i32 to vector<16xi32>
    %xor3A_1422 = arith.xori %iota3A_1419, %xor3A_1421 : vector<16xi32>
    %lt3A_1423 = arith.constant 0 : i32
    %lt3A_1424 = vector.broadcast %lt3A_1423 : i32 to vector<16xi32>
    %lt3A_1425 = arith.cmpi slt, %xor3A_1422, %lt3A_1424 : vector<16xi32>
    %add3A_1426 = arith.constant 16 : i32
    %add3A_1427 = vector.broadcast %add3A_1426 : i32 to vector<16xi32>
    %add3A_1428 = arith.addi %xor3A_1422, %add3A_1427 : vector<16xi32>
    %select_n3A_1429 = arith.select %lt3A_1425, %add3A_1428, %xor3A_1422 : vector<16xi1>, vector<16xi32>
    %broadcast_in_dim3A_1430 = vector.shape_cast %select_n3A_1429 : vector<16xi32> to vector<16x1xi32>
    %gather3A_1431 = vector.shape_cast %broadcast_in_dim3A_1430 : vector<16x1xi32> to vector<16xi32>
    %gather3A_1432 = tpu.dynamic_gather %add3A_1418[%gather3A_1431] in [0] : vector<16xf32>, vector<16xi32> -> vector<16xf32>
    %add3A_1433 = arith.addf %add3A_1418, %gather3A_1432 : vector<16xf32>
    %iota3A_1434 = tpu.iota {dimensions = array<i32: 0>} : vector<16xi32>
    %xor3A_1435 = arith.constant 2 : i32
    %xor3A_1436 = vector.broadcast %xor3A_1435 : i32 to vector<16xi32>
    %xor3A_1437 = arith.xori %iota3A_1434, %xor3A_1436 : vector<16xi32>
    %lt3A_1438 = arith.constant 0 : i32
    %lt3A_1439 = vector.broadcast %lt3A_1438 : i32 to vector<16xi32>
    %lt3A_1440 = arith.cmpi slt, %xor3A_1437, %lt3A_1439 : vector<16xi32>
    %add3A_1441 = arith.constant 16 : i32
    %add3A_1442 = vector.broadcast %add3A_1441 : i32 to vector<16xi32>
    %add3A_1443 = arith.addi %xor3A_1437, %add3A_1442 : vector<16xi32>
    %select_n3A_1444 = arith.select %lt3A_1440, %add3A_1443, %xor3A_1437 : vector<16xi1>, vector<16xi32>
    %broadcast_in_dim3A_1445 = vector.shape_cast %select_n3A_1444 : vector<16xi32> to vector<16x1xi32>
    %gather3A_1446 = vector.shape_cast %broadcast_in_dim3A_1445 : vector<16x1xi32> to vector<16xi32>
    %gather3A_1447 = tpu.dynamic_gather %add3A_1433[%gather3A_1446] in [0] : vector<16xf32>, vector<16xi32> -> vector<16xf32>
    %add3A_1448 = arith.addf %add3A_1433, %gather3A_1447 : vector<16xf32>
    %iota3A_1449 = tpu.iota {dimensions = array<i32: 0>} : vector<16xi32>
    %xor3A_1450 = arith.constant 1 : i32
    %xor3A_1451 = vector.broadcast %xor3A_1450 : i32 to vector<16xi32>
    %xor3A_1452 = arith.xori %iota3A_1449, %xor3A_1451 : vector<16xi32>
    %lt3A_1453 = arith.constant 0 : i32
    %lt3A_1454 = vector.broadcast %lt3A_1453 : i32 to vector<16xi32>
    %lt3A_1455 = arith.cmpi slt, %xor3A_1452, %lt3A_1454 : vector<16xi32>
    %add3A_1456 = arith.constant 16 : i32
    %add3A_1457 = vector.broadcast %add3A_1456 : i32 to vector<16xi32>
    %add3A_1458 = arith.addi %xor3A_1452, %add3A_1457 : vector<16xi32>
    %select_n3A_1459 = arith.select %lt3A_1455, %add3A_1458, %xor3A_1452 : vector<16xi1>, vector<16xi32>
    %broadcast_in_dim3A_1460 = vector.shape_cast %select_n3A_1459 : vector<16xi32> to vector<16x1xi32>
    %gather3A_1461 = vector.shape_cast %broadcast_in_dim3A_1460 : vector<16x1xi32> to vector<16xi32>
    %gather3A_1462 = tpu.dynamic_gather %add3A_1448[%gather3A_1461] in [0] : vector<16xf32>, vector<16xi32> -> vector<16xf32>
    %add3A_1463 = arith.addf %add3A_1448, %gather3A_1462 : vector<16xf32>
    %iota3A_1464 = tpu.iota {dimensions = array<i32: 0>} : vector<16xi32>
    %xor3A_1465 = arith.constant 8 : i32
    %xor3A_1466 = vector.broadcast %xor3A_1465 : i32 to vector<16xi32>
    %xor3A_1467 = arith.xori %iota3A_1464, %xor3A_1466 : vector<16xi32>
    %lt3A_1468 = arith.constant 0 : i32
    %lt3A_1469 = vector.broadcast %lt3A_1468 : i32 to vector<16xi32>
    %lt3A_1470 = arith.cmpi slt, %xor3A_1467, %lt3A_1469 : vector<16xi32>
    %add3A_1471 = arith.constant 16 : i32
    %add3A_1472 = vector.broadcast %add3A_1471 : i32 to vector<16xi32>
    %add3A_1473 = arith.addi %xor3A_1467, %add3A_1472 : vector<16xi32>
    %select_n3A_1474 = arith.select %lt3A_1470, %add3A_1473, %xor3A_1467 : vector<16xi1>, vector<16xi32>
    %broadcast_in_dim3A_1475 = vector.shape_cast %select_n3A_1474 : vector<16xi32> to vector<16x1xi32>
    %gather3A_1476 = vector.shape_cast %broadcast_in_dim3A_1475 : vector<16x1xi32> to vector<16xi32>
    %gather3A_1477 = tpu.dynamic_gather %scan3A_993#5[%gather3A_1476] in [0] : vector<16xf32>, vector<16xi32> -> vector<16xf32>
    %add3A_1478 = arith.addf %scan3A_993#5, %gather3A_1477 : vector<16xf32>
    %iota3A_1479 = tpu.iota {dimensions = array<i32: 0>} : vector<16xi32>
    %xor3A_1480 = arith.constant 4 : i32
    %xor3A_1481 = vector.broadcast %xor3A_1480 : i32 to vector<16xi32>
    %xor3A_1482 = arith.xori %iota3A_1479, %xor3A_1481 : vector<16xi32>
    %lt3A_1483 = arith.constant 0 : i32
    %lt3A_1484 = vector.broadcast %lt3A_1483 : i32 to vector<16xi32>
    %lt3A_1485 = arith.cmpi slt, %xor3A_1482, %lt3A_1484 : vector<16xi32>
    %add3A_1486 = arith.constant 16 : i32
    %add3A_1487 = vector.broadcast %add3A_1486 : i32 to vector<16xi32>
    %add3A_1488 = arith.addi %xor3A_1482, %add3A_1487 : vector<16xi32>
    %select_n3A_1489 = arith.select %lt3A_1485, %add3A_1488, %xor3A_1482 : vector<16xi1>, vector<16xi32>
    %broadcast_in_dim3A_1490 = vector.shape_cast %select_n3A_1489 : vector<16xi32> to vector<16x1xi32>
    %gather3A_1491 = vector.shape_cast %broadcast_in_dim3A_1490 : vector<16x1xi32> to vector<16xi32>
    %gather3A_1492 = tpu.dynamic_gather %add3A_1478[%gather3A_1491] in [0] : vector<16xf32>, vector<16xi32> -> vector<16xf32>
    %add3A_1493 = arith.addf %add3A_1478, %gather3A_1492 : vector<16xf32>
    %iota3A_1494 = tpu.iota {dimensions = array<i32: 0>} : vector<16xi32>
    %xor3A_1495 = arith.constant 2 : i32
    %xor3A_1496 = vector.broadcast %xor3A_1495 : i32 to vector<16xi32>
    %xor3A_1497 = arith.xori %iota3A_1494, %xor3A_1496 : vector<16xi32>
    %lt3A_1498 = arith.constant 0 : i32
    %lt3A_1499 = vector.broadcast %lt3A_1498 : i32 to vector<16xi32>
    %lt3A_1500 = arith.cmpi slt, %xor3A_1497, %lt3A_1499 : vector<16xi32>
    %add3A_1501 = arith.constant 16 : i32
    %add3A_1502 = vector.broadcast %add3A_1501 : i32 to vector<16xi32>
    %add3A_1503 = arith.addi %xor3A_1497, %add3A_1502 : vector<16xi32>
    %select_n3A_1504 = arith.select %lt3A_1500, %add3A_1503, %xor3A_1497 : vector<16xi1>, vector<16xi32>
    %broadcast_in_dim3A_1505 = vector.shape_cast %select_n3A_1504 : vector<16xi32> to vector<16x1xi32>
    %gather3A_1506 = vector.shape_cast %broadcast_in_dim3A_1505 : vector<16x1xi32> to vector<16xi32>
    %gather3A_1507 = tpu.dynamic_gather %add3A_1493[%gather3A_1506] in [0] : vector<16xf32>, vector<16xi32> -> vector<16xf32>
    %add3A_1508 = arith.addf %add3A_1493, %gather3A_1507 : vector<16xf32>
    %iota3A_1509 = tpu.iota {dimensions = array<i32: 0>} : vector<16xi32>
    %xor3A_1510 = arith.constant 1 : i32
    %xor3A_1511 = vector.broadcast %xor3A_1510 : i32 to vector<16xi32>
    %xor3A_1512 = arith.xori %iota3A_1509, %xor3A_1511 : vector<16xi32>
    %lt3A_1513 = arith.constant 0 : i32
    %lt3A_1514 = vector.broadcast %lt3A_1513 : i32 to vector<16xi32>
    %lt3A_1515 = arith.cmpi slt, %xor3A_1512, %lt3A_1514 : vector<16xi32>
    %add3A_1516 = arith.constant 16 : i32
    %add3A_1517 = vector.broadcast %add3A_1516 : i32 to vector<16xi32>
    %add3A_1518 = arith.addi %xor3A_1512, %add3A_1517 : vector<16xi32>
    %select_n3A_1519 = arith.select %lt3A_1515, %add3A_1518, %xor3A_1512 : vector<16xi1>, vector<16xi32>
    %broadcast_in_dim3A_1520 = vector.shape_cast %select_n3A_1519 : vector<16xi32> to vector<16x1xi32>
    %gather3A_1521 = vector.shape_cast %broadcast_in_dim3A_1520 : vector<16x1xi32> to vector<16xi32>
    %gather3A_1522 = tpu.dynamic_gather %add3A_1508[%gather3A_1521] in [0] : vector<16xf32>, vector<16xi32> -> vector<16xf32>
    %add3A_1523 = arith.addf %add3A_1508, %gather3A_1522 : vector<16xf32>
    %eq3A_1524 = arith.constant 0 : i32
    %eq3A_1525 = vector.broadcast %eq3A_1524 : i32 to vector<16xi32>
    %eq3A_1526 = arith.cmpi eq, %iota3A, %eq3A_1525 : vector<16xi32>
    %eq3A_1527 = arith.constant 1 : i32
    %eq3A_1528 = vector.broadcast %eq3A_1527 : i32 to vector<16xi32>
    %eq3A_1529 = arith.cmpi eq, %iota3A, %eq3A_1528 : vector<16xi32>
    %eq3A_1530 = arith.constant 2 : i32
    %eq3A_1531 = vector.broadcast %eq3A_1530 : i32 to vector<16xi32>
    %eq3A_1532 = arith.cmpi eq, %iota3A, %eq3A_1531 : vector<16xi32>
    %sub3A_1533 = arith.constant 1.000000e+30 : f32
    %sub3A_1534 = vector.broadcast %sub3A_1533 : f32 to vector<16xf32>
    %sub3A_1535 = arith.subf %broadcast_in_dim3A_0, %sub3A_1534 : vector<16xf32>
    %select_n3A_1536 = arith.select %eq3A_1532, %add3A_1523, %sub3A_1535 : vector<16xi1>, vector<16xf32>
    %select_n3A_1537 = arith.select %eq3A_1529, %add3A_1463, %select_n3A_1536 : vector<16xi1>, vector<16xf32>
    %select_n3A_1538 = arith.select %eq3A_1526, %add3A_1403, %select_n3A_1537 : vector<16xi1>, vector<16xf32>
    %add3A_1539 = arith.constant 10 : i32
    %add3A_1540 = vector.broadcast %add3A_1539 : i32 to vector<16xi32>
    %add3A_1541 = arith.addi %iota3A, %add3A_1540 : vector<16xi32>
    %min3A_1542 = arith.constant 15 : i32
    %min3A_1543 = vector.broadcast %min3A_1542 : i32 to vector<16xi32>
    %min3A_1544 = arith.minsi %add3A_1541, %min3A_1543 : vector<16xi32>
    %lt3A_1545 = arith.constant 0 : i32
    %lt3A_1546 = vector.broadcast %lt3A_1545 : i32 to vector<16xi32>
    %lt3A_1547 = arith.cmpi slt, %min3A_1544, %lt3A_1546 : vector<16xi32>
    %add3A_1548 = arith.constant 16 : i32
    %add3A_1549 = vector.broadcast %add3A_1548 : i32 to vector<16xi32>
    %add3A_1550 = arith.addi %min3A_1544, %add3A_1549 : vector<16xi32>
    %select_n3A_1551 = arith.select %lt3A_1547, %add3A_1550, %min3A_1544 : vector<16xi1>, vector<16xi32>
    %broadcast_in_dim3A_1552 = vector.shape_cast %select_n3A_1551 : vector<16xi32> to vector<16x1xi32>
    %gather3A_1553 = vector.shape_cast %broadcast_in_dim3A_1552 : vector<16x1xi32> to vector<16xi32>
    %gather3A_1554 = tpu.dynamic_gather %get3A_443[%gather3A_1553] in [0] : vector<16xf32>, vector<16xi32> -> vector<16xf32>
    %lt3A_1555 = arith.constant 3 : i32
    %lt3A_1556 = vector.broadcast %lt3A_1555 : i32 to vector<16xi32>
    %lt3A_1557 = arith.cmpi slt, %iota3A, %lt3A_1556 : vector<16xi32>
    %jit3A_1558 = arith.constant 1.000000e+00 : f32
    %jit3A_1559 = arith.constant 0.000000e+00 : f32
    %broadcast_in_dim3A_1560 = vector.broadcast %jit3A_1558 : f32 to vector<16xf32>
    %broadcast_in_dim3A_1561 = vector.broadcast %jit3A_1559 : f32 to vector<16xf32>
    %select_n3A_1562 = arith.select %lt3A_1557, %broadcast_in_dim3A_1560, %broadcast_in_dim3A_1561 : vector<16xi1>, vector<16xf32>
    %mul3A_1563 = arith.mulf %gather3A_1554, %select_n3A_1562 : vector<16xf32>
    %add3A_1564 = arith.addf %select_n3A_1538, %mul3A_1563 : vector<16xf32>
    %iota3A_1565 = tpu.iota {dimensions = array<i32: 0>} : vector<16xi32>
    %xor3A_1566 = arith.constant 8 : i32
    %xor3A_1567 = vector.broadcast %xor3A_1566 : i32 to vector<16xi32>
    %xor3A_1568 = arith.xori %iota3A_1565, %xor3A_1567 : vector<16xi32>
    %lt3A_1569 = arith.constant 0 : i32
    %lt3A_1570 = vector.broadcast %lt3A_1569 : i32 to vector<16xi32>
    %lt3A_1571 = arith.cmpi slt, %xor3A_1568, %lt3A_1570 : vector<16xi32>
    %add3A_1572 = arith.constant 16 : i32
    %add3A_1573 = vector.broadcast %add3A_1572 : i32 to vector<16xi32>
    %add3A_1574 = arith.addi %xor3A_1568, %add3A_1573 : vector<16xi32>
    %select_n3A_1575 = arith.select %lt3A_1571, %add3A_1574, %xor3A_1568 : vector<16xi1>, vector<16xi32>
    %broadcast_in_dim3A_1576 = vector.shape_cast %select_n3A_1575 : vector<16xi32> to vector<16x1xi32>
    %gather3A_1577 = vector.shape_cast %broadcast_in_dim3A_1576 : vector<16x1xi32> to vector<16xi32>
    %gather3A_1578 = tpu.dynamic_gather %add3A_1564[%gather3A_1577] in [0] : vector<16xf32>, vector<16xi32> -> vector<16xf32>
    %max3A_1579 = arith.maximumf %add3A_1564, %gather3A_1578 : vector<16xf32>
    %iota3A_1580 = tpu.iota {dimensions = array<i32: 0>} : vector<16xi32>
    %xor3A_1581 = arith.constant 4 : i32
    %xor3A_1582 = vector.broadcast %xor3A_1581 : i32 to vector<16xi32>
    %xor3A_1583 = arith.xori %iota3A_1580, %xor3A_1582 : vector<16xi32>
    %lt3A_1584 = arith.constant 0 : i32
    %lt3A_1585 = vector.broadcast %lt3A_1584 : i32 to vector<16xi32>
    %lt3A_1586 = arith.cmpi slt, %xor3A_1583, %lt3A_1585 : vector<16xi32>
    %add3A_1587 = arith.constant 16 : i32
    %add3A_1588 = vector.broadcast %add3A_1587 : i32 to vector<16xi32>
    %add3A_1589 = arith.addi %xor3A_1583, %add3A_1588 : vector<16xi32>
    %select_n3A_1590 = arith.select %lt3A_1586, %add3A_1589, %xor3A_1583 : vector<16xi1>, vector<16xi32>
    %broadcast_in_dim3A_1591 = vector.shape_cast %select_n3A_1590 : vector<16xi32> to vector<16x1xi32>
    %gather3A_1592 = vector.shape_cast %broadcast_in_dim3A_1591 : vector<16x1xi32> to vector<16xi32>
    %gather3A_1593 = tpu.dynamic_gather %max3A_1579[%gather3A_1592] in [0] : vector<16xf32>, vector<16xi32> -> vector<16xf32>
    %max3A_1594 = arith.maximumf %max3A_1579, %gather3A_1593 : vector<16xf32>
    %iota3A_1595 = tpu.iota {dimensions = array<i32: 0>} : vector<16xi32>
    %xor3A_1596 = arith.constant 2 : i32
    %xor3A_1597 = vector.broadcast %xor3A_1596 : i32 to vector<16xi32>
    %xor3A_1598 = arith.xori %iota3A_1595, %xor3A_1597 : vector<16xi32>
    %lt3A_1599 = arith.constant 0 : i32
    %lt3A_1600 = vector.broadcast %lt3A_1599 : i32 to vector<16xi32>
    %lt3A_1601 = arith.cmpi slt, %xor3A_1598, %lt3A_1600 : vector<16xi32>
    %add3A_1602 = arith.constant 16 : i32
    %add3A_1603 = vector.broadcast %add3A_1602 : i32 to vector<16xi32>
    %add3A_1604 = arith.addi %xor3A_1598, %add3A_1603 : vector<16xi32>
    %select_n3A_1605 = arith.select %lt3A_1601, %add3A_1604, %xor3A_1598 : vector<16xi1>, vector<16xi32>
    %broadcast_in_dim3A_1606 = vector.shape_cast %select_n3A_1605 : vector<16xi32> to vector<16x1xi32>
    %gather3A_1607 = vector.shape_cast %broadcast_in_dim3A_1606 : vector<16x1xi32> to vector<16xi32>
    %gather3A_1608 = tpu.dynamic_gather %max3A_1594[%gather3A_1607] in [0] : vector<16xf32>, vector<16xi32> -> vector<16xf32>
    %max3A_1609 = arith.maximumf %max3A_1594, %gather3A_1608 : vector<16xf32>
    %iota3A_1610 = tpu.iota {dimensions = array<i32: 0>} : vector<16xi32>
    %xor3A_1611 = arith.constant 1 : i32
    %xor3A_1612 = vector.broadcast %xor3A_1611 : i32 to vector<16xi32>
    %xor3A_1613 = arith.xori %iota3A_1610, %xor3A_1612 : vector<16xi32>
    %lt3A_1614 = arith.constant 0 : i32
    %lt3A_1615 = vector.broadcast %lt3A_1614 : i32 to vector<16xi32>
    %lt3A_1616 = arith.cmpi slt, %xor3A_1613, %lt3A_1615 : vector<16xi32>
    %add3A_1617 = arith.constant 16 : i32
    %add3A_1618 = vector.broadcast %add3A_1617 : i32 to vector<16xi32>
    %add3A_1619 = arith.addi %xor3A_1613, %add3A_1618 : vector<16xi32>
    %select_n3A_1620 = arith.select %lt3A_1616, %add3A_1619, %xor3A_1613 : vector<16xi1>, vector<16xi32>
    %broadcast_in_dim3A_1621 = vector.shape_cast %select_n3A_1620 : vector<16xi32> to vector<16x1xi32>
    %gather3A_1622 = vector.shape_cast %broadcast_in_dim3A_1621 : vector<16x1xi32> to vector<16xi32>
    %gather3A_1623 = tpu.dynamic_gather %max3A_1609[%gather3A_1622] in [0] : vector<16xf32>, vector<16xi32> -> vector<16xf32>
    %max3A_1624 = arith.maximumf %max3A_1609, %gather3A_1623 : vector<16xf32>
    %sub3A_1625 = arith.subf %add3A_1564, %max3A_1624 : vector<16xf32>
    %exp3A_1626 = math.exp %sub3A_1625 : vector<16xf32>
    %lt3A_1627 = arith.constant 3 : i32
    %lt3A_1628 = vector.broadcast %lt3A_1627 : i32 to vector<16xi32>
    %lt3A_1629 = arith.cmpi slt, %iota3A, %lt3A_1628 : vector<16xi32>
    %select_n3A_1630 = arith.select %lt3A_1629, %exp3A_1626, %broadcast_in_dim3A_0 : vector<16xi1>, vector<16xf32>
    %iota3A_1631 = tpu.iota {dimensions = array<i32: 0>} : vector<16xi32>
    %xor3A_1632 = arith.constant 8 : i32
    %xor3A_1633 = vector.broadcast %xor3A_1632 : i32 to vector<16xi32>
    %xor3A_1634 = arith.xori %iota3A_1631, %xor3A_1633 : vector<16xi32>
    %lt3A_1635 = arith.constant 0 : i32
    %lt3A_1636 = vector.broadcast %lt3A_1635 : i32 to vector<16xi32>
    %lt3A_1637 = arith.cmpi slt, %xor3A_1634, %lt3A_1636 : vector<16xi32>
    %add3A_1638 = arith.constant 16 : i32
    %add3A_1639 = vector.broadcast %add3A_1638 : i32 to vector<16xi32>
    %add3A_1640 = arith.addi %xor3A_1634, %add3A_1639 : vector<16xi32>
    %select_n3A_1641 = arith.select %lt3A_1637, %add3A_1640, %xor3A_1634 : vector<16xi1>, vector<16xi32>
    %broadcast_in_dim3A_1642 = vector.shape_cast %select_n3A_1641 : vector<16xi32> to vector<16x1xi32>
    %gather3A_1643 = vector.shape_cast %broadcast_in_dim3A_1642 : vector<16x1xi32> to vector<16xi32>
    %gather3A_1644 = tpu.dynamic_gather %select_n3A_1630[%gather3A_1643] in [0] : vector<16xf32>, vector<16xi32> -> vector<16xf32>
    %add3A_1645 = arith.addf %select_n3A_1630, %gather3A_1644 : vector<16xf32>
    %iota3A_1646 = tpu.iota {dimensions = array<i32: 0>} : vector<16xi32>
    %xor3A_1647 = arith.constant 4 : i32
    %xor3A_1648 = vector.broadcast %xor3A_1647 : i32 to vector<16xi32>
    %xor3A_1649 = arith.xori %iota3A_1646, %xor3A_1648 : vector<16xi32>
    %lt3A_1650 = arith.constant 0 : i32
    %lt3A_1651 = vector.broadcast %lt3A_1650 : i32 to vector<16xi32>
    %lt3A_1652 = arith.cmpi slt, %xor3A_1649, %lt3A_1651 : vector<16xi32>
    %add3A_1653 = arith.constant 16 : i32
    %add3A_1654 = vector.broadcast %add3A_1653 : i32 to vector<16xi32>
    %add3A_1655 = arith.addi %xor3A_1649, %add3A_1654 : vector<16xi32>
    %select_n3A_1656 = arith.select %lt3A_1652, %add3A_1655, %xor3A_1649 : vector<16xi1>, vector<16xi32>
    %broadcast_in_dim3A_1657 = vector.shape_cast %select_n3A_1656 : vector<16xi32> to vector<16x1xi32>
    %gather3A_1658 = vector.shape_cast %broadcast_in_dim3A_1657 : vector<16x1xi32> to vector<16xi32>
    %gather3A_1659 = tpu.dynamic_gather %add3A_1645[%gather3A_1658] in [0] : vector<16xf32>, vector<16xi32> -> vector<16xf32>
    %add3A_1660 = arith.addf %add3A_1645, %gather3A_1659 : vector<16xf32>
    %iota3A_1661 = tpu.iota {dimensions = array<i32: 0>} : vector<16xi32>
    %xor3A_1662 = arith.constant 2 : i32
    %xor3A_1663 = vector.broadcast %xor3A_1662 : i32 to vector<16xi32>
    %xor3A_1664 = arith.xori %iota3A_1661, %xor3A_1663 : vector<16xi32>
    %lt3A_1665 = arith.constant 0 : i32
    %lt3A_1666 = vector.broadcast %lt3A_1665 : i32 to vector<16xi32>
    %lt3A_1667 = arith.cmpi slt, %xor3A_1664, %lt3A_1666 : vector<16xi32>
    %add3A_1668 = arith.constant 16 : i32
    %add3A_1669 = vector.broadcast %add3A_1668 : i32 to vector<16xi32>
    %add3A_1670 = arith.addi %xor3A_1664, %add3A_1669 : vector<16xi32>
    %select_n3A_1671 = arith.select %lt3A_1667, %add3A_1670, %xor3A_1664 : vector<16xi1>, vector<16xi32>
    %broadcast_in_dim3A_1672 = vector.shape_cast %select_n3A_1671 : vector<16xi32> to vector<16x1xi32>
    %gather3A_1673 = vector.shape_cast %broadcast_in_dim3A_1672 : vector<16x1xi32> to vector<16xi32>
    %gather3A_1674 = tpu.dynamic_gather %add3A_1660[%gather3A_1673] in [0] : vector<16xf32>, vector<16xi32> -> vector<16xf32>
    %add3A_1675 = arith.addf %add3A_1660, %gather3A_1674 : vector<16xf32>
    %iota3A_1676 = tpu.iota {dimensions = array<i32: 0>} : vector<16xi32>
    %xor3A_1677 = arith.constant 1 : i32
    %xor3A_1678 = vector.broadcast %xor3A_1677 : i32 to vector<16xi32>
    %xor3A_1679 = arith.xori %iota3A_1676, %xor3A_1678 : vector<16xi32>
    %lt3A_1680 = arith.constant 0 : i32
    %lt3A_1681 = vector.broadcast %lt3A_1680 : i32 to vector<16xi32>
    %lt3A_1682 = arith.cmpi slt, %xor3A_1679, %lt3A_1681 : vector<16xi32>
    %add3A_1683 = arith.constant 16 : i32
    %add3A_1684 = vector.broadcast %add3A_1683 : i32 to vector<16xi32>
    %add3A_1685 = arith.addi %xor3A_1679, %add3A_1684 : vector<16xi32>
    %select_n3A_1686 = arith.select %lt3A_1682, %add3A_1685, %xor3A_1679 : vector<16xi1>, vector<16xi32>
    %broadcast_in_dim3A_1687 = vector.shape_cast %select_n3A_1686 : vector<16xi32> to vector<16x1xi32>
    %gather3A_1688 = vector.shape_cast %broadcast_in_dim3A_1687 : vector<16x1xi32> to vector<16xi32>
    %gather3A_1689 = tpu.dynamic_gather %add3A_1675[%gather3A_1688] in [0] : vector<16xf32>, vector<16xi32> -> vector<16xf32>
    %add3A_1690 = arith.addf %add3A_1675, %gather3A_1689 : vector<16xf32>
    %div3A_1691 = arith.divf %select_n3A_1630, %add3A_1690 : vector<16xf32>
    %swap3A_1692 = arith.constant 1 : i32
    %swap3A_1693 = arith.index_cast %swap3A_1692 : i32 to index
    %swap3A_1694 = arith.constant 0 : index
    %swap3A_1695 = tpu.vector_load %arg13[%swap3A_1693, %swap3A_1694] {strides = array<i32>} : memref<2x16xf32, #tpu.memory_space<vmem>>, vector<1x16xf32>,
    %swap3A_1696 = vector.shape_cast %swap3A_1695 : vector<1x16xf32> to vector<16xf32>
    %swap3A_1697 = vector.shape_cast %div3A_1691 : vector<16xf32> to vector<1x16xf32>
    tpu.vector_store %arg13[%swap3A_1693, %swap3A_1694], %swap3A_1697 {strides = array<i32>} : memref<2x16xf32, #tpu.memory_space<vmem>>, vector<1x16xf32>,
    %mul3A_1698 = arith.constant 2 : i32
    %mul3A_1699 = arith.muli %mul3A_1698, %arg1 : i32
    "tpu.region"() ({
      %run_scoped3A = tpu.sem_alloc : memref<!tpu.dma_semaphore, #tpu.memory_space<semaphore_mem>>
      %dma_start3A_1700 = arith.constant 0 : i32
      %dma_start3A_1701 = tpu.memref_slice %arg6[%mul3A_1699, %dma_start3A_1700] : memref<32x16xf32, #tpu.memory_space<hbm>> -> memref<2x16xf32, #tpu.memory_space<hbm>>
      %dma_start3A_1702 = arith.constant 0 : i32
      %dma_start3A_1703 = tpu.memref_slice %arg6[%mul3A_1699, %dma_start3A_1702] : memref<32x16xf32, #tpu.memory_space<hbm>> -> memref<2x16xf32, #tpu.memory_space<hbm>>
      tpu.enqueue_dma source(%arg13 : memref<2x16xf32, #tpu.memory_space<vmem>>) target(%dma_start3A_1703 : memref<2x16xf32, #tpu.memory_space<hbm>>) target_semaphore(%run_scoped3A : memref<!tpu.dma_semaphore, #tpu.memory_space<semaphore_mem>>)
      %dma_wait3A_1704 = arith.constant 0 : i32
      %dma_wait3A_1705 = tpu.memref_slice %arg6[%mul3A_1699, %dma_wait3A_1704] : memref<32x16xf32, #tpu.memory_space<hbm>> -> memref<2x16xf32, #tpu.memory_space<hbm>>
      %dma_wait3A_1706 = arith.constant 0 : i32
      %dma_wait3A_1707 = tpu.memref_slice %arg6[%mul3A_1699, %dma_wait3A_1706] : memref<32x16xf32, #tpu.memory_space<hbm>> -> memref<2x16xf32, #tpu.memory_space<hbm>>
      tpu.wait_dma2 semaphore(%run_scoped3A : memref<!tpu.dma_semaphore, #tpu.memory_space<semaphore_mem>>) src(%arg13 : memref<2x16xf32, #tpu.memory_space<vmem>>) dst(%dma_wait3A_1707 : memref<2x16xf32, #tpu.memory_space<hbm>>)
      tpu.yield
    }) : () -> ()
    return
  }
}

</mosaic_0001>

<sc_bundles>
// kernel: kernel.3.cloned.1.call-start
scs
__scs_entry_jumppad:
0x0: {  	(pc) =	sbr.rel $0x88, $3  }
0x1: {  	(tag) =	ssettag $0x0;
	lr =	simm.s32 $0x1  }
0x2: {  	[smem:$0x3F9B] =	sst lr;
	_ =	strace $0xD0000000  }
0x3: {  	_ = 	snop  }
0x4: {  	_ = 	snop  }
0x5: {  	_ = 	snop  }
0x6: {  	_ = 	snop  }
0x7: {  	_ = 	snop  }
__scs_overlays_trampoline_lowered:
0x8: {  	[smem:$0x3FAA] =	sst s0  }
0x9: {  	[smem:$0x3FAB] =	sst s1  }
0xa: {  	[smem:$0x3FAC] =	sst s2  }
0xb: {  	[smem:$0x3FAD] =	sst s3  }
0xc: {  	[smem:$0x3FAE] =	sst s4  }
0xd: {  	[smem:$0x3FAF] =	sst s5  }
0xe: {  	[smem:$0x3FB0] =	sst s6  }
0xf: {  	[smem:$0x3FB1] =	sst s7  }
0x10: {  	[smem:$0x3FB2] =	sst s8  }
0x11: {  	[smem:$0x3FB3] =	sst s9;
	s0 =	simm.s32 @!p0 $0x0  }
0x12: {  	s1 =	sld [smem:$0x3F99];
	s0 =	simm.s32 @p0 $0x1  }
0x13: {  	[smem:$0x3FB4] =	sst s0;
	s0 =	simm.s32 @!p1 $0x0  }
0x14: {  	s2 =	sld [smem:$0x3F98];
	s0 =	simm.s32 @p1 $0x1  }
0x15: {  	[smem:$0x3FB5] =	sst s0;
	s0 =	simm.s32 @!p2 $0x0  }
0x16: {  	s3 =	sld [smem:$0x3FDB];
	s0 =	simm.s32 @p2 $0x1  }
0x17: {  	s4 =	simm.s32 $0x1BF5;
	[smem:$0x3FB7] =	sst s0  }
0x18: {  	s0 =	sld [smem:$0x3F9A];
	_ =	swait.ge [sflag:s4], $0x0  }
0x19: {  	s7 =	sld [smem:$0x3F9B]  }
0x1a: {  	s8 =	sadd.s32 $0xFFFFE003, lr  }
0x1b: {  	s9 =	sadd.s32 $0xFFFFFEF7, lr;
	s5 =	simm.s32 $0xFFFFFFFF;
	p2 =	slt.u32 s8, $0xFFFFF086  }
0x1c: {  	p1 =	slt.u32 s9, $0xF7A;
	s5 =	simm.s32 @!p2 $0x0  }
0x1d: {  	s5 =	simm.s32 @p1 $0x1;
	p0 =	seq.s32 s7, s2  }
0x1e: {  	s7 =	smul.u32 @!p0 $0xF7A, s2;
	p2 =	seq.s32 @!p0 s5, $0x0  }
0x1f: {  	s9 =	smul.u32 $0xF7A, s1;
	s8 =	simm.s32 @!p0 $0x1BF5;
	p2 =	por !p2, p0  }
0x20: {  	[sflag:s8] =	ssyncset.s32 @!p0 $0xFFFFF086;
	s6 =	sadd.s32 @!p0 s3, s7;
	s7 =	simm.s32 @!p0 $0x108  }
0x21: {  	s3 =	sadd.s32 s3, s9;
	s6 =	sadd.s32 @!p0 $0x88, s6;
	s7 =	simm.s32 @p2 $0x1082  }
0x22: {  	[simem:s7], [sflag:s8] =	dma.local @!p0 [hbm:s6], $0xF7A  }
0x23: {  	s9 =	sor.u32 $0xD0000000, s2;
	s6 =	simm.s32 $0x108;
	_ =	swait.ge @!p0 [sflag:s8], $0x0  }
0x24: {  	s3 =	sadd.s32 $0x88, s3;
	s6 =	simm.s32 @!p1 $0x1082;
	[sflag:s4] =	ssyncset.s32 $0xFFFFF086  }
0x25: {  	[simem:s6], [sflag:s4] =	dma.local [hbm:s3], $0xF7A  }
0x26: {  	[smem:$0x3F9B] =	sst s1;
	(tag) =	ssettag s2;
	_ =	strace s9  }
0x27: {  	s1 =	sld [smem:$0x3FAB]  }
0x28: {  	s2 =	sld [smem:$0x3FAC]  }
0x29: {  	s4 =	sld [smem:$0x3FAE]  }
0x2a: {  	p0 =	seq.s32 s5, $0x0;
	s5 =	sld [smem:$0x3FAF]  }
0x2b: {  	s6 =	sld [smem:$0x3FB0]  }
0x2c: {  	s7 =	sld [smem:$0x3FB1]  }
0x2d: {  	s3 =	simm.s32 $0x108;
	s8 =	sld [smem:$0x3FB2]  }
0x2e: {  	s3 =	simm.s32 @!p0 $0x1082;
	s9 =	sld [smem:$0x3FB3]  }
0x2f: {  	lr =	sadd.s32 s0, s3;
	s0 =	sld [smem:$0x3FAA]  }
0x30: {  	s3 =	sld [smem:$0x3FAD]  }
0x31: {  	[smem:$0x3FB6] =	sst s10  }
0x32: {  	s10 =	sld [smem:$0x3FB4];
	_ =	sdelay $0x3  }
0x33: {  	p0 =	seq.s32 s10, $0x1;
	s10 =	sld [smem:$0x3FB6];
	_ =	sdelay $0x3  }
0x34: {  	[smem:$0x3FB6] =	sst s10  }
0x35: {  	s10 =	sld [smem:$0x3FB5];
	_ =	sdelay $0x3  }
0x36: {  	p1 =	seq.s32 s10, $0x1;
	s10 =	sld [smem:$0x3FB6];
	_ =	sdelay $0x3  }
0x37: {  	[smem:$0x3FB6] =	sst s10  }
0x38: {  	s10 =	sld [smem:$0x3FB7]  }
0x39: {  	_ = 	snop;
	(pc) =	sbr.ind lr, $3  }
0x3a: {  	_ = 	snop  }
0x3b: {  	_ = 	snop  }
0x3c: {  	p2 =	seq.s32 s10, $0x1;
	s10 =	sld [smem:$0x3FB6]  }
0x3d: {  	_ =	shalt  }
0x3e: {  	_ =	shalt  }
0x3f: {  	_ =	shalt  }
0x40: {  	_ =	shalt  }
0x41: {  	_ =	shalt  }
0x42: {  	_ =	shalt  }
0x43: {  	_ =	shalt  }
0x44: {  	_ =	shalt  }
0x45: {  	_ =	shalt  }
0x46: {  	_ =	shalt  }
0x47: {  	_ =	shalt  }
0x48: {  	_ =	shalt  }
0x49: {  	_ =	shalt  }
0x4a: {  	_ =	shalt  }
0x4b: {  	_ =	shalt  }
0x4c: {  	_ =	shalt  }
0x4d: {  	_ =	shalt  }
0x4e: {  	_ =	shalt  }
0x4f: {  	_ =	shalt  }
0x50: {  	_ =	shalt  }
0x51: {  	_ =	shalt  }
0x52: {  	_ =	shalt  }
0x53: {  	_ =	shalt  }
0x54: {  	_ =	shalt  }
0x55: {  	_ =	shalt  }
0x56: {  	_ =	shalt  }
0x57: {  	_ =	shalt  }
0x58: {  	_ =	shalt  }
0x59: {  	_ =	shalt  }
0x5a: {  	_ =	shalt  }
0x5b: {  	_ =	shalt  }
0x5c: {  	_ =	shalt  }
0x5d: {  	_ =	shalt  }
0x5e: {  	_ =	shalt  }
0x5f: {  	_ =	shalt  }
0x60: {  	_ =	shalt  }
0x61: {  	_ =	shalt  }
0x62: {  	_ =	shalt  }
0x63: {  	_ =	shalt  }
0x64: {  	_ =	shalt  }
0x65: {  	_ =	shalt  }
0x66: {  	_ =	shalt  }
0x67: {  	_ =	shalt  }
0x68: {  	_ =	shalt  }
0x69: {  	_ =	shalt  }
0x6a: {  	_ =	shalt  }
0x6b: {  	_ =	shalt  }
0x6c: {  	_ =	shalt  }
0x6d: {  	_ =	shalt  }
0x6e: {  	_ =	shalt  }
0x6f: {  	_ =	shalt  }
0x70: {  	_ =	shalt  }
0x71: {  	_ =	shalt  }
0x72: {  	_ =	shalt  }
0x73: {  	_ =	shalt  }
0x74: {  	_ =	shalt  }
0x75: {  	_ =	shalt  }
0x76: {  	_ =	shalt  }
0x77: {  	_ =	shalt  }
0x78: {  	_ =	shalt  }
0x79: {  	_ =	shalt  }
0x7a: {  	_ =	shalt  }
0x7b: {  	_ =	shalt  }
0x7c: {  	_ =	shalt  }
0x7d: {  	_ =	shalt  }
0x7e: {  	_ =	shalt  }
0x7f: {  	_ =	shalt  }
0x80: {  	_ =	shalt  }
0x81: {  	_ =	shalt  }
0x82: {  	_ =	shalt  }
0x83: {  	_ =	shalt  }
0x84: {  	_ =	shalt  }
0x85: {  	_ =	shalt  }
0x86: {  	_ =	shalt  }
0x87: {  	_ =	shalt  }
.Lfunc_end0:
.L_simem_size_0:
called_computation_lowered:
.L_overlay_start_0:
0x88: {  	s0 =	sld [smem:$0x3FD9]  }
0x89: {  	s1 =	sld [smem:$0x3FFE];
	_ =	sdelay $0x3  }
0x8a: {  	s0 =	sadd.s32 s1, s0  }
0x8b: {  	[smem:$0x3FC2] =	sst s0  }
0x8c: {  	_ = 	snop  }
0x8d: {  	s0 =	sld [smem:$0x3FD0];
	(tm) =	ssettm $0x1  }
0x8e: {  	s16 =	sld [smem:$0x3FFB];
	_ =	sdelay $0x3  }
0x8f: {  	_ =	strace s16  }
0x90: {  	s1 =	sld [smem:$0x3FFC];
	_ =	sdelay $0x3  }
0x91: {  	_ =	strace s1  }
0x92: {  	s1 =	sld [smem:$0x3FFD];
	_ =	sdelay $0x3  }
0x93: {  	_ =	strace s1  }
0x94: {  	_ =	strace $0x8FFFFFFF  }
0x95: {  	s17 =	sld [smem:$0x3FDB];
	_ =	sdelay $0x1  }
0x96: {  	s2 =	simm.s32 $_scs_section_size  }
0x97: {  	s3 =	simm.s32 $_size__tile_overlayer_lowered;
	s4 =	simm.s32 $_tile_overlayer_lowered  }
0x98: {  	s20 =	simm.s32 $0x1BFF;
	s19 =	sshll.u32 s4, $0x1;
	s1 =	sadd.s32 s2, s17  }
0x99: {  	s5 =	simm.s32 $0x0;
	s18 =	sshll.u32 s3, $0x1;
	s3 =	sadd.s32 s19, s1  }
0x9a: {  	[timem:s5], [sflag:s20] =	dma.local [hbm:s3], s18  }
0x9b: {  	_ =	swait.ge [sflag:s20], s18  }
0x9c: {  	s2 =	ssub.s32 $0x0, s18;
	[sflag:s20] =	ssyncset.done $0x0  }
0x9d: {  	[sflag:s20] =	ssyncadd.s32 s2;
	_ =	sdelay $0x1  }
0x9e: {  	s21 =	simm.s32 $0x1B8B  }
0x9f: {  	_ =	swait.ge [sflag:s21], $0x1  }
0xa0: {  	[sflag:s21] =	ssyncset.done $0x0  }
0xa1: {  	s23 =	simm.s32 $0x1B8E;
	s22 =	sld [smem:$0x3FFE];
	[sflag:s21] =	ssyncadd.s32 $0xFFFFFFFF  }
0xa2: {  	s24 =	simm.s32 $execute0_lowered;
	[smem:$0x3FD2] =	sst s23  }
0xa3: {  	s3 =	sshll.u32 s24, $0x1;
	_ =	strace $0x80000046;
	[dreg:$0x1] =	wrdreg $0xFFFFFFFF  }
0xa4: {  	s25 =	simm.s32 $_size_execute0_lowered;
	s1 =	sadd.s32 s1, s3;
	[dreg:$0x0] =	wrdreg $0x0  }
0xa5: {  	s3 =	sshll.u32 s25, $0x1;
	[dreg:$0x2] =	wrdreg s1  }
0xa6: {  	[dreg:$0x3] =	wrdreg s3  }
0xa7: {  	[dreg:$0x4] =	wrdreg $0xC0  }
0xa8: {  	_ =	task [dreg:s5], $0x5FFFF  }
0xa9: {  	[dreg:$0x1] =	wrdreg $0xFFFFFFFF  }
0xaa: {  	[dreg:$0x0] =	wrdreg $0x60  }
0xab: {  	[dreg:$0x2] =	wrdreg s22  }
0xac: {  	[dreg:$0x3] =	wrdreg s0  }
0xad: {  	[dreg:$0x4] =	wrdreg $0x9  }
0xae: {  	_ =	task.clear_ibuf [dreg:s5], $0x5FFFF;
	_ =	strace $0x90000046  }
0xaf: {  	s26 =	simm.s32 $0x9;
	_ =	strace $0x80000048  }
0xb0: {  	_ =	swait.ge [sflag:s26], $0x1  }
0xb1: {  	[sflag:s26] =	ssyncadd.s32 $0xFFFFFFFF  }
0xb2: {  	_ =	strace $0x90000048  }
0xb3: {  	_ =	sfence  }
0xb4: {  	s28 =	sld [smem:$0x0];
	_ =	sdelay $0x1  }
0xb5: {  	s29 =	srdreg.scid  }
0xb6: {  	s30 =	sshll.u32 s29, $0xD;
	s31 =	sshrl.u32 s29, $0x2  }
0xb7: {  	s2 =	sand.u32 $0x4000, s30;
	s1 =	sand.u32 $0x1, s29;
	s0 =	sadd.s32 s31, s28  }
0xb8: {  	s1 =	sor.u32 s2, s1;
	s0 =	sshll.u32 s0, $0x11  }
0xb9: {  	s0 =	sor.u32 s0, s1  }
0xba: {  	s0 =	sadd.s32 $0x8F2B, s0  }
0xbb: {  	[sflag:s0] =	ssyncadd.remote.s32 $0x1  }
0xbc: {  	_ =	sfence.sel $0xFFFF  }
0xbd: {  	[dreg:$0x0] =	wrdreg $0xFFFFFFFF;
	(pc) =	sbr.abs _section_cstart, $3  }
0xbe: {  	[dreg:$0x1] =	wrdreg $0xFFFFFFFF  }
0xbf: {  	_ =	task.clear_ibuf [dreg:s5], $0x2FFFF;
	_ =	strace $0x9FFFFFFF  }
0xc0: {  	(tm) =	ssettm $0x7FFFFFFF  }
0xc1: {  	_ =	shalt  }
tec
execute0_lowered:
.L_overlay_start_1:
0x0: {  	(tag) =	ssettag $0x1  }
0x1: {  	s4 =	rddreg [dreg:$0x0]  }
0x2: {  	s0 =	stileid.u32;
	s7 =	rddreg [dreg:$0x1]  }
0x3: {  	s5 =	simm.s32 $0x0;
	s2 =	sshrl.u32 s0, $0x2;
	s1 =	sshll.u32 s0, $0x8  }
0x4: {  	s9 =	simm.s32 $0x100;
	s3 =	sand.u32 $0x300, s1;
	s6 =	sshll.u32 s2, $0xB  }
0x5: {  	s10 =	simm.s32 $0x400;
	s11 =	simm.s32 $0x4080;
	s8 =	sor.u32 s3, s6  }
0x6: {  	[smem:$0x7FF] =	sst s5;
	s17 =	sadd.s32 $0x1800, s4;
	s8 =	sshrl.u32 s8, $0x3  }
0x7: {  	s1 =	rddreg [dreg:$0x2];
	_ =	strace $0x80000047;
	s8 =	sadd.s32 s17, s8  }
0x8: {  	[tilespmem:s11], [sflag:$0x1] =	stream.strided.gather [hbm4b:s8+s9], $0x200, s10, s9, $0x38;
	[tilespmem:$0x9C00] =	vst v63  }
0x9: {  	s19 =	simm.s32 $0x4280;
	s18 =	sadd.s32 $0xE00, s4  }
0xa: {  	[tilespmem:s19], [sflag:$0x2] =	stream.linear.gather [hbm4b:s18+s5], $0x4B00, $0x38;
	[tilespmem:$0x9C00] =	vst v63  }
0xb: {  	s21 =	simm.s32 $0x8E80;
	s20 =	sadd.s32 $0x1C00, s4  }
0xc: {  	[tilespmem:s21], [sflag:$0x3] =	stream.linear.gather [hbm4b:s20+s5], $0x80, $0x38;
	[tilespmem:$0x9C00] =	vst v63  }
0xd: {  	s22 =	simm.s32 $0x8  }
0xe: {  	[tilespmem:s5], [sflag:$0x8] =	stream.linear.gather [hbm4b:s7+s5], $0x80, $0x38;
	[tilespmem:$0x9C00] =	vst v63  }
0xf: {  	_ =	swait.ge [sflag:s22], $0x80  }
0x10: {  	[sflag:s22] =	ssyncset.done $0x0  }
0x11: {  	[sflag:s22] =	ssyncadd.s32 $0xFFFFFF80  }
0x12: {  	v4 =	vld [tilespmem:$0x0];
	_ =	sdelay $0x4  }
0x13: {  	v0 =	vshll.u32 v4, $0x1  }
0x14: {  	v2 =	vlaneseq.u32;
	v1 =	vand.u32 $0x7, v4;
	v0 =	vand.u32 $0xFFFFFFF0, v0  }
0x15: {  	v3 =	vand.u32 $0x7, v2;
	v0 =	vor.u32 v1, v0;
	v1 =	vshrl.u32 v2, $0x3  }
0x16: {  	v5 =	vperm.xlane v0, v3;
	v8 =	vmul.u32 $0x8, v1  }
0x17: {  	v9 =	vor.u32 $0x8, v2;
	v11 =	vld [tilespmem:$0x10]  }
0x18: {  	v7 =	vld [tilespmem:$0x20];
	v0 =	vperm.xlane v0, v9;
	v12 =	vadd.s32 v8, v5  }
0x19: {  	v10 =	vld [tilespmem:$0x50]  }
0x1a: {  	v6 =	vld [tilespmem:$0x60];
	v13 =	vadd.s32 v8, v0  }
0x1b: {  	v1 =	vld [tilespmem:$0x30]  }
0x1c: {  	vm0 =	vmmov $0xffff;
	s23 =	simm.s32 $0x80;
	v5 =	vld [tilespmem:$0x40]  }
0x1d: {  	v0 =	vld [tilespmem:$0x70];
	[tilespmem:s23], [sflag:$0x4] =	stream.indirect_vreg.gather [hbm4b:s17+s5], $0x80, v12, vm0, $0xb8  }
0x1e: {  	s24 =	simm.s32 $0x880  }
0x1f: {  	[tilespmem:s24], [sflag:$0x4] =	stream.indirect_vreg.gather [hbm4b:s17+s5], $0x80, v13, vm0, $0xb8;
	[tilespmem:$0x9C00] =	vst v63  }
0x20: {  	v12 =	vld [tilespmem:$0x10];
	_ =	sdelay $0x4  }
0x21: {  	v13 =	vshll.u32 v12, $0x1  }
0x22: {  	v12 =	vand.u32 $0x7, v12;
	v13 =	vand.u32 $0xFFFFFFF0, v13  }
0x23: {  	v12 =	vor.u32 v12, v13  }
0x24: {  	v13 =	vperm.xlane v12, v3;
	_ =	sdelay $0x1  }
0x25: {  	v12 =	vperm.xlane v12, v9;
	v13 =	vadd.s32 v8, v13;
	_ =	sdelay $0x1  }
0x26: {  	v12 =	vadd.s32 v8, v12;
	_ =	sdelay $0x1  }
0x27: {  	s25 =	simm.s32 $0x1080  }
0x28: {  	[tilespmem:s25], [sflag:$0x5] =	stream.indirect_vreg.gather [hbm4b:s17+s5], $0x80, v13, vm0, $0xb8;
	[tilespmem:$0x9C00] =	vst v63  }
0x29: {  	s26 =	simm.s32 $0x1880  }
0x2a: {  	[tilespmem:s26], [sflag:$0x5] =	stream.indirect_vreg.gather [hbm4b:s17+s5], $0x80, v12, vm0, $0xb8;
	[tilespmem:$0x9C00] =	vst v63  }
0x2b: {  	v12 =	vld [tilespmem:$0x20];
	_ =	sdelay $0x4  }
0x2c: {  	v13 =	vshll.u32 v12, $0x1  }
0x2d: {  	v12 =	vand.u32 $0x7, v12;
	v13 =	vand.u32 $0xFFFFFFF0, v13  }
0x2e: {  	v12 =	vor.u32 v12, v13  }
0x2f: {  	v13 =	vperm.xlane v12, v3;
	_ =	sdelay $0x1  }
0x30: {  	v12 =	vperm.xlane v12, v9;
	v13 =	vadd.s32 v8, v13;
	_ =	sdelay $0x1  }
0x31: {  	v12 =	vadd.s32 v8, v12;
	_ =	sdelay $0x1  }
0x32: {  	s28 =	simm.s32 $0x2080  }
0x33: {  	[tilespmem:s28], [sflag:$0x6] =	stream.indirect_vreg.gather [hbm4b:s17+s5], $0x80, v13, vm0, $0xb8;
	[tilespmem:$0x9C00] =	vst v63  }
0x34: {  	s29 =	simm.s32 $0x2880  }
0x35: {  	[tilespmem:s29], [sflag:$0x6] =	stream.indirect_vreg.gather [hbm4b:s17+s5], $0x80, v12, vm0, $0xb8;
	[tilespmem:$0x9C00] =	vst v63  }
0x36: {  	v12 =	vld [tilespmem:$0x30];
	_ =	sdelay $0x4  }
0x37: {  	v13 =	vshll.u32 v12, $0x1  }
0x38: {  	v12 =	vand.u32 $0x7, v12;
	v13 =	vand.u32 $0xFFFFFFF0, v13  }
0x39: {  	v12 =	vor.u32 v12, v13  }
0x3a: {  	v3 =	vperm.xlane v12, v3  }
0x3b: {  	v13 =	vmov s5  }
0x3c: {  	v14 =	vadd.s32 v8, v3;
	v3 =	vperm.xlane v12, v9;
	v9 =	vand.u32 $0xF, v13  }
0x3d: {  	v9 =	vbroadcast v9, $0x0;
	_ =	sdelay $0x1  }
0x3e: {  	v13 =	vimm.s32 $0x1;
	v12 =	vadd.s32 v8, v3;
	v15 =	vperm.xlane v5, v9  }
0x3f: {  	v3 =	vimm.s32 $0x0;
	v8 =	vor.u32 $0x10, v2;
	v16 =	vperm.xlane v10, v9  }
0x40: {  	s30 =	simm.s32 $0x3080;
	v17 =	vperm.xlane v6, v9;
	v18 =	vperm.xlane v0, v9;
	vm1 =	veq.s32 v15, v2  }
0x41: {  	[tilespmem:s30], [sflag:$0x7] =	stream.indirect_vreg.gather [hbm4b:s17+s5], $0x80, v14, vm0, $0xb8;
	vm2 =	veq.s32 v15, v8;
	vm3 =	veq.s32 v16, v8;
	v9 =	vsel vm1, $0x1, v3;
	[tilespmem:$0x9C00] =	vst v63  }
0x42: {  	s31 =	simm.s32 $0x3880;
	v14 =	vsel vm2, $0x1, v3;
	vm1 =	veq.s32 v18, v8;
	vm2 =	veq.s32 v16, v2  }
0x43: {  	[tilespmem:s31], [sflag:$0x7] =	stream.indirect_vreg.gather [hbm4b:s17+s5], $0x80, v12, vm0, $0xb8;
	v12 =	vadd.s32 v9, v13;
	v13 =	vadd.s32 v14, v13;
	[tilespmem:$0x9C00] =	vst v63  }
0x44: {  	v9 =	vsel vm1, $0x1, v3;
	v14 =	vsel vm3, $0x1, v3;
	vm0 =	veq.s32 v18, v2  }
0x45: {  	s4 =	sadd.s32 $0x1E00, s4;
	s6 =	simm.s32 $0x1;
	s5 =	simm.s32 $0x2;
	vm1 =	veq.s32 v17, v2;
	vm3 =	veq.s32 v17, v8;
	v13 =	vadd.s32 v14, v13  }
.LBB2_1:
0x46: {  	p0 =	sne.s32 s5, $0xF;
	v14 =	vmov s6;
	v15 =	vsel vm2, $0x1, v3;
	v16 =	vsel vm3, $0x1, v3;
	s6 =	smov.u32 s5;
	s5 =	sadd.s32 $0x1, s5  }
0x47: {  	v14 =	vand.u32 $0xF, v14;
	v12 =	vadd.s32 v15, v12;
	v13 =	vadd.s32 v16, v13  }
0x48: {  	v15 =	vsel vm1, $0x1, v3;
	v14 =	vbroadcast v14, $0x0;
	v9 =	vadd.s32 v9, v13  }
0x49: {  	v12 =	vadd.s32 v15, v12;
	v13 =	vsel vm0, $0x1, v3  }
0x4a: {  	v12 =	vadd.s32 v13, v12;
	v15 =	vperm.xlane v5, v14;
	v16 =	vperm.xlane v10, v14  }
0x4b: {  	v17 =	vperm.xlane v6, v14;
	v13 =	vperm.xlane v0, v14  }
.Ltmp0:
0x4c: {  	vm0 =	veq.s32 v15, v2;
	vm1 =	veq.s32 v15, v8;
	vm3 =	veq.s32 v16, v8;
	(pc) =	sbr.rel @p0 .LBB2_1-.Ltmp0, $4  }
0x4d: {  	v14 =	vsel vm0, $0x1, v3;
	v15 =	vsel vm1, $0x1, v3;
	vm0 =	veq.s32 v13, v8  }
0x4e: {  	v12 =	vadd.s32 v14, v12;
	v14 =	vadd.s32 v15, v9;
	v9 =	vsel vm0, $0x1, v3  }
0x4f: {  	vm2 =	veq.s32 v16, v2;
	v15 =	vsel vm3, $0x1, v3;
	vm0 =	veq.s32 v13, v2  }
0x50: {  	vm1 =	veq.s32 v17, v2;
	vm3 =	veq.s32 v17, v8;
	v13 =	vadd.s32 v15, v14  }
0x51: {  	v14 =	vmov s6  }
0x52: {  	v15 =	vsel vm2, $0x1, v3;
	v16 =	vsel vm3, $0x1, v3;
	v14 =	vand.u32 $0xF, v14  }
0x53: {  	v12 =	vadd.s32 v15, v12;
	v15 =	vsel vm1, $0x1, v3;
	v14 =	vbroadcast v14, $0x0  }
0x54: {  	v13 =	vadd.s32 v16, v13;
	v12 =	vadd.s32 v15, v12;
	v15 =	vsel vm0, $0x1, v3  }
0x55: {  	v9 =	vadd.s32 v9, v13;
	v16 =	vperm.xlane v5, v14;
	v13 =	vperm.xlane v10, v14  }
0x56: {  	v12 =	vadd.s32 v15, v12;
	v15 =	vperm.xlane v6, v14;
	v14 =	vperm.xlane v0, v14  }
0x57: {  	vm9 =	veq.s32 v16, v2;
	vm10 =	veq.s32 v16, v8;
	vm11 =	veq.s32 v13, v8  }
0x58: {  	vm12 =	veq.s32 v14, v8;
	vm13 =	veq.s32 v13, v2;
	vm14 =	veq.s32 v14, v2  }
0x59: {  	vm15 =	veq.s32 v15, v2;
	vm6 =	veq.s32 v15, v8;
	v16 =	vsel vm9, $0x1, v3  }
0x5a: {  	v17 =	vsel vm10, $0x1, v3;
	v2 =	vsel vm13, $0x1, v3;
	v8 =	vsel vm6, $0x1, v3  }
0x5b: {  	v12 =	vadd.s32 v16, v12;
	v9 =	vadd.s32 v17, v9;
	v16 =	vsel vm12, $0x1, v3  }
0x5c: {  	v17 =	vsel vm11, $0x1, v3;
	v2 =	vadd.s32 v2, v12;
	v12 =	vsel vm15, $0x1, v3  }
0x5d: {  	v9 =	vadd.s32 v17, v9;
	v3 =	vsel vm14, $0x1, v3;
	v2 =	vadd.s32 v12, v2  }
0x5e: {  	v8 =	vadd.s32 v8, v9;
	v9 =	vimm.f32 $9.000000350e-02;
	v2 =	vadd.s32 v3, v2  }
0x5f: {  	v8 =	vadd.s32 v16, v8;
	v3 =	vcvt.s32.f32 v2;
	vm7 =	vlt.s32 v2, $0x40  }
0x60: {  	vm8 =	vlt.s32 v2, $0x4;
	vm9 =	vlt.s32 v2, $0x10;
	v12 =	vcvt.s32.f32 v8  }
0x61: {  	vm10 =	vlt.s32 v8, $0x40;
	vm11 =	vlt.s32 v8, $0x10;
	v2 =	vsel vm7, $0x3E3851EC, v9  }
0x62: {  	vm12 =	vlt.s32 v8, $0x4;
	v9 =	vsel vm10, $0x3E3851EC, v9;
	v2 =	vsel vm9, $0x3EB33333, v2  }
0x63: {  	v3 =	vmul.f32 $5.000000000e-01, v3;
	v8 =	vsel vm11, $0x3EB33333, v9;
	v9 =	vmul.f32 $5.000000000e-01, v12  }
0x64: {  	v2 =	vsel vm8, $0x3F333333, v2;
	v8 =	vsel vm12, $0x3F333333, v8  }
0x65: {  	v12 =	vmul.f32 v2, v3;
	v13 =	vmul.f32 v8, v9;
	_ =	sdelay $0x1  }
0x66: {  	v12 =	vmul.f32 v12, v2;
	v13 =	vmul.f32 v13, v8;
	_ =	sdelay $0x1  }
0x67: {  	v12 =	vsub.f32 $1.500000000e+00, v12;
	v13 =	vsub.f32 $1.500000000e+00, v13;
	_ =	sdelay $0x1  }
0x68: {  	v2 =	vmul.f32 v12, v2;
	v8 =	vmul.f32 v13, v8;
	_ =	sdelay $0x1  }
0x69: {  	v12 =	vmul.f32 v2, v3;
	v13 =	vmul.f32 v8, v9;
	_ =	sdelay $0x1  }
0x6a: {  	v12 =	vmul.f32 v12, v2;
	v13 =	vmul.f32 v13, v8;
	_ =	sdelay $0x1  }
0x6b: {  	v12 =	vsub.f32 $1.500000000e+00, v12;
	v13 =	vsub.f32 $1.500000000e+00, v13;
	_ =	sdelay $0x1  }
0x6c: {  	v2 =	vmul.f32 v12, v2;
	v8 =	vmul.f32 v13, v8;
	_ =	sdelay $0x1  }
0x6d: {  	v12 =	vmul.f32 v2, v3;
	v13 =	vmul.f32 v8, v9;
	_ =	sdelay $0x1  }
0x6e: {  	v12 =	vmul.f32 v12, v2;
	v13 =	vmul.f32 v13, v8;
	_ =	sdelay $0x1  }
0x6f: {  	v12 =	vsub.f32 $1.500000000e+00, v12;
	v13 =	vsub.f32 $1.500000000e+00, v13;
	_ =	sdelay $0x1  }
0x70: {  	v2 =	vmul.f32 v12, v2;
	v8 =	vmul.f32 v13, v8;
	_ =	sdelay $0x1  }
0x71: {  	v12 =	vmul.f32 v2, v3;
	v13 =	vmul.f32 v8, v9;
	_ =	sdelay $0x1  }
0x72: {  	v12 =	vmul.f32 v12, v2;
	v13 =	vmul.f32 v13, v8;
	_ =	sdelay $0x1  }
0x73: {  	v12 =	vsub.f32 $1.500000000e+00, v12;
	v13 =	vsub.f32 $1.500000000e+00, v13;
	_ =	sdelay $0x1  }
0x74: {  	v2 =	vmul.f32 v12, v2;
	v8 =	vmul.f32 v13, v8;
	_ =	sdelay $0x1  }
0x75: {  	v3 =	vmul.f32 v2, v3;
	v9 =	vmul.f32 v8, v9;
	_ =	sdelay $0x1  }
0x76: {  	v3 =	vmul.f32 v3, v2;
	v9 =	vmul.f32 v9, v8;
	_ =	sdelay $0x1  }
0x77: {  	s5 =	simm.s32 $0x4;
	v3 =	vsub.f32 $1.500000000e+00, v3;
	v9 =	vsub.f32 $1.500000000e+00, v9  }
0x78: {  	s28 =	simm.s32 $0x0;
	_ =	swait.ge [sflag:s5], $0x1000  }
0x79: {  	s7 =	sand.u32 $0x800, s28;
	s8 =	sand.u32 $0x380, s28;
	[sflag:s5] =	ssyncset.done $0x0;
	v2 =	vmul.f32 v3, v2;
	v3 =	vmul.f32 v9, v8  }
0x7a: {  	s7 =	sor.u32 s8, s7;
	[sflag:s5] =	ssyncadd.s32 $0xFFFFF000;
	v8 =	vand.u32 $0xF, v4  }
0x7b: {  	s9 =	sshll.u32 s0, $0x1;
	v24 =	vld [tilespmem:s7+$0xC0];
	v9 =	vperm.xlane v2, v8;
	v8 =	vperm.xlane v3, v8  }
0x7c: {  	v26 =	vld [tilespmem:s7+$0xA0];
	vm13 =	vlt.s32 v4, $0x10;
	vm14 =	veq.s32 v5, s9  }
0x7d: {  	s29 =	sshllo.u32 s0, $0x1;
	v19 =	vld [tilespmem:s7+$0xF0];
	v4 =	vsel vm13, v9, v8;
	v8 =	vand.u32 $0xF, v11;
	v9 =	vmov s28  }
0x7e: {  	v18 =	vld [tilespmem:s7+$0x480];
	vm15 =	veq.s32 v5, s29;
	v14 =	vperm.xlane v2, v8;
	v5 =	vand.u32 $0xF, v9  }
0x7f: {  	v20 =	vld [tilespmem:s7+$0xB0];
	v15 =	vperm.xlane v3, v8;
	v8 =	vand.u32 $0xF, v7;
	v5 =	vbroadcast v5, $0x0  }
0x80: {  	v22 =	vld [tilespmem:s7+$0x90];
	v16 =	vnsel vm14, $0x0, v4;
	v17 =	vnsel vm15, $0x0, v4;
	v12 =	vperm.xlane v2, v8  }
0x81: {  	v28 =	vld [tilespmem:s7+$0x80];
	v4 =	vand.u32 $0xF, v1;
	v13 =	vperm.xlane v3, v8;
	v42 =	vperm.xlane v17, v5  }
0x82: {  	v27 =	vld [tilespmem:s7+$0xD0];
	v8 =	vperm.xlane v2, v4;
	v21 =	vperm.xlane v16, v5  }
0x83: {  	v32 =	vld [tilespmem:s7+$0x490];
	v9 =	vperm.xlane v3, v4;
	v25 =	vmul.f32 v24, v42  }
0x84: {  	v31 =	vmul.f32 v19, v21;
	v29 =	vmul.f32 v18, v21  }
0x85: {  	v43 =	vmul.f32 v18, v42;
	v30 =	vmul.f32 v20, v21  }
0x86: {  	v40 =	vld [tilespmem:s7+$0xE0];
	v33 =	vmul.f32 v26, v21;
	v44 =	vmul.f32 v20, v42  }
0x87: {  	v23 =	vimm.f32 $0.0e+00;
	s30 =	simm.s32 $0x1;
	v34 =	vmul.f32 v22, v42;
	v35 =	vmul.f32 v28, v21  }
0x88: {  	v63 =	vmov s30;
	v36 =	vmul.f32 v27, v21;
	v46 =	vmul.f32 v32, v21  }
0x89: {  	v4 =	vmov s29;
	v47 =	vmul.f32 v32, v42;
	v24 =	vmul.f32 v24, v21  }
0x8a: {  	s6 =	simm.s32 $0x100;
	s5 =	simm.s32 $0x80;
	v5 =	vmov s9;
	v50 =	vmul.f32 v26, v42;
	v49 =	vmul.f32 v28, v42  }
0x8b: {  	s31 =	sand.u32 $0x800, s6;
	s10 =	sand.u32 $0x380, s5;
	v51 =	vmul.f32 v40, v42;
	v18 =	vadd.f32 v25, v23;
	v25 =	vmul.f32 v19, v42  }
0x8c: {  	s7 =	sor.u32 s10, s31;
	v19 =	vadd.f32 v29, v23;
	v29 =	vmul.f32 v22, v21;
	v20 =	vadd.f32 v30, v23  }
0x8d: {  	v37 =	vld [tilespmem:s7+$0xC0];
	v22 =	vadd.f32 v33, v23;
	v30 =	vmul.f32 v27, v42;
	v31 =	vadd.f32 v31, v23  }
0x8e: {  	v38 =	vld [tilespmem:s7+$0xE0];
	v33 =	vand.u32 $0xF, v63;
	v32 =	vadd.f32 v24, v23;
	v28 =	vadd.f32 v47, v23  }
0x8f: {  	v45 =	vld [tilespmem:s7+$0xF0];
	v26 =	vadd.f32 v44, v23;
	v24 =	vadd.f32 v43, v23;
	v43 =	vimm.f32 $0.0e+00  }
0x90: {  	v48 =	vld [tilespmem:s7+$0x480];
	v41 =	vbroadcast v33, $0x0;
	v33 =	vadd.f32 v34, v23;
	v34 =	vadd.f32 v35, v23  }
0x91: {  	v47 =	vld [tilespmem:s7+$0x90];
	v44 =	vimm.f32 $0.0e+00;
	v35 =	vadd.f32 v46, v23;
	v25 =	vadd.f32 v25, v23  }
0x92: {  	v46 =	vld [tilespmem:s7+$0xB0];
	v27 =	vadd.f32 v29, v23;
	v39 =	vperm.xlane v16, v41;
	v41 =	vperm.xlane v17, v41  }
0x93: {  	s8 =	simm.s32 $0x2;
	v42 =	vimm.f32 $0.0e+00;
	v29 =	vadd.f32 v36, v23;
	v36 =	vld [tilespmem:s7+$0xA0];
	v30 =	vadd.f32 v30, v23  }
.LBB2_3:
0x94: {  	p0 =	sne.s32 s8, $0xF;
	v52 =	vld [tilespmem:s7+$0x80];
	v53 =	vmul.f32 v37, v41;
	s5 =	sadd.s32 $0x80, s5;
	s6 =	sadd.s32 $0x100, s6;
	v23 =	vadd.f32 v50, v23;
	v50 =	vmul.f32 v40, v21;
	v40 =	vmovc v38  }
0x95: {  	v43 =	vadd.f32 v49, v43;
	v21 =	vmovc v39;
	s9 =	smov.u32 s8;
	s8 =	sadd.s32 $0x1, s8;
	v38 =	vld [tilespmem:s7+$0xD0];
	v54 =	vmul.f32 v45, v39;
	v44 =	vadd.f32 v51, v44  }
0x96: {  	v51 =	vmovc v41;
	v39 =	vmul.f32 v48, v21;
	v55 =	vmul.f32 v48, v41;
	v42 =	vadd.f32 v50, v42  }
0x97: {  	v18 =	vadd.f32 v53, v18;
	v45 =	vmul.f32 v45, v51;
	v41 =	vmul.f32 v46, v21;
	v48 =	vld [tilespmem:s7+$0x490]  }
0x98: {  	v49 =	vmul.f32 v36, v21;
	v53 =	vmul.f32 v46, v51;
	v19 =	vadd.f32 v39, v19  }
0x99: {  	v39 =	vmul.f32 v47, v21;
	v46 =	vmul.f32 v47, v51;
	v20 =	vadd.f32 v41, v20  }
0x9a: {  	s10 =	sand.u32 $0x380, s5;
	s7 =	sand.u32 $0x800, s6;
	v22 =	vadd.f32 v49, v22;
	v41 =	vmul.f32 v52, v21;
	v47 =	vmul.f32 v38, v51  }
0x9b: {  	v49 =	vmov s9;
	s7 =	sor.u32 s10, s7;
	v25 =	vadd.f32 v45, v25;
	v38 =	vmul.f32 v38, v21  }
0x9c: {  	v45 =	vand.u32 $0xF, v49;
	v27 =	vadd.f32 v39, v27;
	v56 =	vld [tilespmem:s7+$0xC0];
	v49 =	vmul.f32 v48, v21  }
0x9d: {  	v50 =	vbroadcast v45, $0x0;
	v29 =	vadd.f32 v38, v29;
	v58 =	vmul.f32 v48, v51;
	v57 =	vld [tilespmem:s7+$0xA0]  }
.Ltmp1:
0x9e: {  	v59 =	vmul.f32 v37, v21;
	v33 =	vadd.f32 v46, v33;
	v30 =	vadd.f32 v47, v30;
	v38 =	vld [tilespmem:s7+$0xE0];
	(pc) =	sbr.rel @p0 .LBB2_3-.Ltmp1, $4  }
0x9f: {  	v31 =	vadd.f32 v54, v31;
	v39 =	vperm.xlane v16, v50;
	v34 =	vadd.f32 v41, v34;
	v45 =	vld [tilespmem:s7+$0xF0]  }
0xa0: {  	v41 =	vperm.xlane v17, v50;
	v50 =	vmul.f32 v36, v51;
	v35 =	vadd.f32 v49, v35;
	v48 =	vld [tilespmem:s7+$0x480]  }
0xa1: {  	v32 =	vadd.f32 v59, v32;
	v49 =	vmul.f32 v52, v51;
	v28 =	vadd.f32 v58, v28;
	v46 =	vld [tilespmem:s7+$0xB0];
	v37 =	vmovc v56  }
0xa2: {  	v24 =	vadd.f32 v55, v24;
	v26 =	vadd.f32 v53, v26;
	v51 =	vmul.f32 v40, v51;
	v47 =	vld [tilespmem:s7+$0x90];
	v36 =	vmovc v57  }
0xa3: {  	v16 =	vmul.f32 v37, v41  }
0xa4: {  	v50 =	vadd.f32 v50, v23;
	v17 =	vmul.f32 v40, v21;
	v43 =	vadd.f32 v49, v43  }
0xa5: {  	v60 =	vmul.f32 v36, v39;
	vm0 =	vlt.s32 v11, $0x10;
	vm14 =	veq.s32 v10, v4  }
0xa6: {  	v52 =	vld [tilespmem:s7+$0x80];
	s5 =	simm.s32 $0x0;
	vm15 =	veq.s32 v10, v5;
	v57 =	vmul.f32 v45, v39;
	v44 =	vadd.f32 v51, v44  }
0xa7: {  	v23 =	vld [tilespmem:s7+$0xD0];
	v55 =	vmov s5;
	v14 =	vsel vm0, v14, v15;
	v21 =	vmul.f32 v48, v39  }
0xa8: {  	v59 =	vld [tilespmem:s7+$0x490];
	v48 =	vmul.f32 v48, v41;
	v42 =	vadd.f32 v17, v42;
	v16 =	vadd.f32 v16, v18  }
0xa9: {  	v18 =	vmul.f32 v45, v41;
	v11 =	vand.u32 $0xF, v55;
	v58 =	vmul.f32 v46, v39  }
0xaa: {  	v61 =	vmul.f32 v46, v41;
	v11 =	vbroadcast v11, $0x0;
	v17 =	vadd.f32 v21, v19  }
0xab: {  	s6 =	simm.s32 $0x5;
	v19 =	vmul.f32 v47, v39;
	v62 =	vmul.f32 v47, v41;
	v21 =	vadd.f32 v60, v22  }
0xac: {  	_ =	swait.ge [sflag:s6], $0x1000;
	v10 =	vadd.f32 v48, v24;
	v53 =	vmul.f32 v52, v39;
	v22 =	vmul.f32 v23, v41  }
0xad: {  	s31 =	sand.u32 $0x800, s5;
	s8 =	sand.u32 $0x380, s5;
	[sflag:s6] =	ssyncset.done $0x0;
	v49 =	vadd.f32 v58, v20;
	v23 =	vmul.f32 v23, v39;
	v63 =	vmul.f32 v59, v39  }
0xae: {  	[sflag:s6] =	ssyncadd.s32 $0xFFFFF000;
	s6 =	sor.u32 s8, s31;
	v20 =	vadd.f32 v18, v25;
	v51 =	vmul.f32 v59, v41;
	v54 =	vmul.f32 v52, v41  }
0xaf: {  	s7 =	sor.u32 s31, s5;
	v56 =	vld [tilespmem:s6+$0x10B0];
	v59 =	vmul.f32 v38, v41;
	v19 =	vadd.f32 v19, v27;
	v18 =	vadd.f32 v62, v33  }
0xb0: {  	s7 =	sor.u32 $0x1400, s7;
	v15 =	vld [tilespmem:s6+$0x10E0];
	v25 =	vadd.f32 v23, v29;
	v29 =	vmul.f32 v37, v39;
	v27 =	vadd.f32 v22, v30  }
0xb1: {  	v60 =	vld [tilespmem:s7+$0x90];
	v23 =	vadd.f32 v53, v34;
	v22 =	vadd.f32 v57, v31;
	v53 =	vmul.f32 v36, v41  }
0xb2: {  	v58 =	vld [tilespmem:s6+$0x10D0];
	v31 =	vadd.f32 v63, v35;
	v30 =	vadd.f32 v51, v28;
	v37 =	vnsel vm15, $0x0, v14  }
0xb3: {  	v57 =	vadd.f32 v61, v26;
	v26 =	vnsel vm14, $0x0, v14;
	v33 =	vperm.xlane v37, v11  }
0xb4: {  	v28 =	vadd.f32 v54, v43;
	v29 =	vadd.f32 v29, v32;
	v32 =	vperm.xlane v26, v11  }
0xb5: {  	v24 =	vld [tilespmem:s6+$0x1080];
	v36 =	vadd.f32 v53, v50;
	v11 =	vmul.f32 v38, v39;
	v61 =	vmul.f32 v15, v33  }
0xb6: {  	v34 =	vld [tilespmem:s6+$0x10C0];
	v38 =	vadd.f32 v59, v44;
	v62 =	vmul.f32 v56, v33;
	v14 =	vmul.f32 v56, v32  }
0xb7: {  	v43 =	vld [tilespmem:s6+$0x10A0];
	v44 =	vmul.f32 v58, v33;
	v41 =	vmul.f32 v60, v33;
	v63 =	vadd.f32 v11, v42  }
0xb8: {  	v39 =	vld [tilespmem:s6+$0x10F0];
	v42 =	vmul.f32 v58, v32;
	v40 =	vmul.f32 v60, v32;
	v11 =	vadd.f32 v14, v57  }
0xb9: {  	s9 =	simm.s32 $0x1;
	v35 =	vld [tilespmem:s7+$0x80];
	s7 =	simm.s32 $0x100;
	v45 =	vmul.f32 v15, v32;
	v14 =	vadd.f32 v62, v49;
	v15 =	vadd.f32 v61, v63  }
.LBB2_5:
0xba: {  	s8 =	smov.u32 s9  }
0xbb: {  	v46 =	vmov s9;
	s10 =	sand.u32 $0x800, s7;
	v47 =	vmul.f32 v24, v33;
	v24 =	vmul.f32 v24, v32;
	s5 =	sadd.s32 $0x80, s5;
	s8 =	sadd.s32 $0x1, s9  }
0xbc: {  	p0 =	sne.s32 s9, $0xF;
	v48 =	vmul.f32 v34, v33;
	v25 =	vadd.f32 v44, v25;
	v46 =	vand.u32 $0xF, v46;
	s11 =	sand.u32 $0x380, s5;
	s12 =	sor.u32 s10, s5  }
0xbd: {  	v38 =	vadd.f32 v45, v38;
	v45 =	vmul.f32 v39, v33;
	s9 =	sor.u32 $0x1400, s12;
	v49 =	vmul.f32 v43, v33;
	v44 =	vld [tilespmem:s6+$0x1090];
	s6 =	sor.u32 s11, s10  }
0xbe: {  	v27 =	vadd.f32 v42, v27;
	v43 =	vmul.f32 v43, v32;
	v29 =	vadd.f32 v48, v29;
	v50 =	vld [tilespmem:s6+$0x10D0]  }
0xbf: {  	v42 =	vbroadcast v46, $0x0;
	v28 =	vadd.f32 v24, v28;
	v48 =	vmul.f32 v35, v32;
	v46 =	vld [tilespmem:s6+$0x10E0]  }
0xc0: {  	v30 =	vadd.f32 v40, v30;
	v36 =	vadd.f32 v43, v36;
	v43 =	vmul.f32 v39, v32;
	v51 =	vld [tilespmem:s6+$0x10B0]  }
0xc1: {  	v31 =	vadd.f32 v41, v31;
	v39 =	vperm.xlane v37, v42;
	v40 =	vperm.xlane v26, v42;
	v52 =	vld [tilespmem:s9+$0x90]  }
0xc2: {  	v23 =	vadd.f32 v47, v23;
	v42 =	vmul.f32 v34, v32;
	v41 =	vmul.f32 v44, v33;
	v34 =	vld [tilespmem:s6+$0x10C0]  }
0xc3: {  	v22 =	vadd.f32 v45, v22;
	v45 =	vmul.f32 v35, v33;
	v21 =	vadd.f32 v49, v21;
	v33 =	vmovc v39;
	v24 =	vld [tilespmem:s6+$0x1080]  }
0xc4: {  	v10 =	vadd.f32 v48, v10;
	v20 =	vadd.f32 v43, v20;
	v47 =	vmul.f32 v44, v32;
	v32 =	vmovc v40;
	v39 =	vld [tilespmem:s6+$0x10F0]  }
.Ltmp2:
0xc5: {  	v16 =	vadd.f32 v42, v16;
	v49 =	vmul.f32 v46, v33;
	v48 =	vmul.f32 v51, v32;
	v35 =	vld [tilespmem:s9+$0x80];
	(pc) =	sbr.rel @p0 .LBB2_5-.Ltmp2, $4  }
0xc6: {  	v44 =	vmul.f32 v50, v33;
	v19 =	vadd.f32 v41, v19;
	v51 =	vmul.f32 v51, v33  }
0xc7: {  	v17 =	vadd.f32 v45, v17;
	v42 =	vmul.f32 v50, v32;
	v40 =	vmul.f32 v52, v32;
	v43 =	vld [tilespmem:s6+$0x10A0]  }
0xc8: {  	v45 =	vmul.f32 v46, v32;
	v18 =	vadd.f32 v47, v18;
	v11 =	vadd.f32 v48, v11  }
0xc9: {  	s7 =	sadd.s32 $0x100, s7;
	s9 =	smov.u32 s8;
	v15 =	vadd.f32 v49, v15;
	v41 =	vmul.f32 v52, v33;
	v14 =	vadd.f32 v51, v14  }
0xca: {  	v37 =	vmul.f32 v24, v33  }
0xcb: {  	v46 =	vmul.f32 v24, v32;
	v26 =	vmul.f32 v34, v33  }
0xcc: {  	v24 =	vadd.f32 v44, v25;
	v25 =	vadd.f32 v45, v38;
	v49 =	vmul.f32 v39, v33  }
0xcd: {  	v27 =	vadd.f32 v42, v27;
	v51 =	vmul.f32 v35, v32;
	v52 =	vmul.f32 v39, v32  }
0xce: {  	s31 =	simm.s32 $0x6;
	v30 =	vadd.f32 v40, v30;
	v54 =	vmul.f32 v34, v32;
	vm0 =	vlt.s32 v7, $0x10  }
0xcf: {  	v47 =	vld [tilespmem:s6+$0x1090];
	s5 =	simm.s32 $0x0;
	vm14 =	veq.s32 v6, v4;
	v58 =	vmul.f32 v35, v33;
	vm15 =	veq.s32 v6, v5;
	_ =	swait.ge [sflag:s31], $0x1000  }
0xd0: {  	v31 =	vadd.f32 v41, v31;
	s7 =	sand.u32 $0x800, s5;
	s8 =	sand.u32 $0x380, s5;
	v55 =	vmov s5;
	v12 =	vsel vm0, v12, v13;
	[sflag:s31] =	ssyncset.done $0x0  }
0xd1: {  	v48 =	vmul.f32 v43, v33;
	v50 =	vmul.f32 v43, v32;
	v26 =	vadd.f32 v26, v29;
	s6 =	sor.u32 s8, s7;
	[sflag:s31] =	ssyncadd.s32 $0xFFFFF000  }
0xd2: {  	v28 =	vadd.f32 v46, v28;
	v23 =	vadd.f32 v37, v23;
	v7 =	vand.u32 $0xF, v55;
	v56 =	vld [tilespmem:s6+$0x20B0]  }
0xd3: {  	v22 =	vadd.f32 v49, v22;
	s7 =	sor.u32 s7, s5;
	v6 =	vnsel vm15, $0x0, v12;
	v13 =	vbroadcast v7, $0x0;
	v57 =	vld [tilespmem:s6+$0x20E0]  }
0xd4: {  	v20 =	vadd.f32 v52, v20;
	v35 =	vadd.f32 v58, v17;
	v7 =	vnsel vm14, $0x0, v12;
	s7 =	sor.u32 $0x2400, s7;
	v59 =	vld [tilespmem:s6+$0x20D0]  }
0xd5: {  	v29 =	vadd.f32 v50, v36;
	v61 =	vld [tilespmem:s7+$0x90];
	v53 =	vmul.f32 v47, v33;
	v40 =	vperm.xlane v7, v13  }
0xd6: {  	v21 =	vadd.f32 v48, v21;
	v60 =	vmul.f32 v47, v32;
	v41 =	vperm.xlane v6, v13  }
0xd7: {  	v12 =	vld [tilespmem:s6+$0x2080];
	v32 =	vadd.f32 v51, v10;
	v33 =	vadd.f32 v54, v16;
	v62 =	vmul.f32 v56, v40  }
0xd8: {  	v13 =	vld [tilespmem:s6+$0x20F0];
	v34 =	vadd.f32 v53, v19;
	v63 =	vmul.f32 v57, v41;
	v38 =	vmul.f32 v56, v41  }
0xd9: {  	v19 =	vld [tilespmem:s6+$0x20C0];
	v37 =	vadd.f32 v60, v18;
	v16 =	vmul.f32 v59, v41;
	v10 =	vmul.f32 v59, v40  }
0xda: {  	v17 =	vmul.f32 v61, v40;
	v18 =	vmul.f32 v57, v40;
	v36 =	vadd.f32 v62, v11;
	v11 =	vld [tilespmem:s6+$0x20A0]  }
0xdb: {  	s9 =	simm.s32 $0x1;
	v42 =	vld [tilespmem:s7+$0x80];
	s7 =	simm.s32 $0x100;
	v38 =	vadd.f32 v38, v14;
	v39 =	vadd.f32 v63, v15;
	v14 =	vmul.f32 v61, v41  }
.LBB2_7:
0xdc: {  	s8 =	smov.u32 s9  }
0xdd: {  	v15 =	vmov s9;
	s10 =	sand.u32 $0x800, s7;
	v43 =	vmul.f32 v12, v41;
	v12 =	vmul.f32 v12, v40;
	s5 =	sadd.s32 $0x80, s5;
	s8 =	sadd.s32 $0x1, s9  }
0xde: {  	p0 =	sne.s32 s9, $0xF;
	v44 =	vmul.f32 v19, v41;
	v24 =	vadd.f32 v16, v24;
	v15 =	vand.u32 $0xF, v15;
	s11 =	sand.u32 $0x380, s5;
	s12 =	sor.u32 s10, s5  }
0xdf: {  	v25 =	vadd.f32 v18, v25;
	v18 =	vmul.f32 v13, v41;
	s9 =	sor.u32 $0x2400, s12;
	v45 =	vmul.f32 v11, v41;
	v16 =	vld [tilespmem:s6+$0x2090];
	s6 =	sor.u32 s11, s10  }
0xe0: {  	v27 =	vadd.f32 v10, v27;
	v11 =	vmul.f32 v11, v40;
	v26 =	vadd.f32 v44, v26;
	v46 =	vld [tilespmem:s6+$0x20D0]  }
0xe1: {  	v10 =	vbroadcast v15, $0x0;
	v28 =	vadd.f32 v12, v28;
	v44 =	vmul.f32 v42, v40;
	v15 =	vld [tilespmem:s6+$0x20E0]  }
0xe2: {  	v30 =	vadd.f32 v17, v30;
	v29 =	vadd.f32 v11, v29;
	v11 =	vmul.f32 v13, v40;
	v47 =	vld [tilespmem:s6+$0x20B0]  }
0xe3: {  	v31 =	vadd.f32 v14, v31;
	v13 =	vperm.xlane v6, v10;
	v10 =	vperm.xlane v7, v10;
	v48 =	vld [tilespmem:s9+$0x90]  }
0xe4: {  	v17 =	vmul.f32 v19, v40;
	v23 =	vadd.f32 v43, v23;
	v14 =	vmul.f32 v16, v41;
	v19 =	vld [tilespmem:s6+$0x20C0]  }
0xe5: {  	v22 =	vadd.f32 v18, v22;
	v18 =	vmul.f32 v42, v41;
	v21 =	vadd.f32 v45, v21;
	v41 =	vmovc v13;
	v12 =	vld [tilespmem:s6+$0x2080]  }
0xe6: {  	v32 =	vadd.f32 v44, v32;
	v20 =	vadd.f32 v11, v20;
	v43 =	vmul.f32 v16, v40;
	v40 =	vmovc v10;
	v13 =	vld [tilespmem:s6+$0x20F0]  }
.Ltmp3:
0xe7: {  	v33 =	vadd.f32 v17, v33;
	v45 =	vmul.f32 v15, v41;
	v44 =	vmul.f32 v47, v40;
	v42 =	vld [tilespmem:s9+$0x80];
	(pc) =	sbr.rel @p0 .LBB2_7-.Ltmp3, $4  }
0xe8: {  	v16 =	vmul.f32 v46, v41;
	v34 =	vadd.f32 v14, v34;
	v47 =	vmul.f32 v47, v41  }
0xe9: {  	v35 =	vadd.f32 v18, v35;
	v10 =	vmul.f32 v46, v40;
	v17 =	vmul.f32 v48, v40;
	v11 =	vld [tilespmem:s6+$0x20A0]  }
0xea: {  	v18 =	vmul.f32 v15, v40;
	v37 =	vadd.f32 v43, v37;
	v36 =	vadd.f32 v44, v36  }
0xeb: {  	s7 =	sadd.s32 $0x100, s7;
	s9 =	smov.u32 s8;
	v39 =	vadd.f32 v45, v39;
	v14 =	vmul.f32 v48, v41;
	v38 =	vadd.f32 v47, v38  }
0xec: {  	v43 =	vmul.f32 v12, v41  }
0xed: {  	v7 =	vmul.f32 v12, v40;
	v6 =	vmul.f32 v19, v41  }
0xee: {  	v15 =	vadd.f32 v16, v24;
	v16 =	vadd.f32 v18, v25;
	v25 =	vmul.f32 v13, v41  }
0xef: {  	v19 =	vmul.f32 v19, v40;
	vm0 =	vlt.s32 v1, $0x10;
	vm14 =	veq.s32 v0, v4  }
0xf0: {  	s31 =	simm.s32 $0x7;
	vm15 =	veq.s32 v0, v5;
	v8 =	vsel vm0, v8, v9;
	v9 =	vmul.f32 v42, v41  }
0xf1: {  	v44 =	vld [tilespmem:s6+$0x2090];
	s5 =	simm.s32 $0x0;
	_ =	swait.ge [sflag:s31], $0x1000;
	v24 =	vmul.f32 v11, v41;
	v11 =	vmul.f32 v11, v40;
	v12 =	vadd.f32 v6, v26  }
0xf2: {  	s7 =	sand.u32 $0x800, s5;
	s8 =	sand.u32 $0x380, s5;
	v6 =	vadd.f32 v10, v27;
	v7 =	vadd.f32 v7, v28;
	v26 =	vmul.f32 v42, v40;
	[sflag:s31] =	ssyncset.done $0x0  }
0xf3: {  	v27 =	vmul.f32 v13, v40;
	s6 =	sor.u32 s8, s7;
	[sflag:s31] =	ssyncadd.s32 $0xFFFFF000;
	v18 =	vadd.f32 v24, v21;
	v21 =	vmov s5  }
0xf4: {  	v13 =	vadd.f32 v14, v31;
	v14 =	vadd.f32 v43, v23;
	v24 =	vld [tilespmem:s6+$0x30B0];
	v1 =	vand.u32 $0xF, v21  }
0xf5: {  	s7 =	sor.u32 s7, s5;
	v19 =	vadd.f32 v19, v33;
	v9 =	vadd.f32 v9, v35;
	v61 =	vld [tilespmem:s6+$0x30E0];
	v1 =	vbroadcast v1, $0x0  }
0xf6: {  	v28 =	vnsel vm14, $0x0, v8;
	s7 =	sor.u32 $0x3400, s7;
	v10 =	vadd.f32 v11, v29;
	v11 =	vadd.f32 v17, v30;
	v0 =	vld [tilespmem:s6+$0x30D0]  }
0xf7: {  	v29 =	vnsel vm15, $0x0, v8;
	v62 =	vld [tilespmem:s7+$0x90];
	v30 =	vmul.f32 v44, v41;
	v23 =	vperm.xlane v28, v1  }
0xf8: {  	v17 =	vadd.f32 v25, v22;
	v31 =	vmul.f32 v44, v40;
	v25 =	vperm.xlane v29, v1  }
0xf9: {  	v35 =	vld [tilespmem:s6+$0x30A0];
	v21 =	vadd.f32 v27, v20;
	v20 =	vadd.f32 v26, v32;
	v1 =	vmul.f32 v24, v23  }
0xfa: {  	v22 =	vadd.f32 v30, v34;
	v34 =	vld [tilespmem:s6+$0x3080];
	v63 =	vmul.f32 v61, v25;
	v24 =	vmul.f32 v24, v25  }
0xfb: {  	v26 =	vld [tilespmem:s6+$0x30C0];
	v8 =	vadd.f32 v31, v37;
	v37 =	vmul.f32 v0, v25;
	v33 =	vmul.f32 v0, v23  }
0xfc: {  	v30 =	vld [tilespmem:s6+$0x30F0];
	v31 =	vmul.f32 v62, v23;
	v32 =	vmul.f32 v62, v25;
	v0 =	vadd.f32 v1, v36  }
0xfd: {  	s9 =	simm.s32 $0x1;
	v27 =	vld [tilespmem:s7+$0x80];
	s7 =	simm.s32 $0x100;
	v36 =	vmul.f32 v61, v23;
	v24 =	vadd.f32 v24, v38;
	v1 =	vadd.f32 v63, v39  }
.LBB2_9:
0xfe: {  	s8 =	smov.u32 s9  }
0xff: {  	v38 =	vmov s9;
	s10 =	sand.u32 $0x800, s7;
	v39 =	vmul.f32 v34, v25;
	v34 =	vmul.f32 v34, v23;
	s5 =	sadd.s32 $0x80, s5;
	s8 =	sadd.s32 $0x1, s9  }
0x100: {  	p0 =	sne.s32 s9, $0xF;
	v40 =	vmul.f32 v26, v25;
	v15 =	vadd.f32 v37, v15;
	v38 =	vand.u32 $0xF, v38;
	s11 =	sand.u32 $0x380, s5;
	s12 =	sor.u32 s10, s5  }
0x101: {  	v16 =	vadd.f32 v36, v16;
	v36 =	vmul.f32 v30, v25;
	s9 =	sor.u32 $0x3400, s12;
	v41 =	vmul.f32 v35, v25;
	v37 =	vld [tilespmem:s6+$0x3090];
	s6 =	sor.u32 s11, s10  }
0x102: {  	v6 =	vadd.f32 v33, v6;
	v35 =	vmul.f32 v35, v23;
	v12 =	vadd.f32 v40, v12;
	v42 =	vld [tilespmem:s6+$0x30D0]  }
0x103: {  	v33 =	vbroadcast v38, $0x0;
	v7 =	vadd.f32 v34, v7;
	v40 =	vmul.f32 v27, v23;
	v38 =	vld [tilespmem:s6+$0x30E0]  }
0x104: {  	v11 =	vadd.f32 v31, v11;
	v10 =	vadd.f32 v35, v10;
	v35 =	vmul.f32 v30, v23;
	v43 =	vld [tilespmem:s6+$0x30B0]  }
0x105: {  	v13 =	vadd.f32 v32, v13;
	v30 =	vperm.xlane v29, v33;
	v31 =	vperm.xlane v28, v33;
	v44 =	vld [tilespmem:s9+$0x90]  }
0x106: {  	v14 =	vadd.f32 v39, v14;
	v33 =	vmul.f32 v26, v23;
	v32 =	vmul.f32 v37, v25;
	v26 =	vld [tilespmem:s6+$0x30C0]  }
0x107: {  	v17 =	vadd.f32 v36, v17;
	v36 =	vmul.f32 v27, v25;
	v18 =	vadd.f32 v41, v18;
	v25 =	vmovc v30;
	v34 =	vld [tilespmem:s6+$0x3080]  }
0x108: {  	v20 =	vadd.f32 v40, v20;
	v21 =	vadd.f32 v35, v21;
	v39 =	vmul.f32 v37, v23;
	v23 =	vmovc v31;
	v30 =	vld [tilespmem:s6+$0x30F0]  }
.Ltmp4:
0x109: {  	v19 =	vadd.f32 v33, v19;
	v41 =	vmul.f32 v38, v25;
	v40 =	vmul.f32 v43, v23;
	v27 =	vld [tilespmem:s9+$0x80];
	(pc) =	sbr.rel @p0 .LBB2_9-.Ltmp4, $4  }
0x10a: {  	v37 =	vmul.f32 v42, v25;
	v22 =	vadd.f32 v32, v22;
	v43 =	vmul.f32 v43, v25  }
0x10b: {  	v9 =	vadd.f32 v36, v9;
	v33 =	vmul.f32 v42, v23;
	v31 =	vmul.f32 v44, v23;
	v35 =	vld [tilespmem:s6+$0x30A0]  }
0x10c: {  	v36 =	vmul.f32 v38, v23;
	v8 =	vadd.f32 v39, v8;
	v0 =	vadd.f32 v40, v0  }
0x10d: {  	s7 =	sadd.s32 $0x100, s7;
	s9 =	smov.u32 s8;
	v1 =	vadd.f32 v41, v1;
	v32 =	vmul.f32 v44, v25;
	v24 =	vadd.f32 v43, v24  }
0x10e: {  	s5 =	simm.s32 $0x1  }
0x10f: {  	v28 =	vld [tilespmem:s6+$0x3090];
	_ =	swait.ge [sflag:s5], $0x200  }
0x110: {  	[sflag:s5] =	ssyncset.done $0x0  }
0x111: {  	s29 =	simm.s32 $0x2;
	[sflag:s5] =	ssyncadd.s32 $0xFFFFFE00  }
0x112: {  	v29 =	vmul.f32 v34, v25;
	_ =	swait.ge [sflag:s29], $0x4B00  }
0x113: {  	v62 =	vmul.f32 v34, v23;
	v38 =	vmul.f32 v26, v25;
	[sflag:s29] =	ssyncset.done $0x0  }
0x114: {  	s30 =	simm.s32 $0x3;
	v15 =	vadd.f32 v37, v15;
	v16 =	vadd.f32 v36, v16;
	v40 =	vmul.f32 v30, v25;
	[sflag:s29] =	ssyncadd.s32 $0xFFFFB500  }
0x115: {  	v6 =	vadd.f32 v33, v6;
	v42 =	vmul.f32 v27, v23;
	v44 =	vmul.f32 v30, v23;
	_ =	swait.ge [sflag:s30], $0x80  }
0x116: {  	v11 =	vadd.f32 v31, v11;
	v46 =	vand.u32 $0xE, v5;
	vm0 =	vlt.u32 v5, $0x10;
	[sflag:s30] =	ssyncset.done $0x0  }
0x117: {  	v51 =	vmul.f32 v26, v23;
	v52 =	vmul.f32 v27, v25;
	v61 =	vand.u32 $0xF, v4;
	[sflag:s30] =	ssyncadd.s32 $0xFFFFFF80  }
0x118: {  	vm15 =	vlt.u32 v4, $0x10;
	v13 =	vadd.f32 v32, v13;
	v48 =	vperm.xlane v2, v46;
	v43 =	vld [tilespmem:$0x4080]  }
0x119: {  	v2 =	vperm.xlane v2, v61;
	v12 =	vadd.f32 v38, v12;
	v7 =	vadd.f32 v62, v7;
	v45 =	vld [tilespmem:$0x4090]  }
0x11a: {  	v63 =	vmul.f32 v35, v25;
	v14 =	vadd.f32 v29, v14;
	v17 =	vadd.f32 v40, v17;
	v5 =	vld [tilespmem:$0x40C0]  }
0x11b: {  	v29 =	vperm.xlane v3, v46;
	v21 =	vadd.f32 v44, v21;
	v20 =	vadd.f32 v42, v20;
	v47 =	vld [tilespmem:$0x40A0]  }
0x11c: {  	v41 =	vmul.f32 v35, v23;
	v19 =	vadd.f32 v51, v19;
	v9 =	vadd.f32 v52, v9;
	v49 =	vld [tilespmem:$0x40B0]  }
0x11d: {  	v3 =	vperm.xlane v3, v61;
	v53 =	vsel vm0, v48, v29;
	v50 =	vmul.f32 v28, v25;
	v55 =	vld [tilespmem:$0x40D0]  }
0x11e: {  	v18 =	vadd.f32 v63, v18;
	v23 =	vmul.f32 v28, v23;
	v54 =	vmul.f32 v43, v53  }
0x11f: {  	v22 =	vadd.f32 v50, v22;
	v57 =	vld [tilespmem:$0x40E0];
	v29 =	vmul.f32 v45, v53;
	v5 =	vmul.f32 v5, v53  }
0x120: {  	v8 =	vadd.f32 v23, v8;
	v59 =	vld [tilespmem:$0x40F0];
	v56 =	vmul.f32 v47, v53;
	v14 =	vadd.f32 v54, v14  }
0x121: {  	v58 =	vmul.f32 v49, v53;
	v22 =	vadd.f32 v29, v22;
	v5 =	vadd.f32 v5, v12;
	v12 =	vld [tilespmem:$0x4180]  }
0x122: {  	v60 =	vld [tilespmem:$0x4190];
	v23 =	vmul.f32 v55, v53;
	v18 =	vadd.f32 v56, v18;
	v14 =	vmul.f32 v14, v53  }
0x123: {  	v10 =	vadd.f32 v41, v10;
	v62 =	vld [tilespmem:$0x4100];
	v24 =	vadd.f32 v58, v24;
	v22 =	vmul.f32 v22, v53  }
0x124: {  	v63 =	vld [tilespmem:$0x4110];
	v18 =	vmul.f32 v18, v53;
	[tilespmem:$0x8F00] =	vst v14;
	v14 =	vadd.f32 v23, v15;
	v15 =	vmul.f32 v57, v53  }
0x125: {  	v2 =	vsel vm15, v2, v3;
	v4 =	vld [tilespmem:$0x4120];
	v24 =	vmul.f32 v24, v53;
	v23 =	vmul.f32 v59, v53;
	[tilespmem:$0x8F80] =	vst v22  }
0x126: {  	v5 =	vmul.f32 v5, v53;
	[tilespmem:$0x9000] =	vst v18;
	v12 =	vmul.f32 v12, v53;
	v1 =	vadd.f32 v15, v1;
	v15 =	vld [tilespmem:$0x4130]  }
0x127: {  	v3 =	vld [tilespmem:$0x4140];
	[tilespmem:$0x9080] =	vst v24;
	v18 =	vmul.f32 v60, v53;
	v14 =	vmul.f32 v14, v53;
	v17 =	vadd.f32 v23, v17  }
0x128: {  	[tilespmem:$0x9100] =	vst v5;
	v5 =	vadd.f32 v12, v9;
	v9 =	vmul.f32 v62, v2;
	v12 =	vld [tilespmem:$0x4150];
	v1 =	vmul.f32 v1, v53  }
0x129: {  	v13 =	vadd.f32 v18, v13;
	v18 =	vld [tilespmem:$0x4160];
	[tilespmem:$0x9180] =	vst v14;
	v14 =	vmul.f32 v17, v53;
	v17 =	vmul.f32 v63, v2  }
0x12a: {  	v4 =	vmul.f32 v4, v2;
	[tilespmem:$0x9200] =	vst v1;
	v1 =	vmul.f32 v5, v53;
	v5 =	vadd.f32 v9, v7;
	v7 =	vld [tilespmem:$0x4170]  }
0x12b: {  	[tilespmem:$0x9280] =	vst v14;
	v9 =	vmul.f32 v13, v53;
	v8 =	vadd.f32 v17, v8;
	v14 =	vld [tilespmem:$0x4200];
	v13 =	vmul.f32 v15, v2  }
0x12c: {  	v3 =	vmul.f32 v3, v2;
	v4 =	vadd.f32 v4, v10;
	[tilespmem:$0x9300] =	vst v1;
	v1 =	vmul.f32 v5, v2;
	v5 =	vld [tilespmem:$0x4210]  }
0x12d: {  	[tilespmem:$0x9380] =	vst v9;
	v8 =	vmul.f32 v8, v2;
	v9 =	vmul.f32 v12, v2;
	v0 =	vadd.f32 v13, v0  }
0x12e: {  	v3 =	vadd.f32 v3, v19;
	[tilespmem:$0x9400] =	vst v1;
	v1 =	vmul.f32 v4, v2;
	v4 =	vmul.f32 v18, v2  }
0x12f: {  	[tilespmem:$0x9480] =	vst v8;
	v6 =	vadd.f32 v9, v6;
	v0 =	vmul.f32 v0, v2;
	v7 =	vmul.f32 v7, v2  }
0x130: {  	[tilespmem:$0x9500] =	vst v1;
	v1 =	vmul.f32 v3, v2;
	v3 =	vadd.f32 v4, v16;
	v4 =	vmul.f32 v14, v2  }
0x131: {  	[tilespmem:$0x9580] =	vst v0;
	v0 =	vmul.f32 v6, v2;
	v6 =	vadd.f32 v7, v21;
	v5 =	vmul.f32 v5, v2  }
0x132: {  	[tilespmem:$0x9600] =	vst v1;
	v1 =	vmul.f32 v3, v2;
	v3 =	vadd.f32 v4, v20  }
0x133: {  	[tilespmem:$0x9680] =	vst v0;
	v0 =	vmul.f32 v6, v2;
	v4 =	vadd.f32 v5, v11  }
0x134: {  	[tilespmem:$0x9700] =	vst v1;
	v1 =	vmul.f32 v3, v2  }
0x135: {  	[tilespmem:$0x9780] =	vst v0;
	v2 =	vmul.f32 v4, v2  }
0x136: {  	v0 =	vld [tilespmem:$0x8E80];
	[tilespmem:$0x9800] =	vst v1  }
0x137: {  	s31 =	simm.s32 $0x0;
	[tilespmem:$0x9880] =	vst v2  }
0x138: {  	v3 =	vld [tilespmem:s31+$0x8F00]  }
0x139: {  	v5 =	vld [tilespmem:s31+$0x9400]  }
0x13a: {  	v1 =	vimm.s32 $0x0  }
0x13b: {  	s7 =	simm.s32 $0x80;
	v4 =	vld [tilespmem:s31+$0x4C80];
	v2 =	vperm.xlane v0, v1  }
0x13c: {  	v7 =	vld [tilespmem:s7+$0x9400];
	v1 =	vimm.s32 $0x5  }
0x13d: {  	v8 =	vld [tilespmem:s7+$0x8F00];
	v1 =	vperm.xlane v0, v1;
	v3 =	vmul.f32 v3, v2  }
0x13e: {  	v18 =	vld [tilespmem:s31+$0x4280];
	v5 =	vmul.f32 v5, v2  }
0x13f: {  	s5 =	simm.s32 $0x100;
	v6 =	vld [tilespmem:s31+$0x4780];
	v3 =	vadd.f32 v3, v1  }
0x140: {  	v10 =	vimm.f32 $0.0e+00;
	v15 =	vimm.f32 $0.0e+00;
	v13 =	vld [tilespmem:s5+$0x9400];
	v9 =	vadd.f32 v5, v1  }
0x141: {  	v12 =	vimm.f32 $0.0e+00;
	v11 =	vmul.f32 v7, v2;
	v7 =	vmax.f32 v3, $0.0e+00;
	v3 =	vld [tilespmem:s7+$0x4C80]  }
0x142: {  	v16 =	vimm.f32 $0.0e+00;
	v21 =	vmul.f32 v8, v2;
	v5 =	vld [tilespmem:s7+$0x4780];
	v19 =	vmax.f32 v9, $0.0e+00  }
0x143: {  	v14 =	vimm.f32 $0.0e+00;
	v8 =	vld [tilespmem:s5+$0x8F00];
	v22 =	vmul.f32 v7, v18;
	v20 =	vmul.f32 v4, v19  }
0x144: {  	s6 =	simm.s32 $0x600;
	v17 =	vadd.f32 v11, v1;
	v11 =	vimm.f32 $0.0e+00;
	v9 =	vld [tilespmem:s7+$0x4280];
	v23 =	vmul.f32 v19, v6  }
.LBB2_11:
0x145: {  	p0 =	sne.s32 s6, $0x1200;
	v24 =	vld [tilespmem:s5+$0x4780];
	v10 =	vadd.f32 v22, v10;
	v18 =	vmul.f32 v19, v18;
	v16 =	vadd.f32 v20, v16;
	s7 =	smov.u32 s6;
	s6 =	sadd.s32 $0x200, s6  }
.Ltmp5:
0x146: {  	v20 =	vmul.f32 v4, v7;
	v19 =	vadd.f32 v21, v1;
	v14 =	vadd.f32 v23, v14;
	v4 =	vmovc v3;
	(pc) =	sbr.rel @p0 .LBB2_11-.Ltmp5, $4  }
0x147: {  	s7 =	sshra.s32 s7, $0x2;
	v21 =	vmul.f32 v6, v7;
	v6 =	vmovc v5;
	v23 =	vmul.f32 v13, v2;
	v3 =	vld [tilespmem:s5+$0x4C80];
	v15 =	vadd.f32 v18, v15  }
0x148: {  	v12 =	vadd.f32 v20, v12;
	v13 =	vld [tilespmem:s7+$0x9400];
	v7 =	vmax.f32 v19, $0.0e+00;
	v19 =	vmax.f32 v17, $0.0e+00;
	v25 =	vmovc v8  }
0x149: {  	v11 =	vadd.f32 v21, v11;
	v8 =	vld [tilespmem:s7+$0x8F00];
	v22 =	vmul.f32 v7, v9;
	v20 =	vmul.f32 v4, v19;
	v18 =	vmovc v9  }
0x14a: {  	v21 =	vmul.f32 v25, v2;
	v17 =	vadd.f32 v23, v1;
	v23 =	vmul.f32 v19, v6;
	v9 =	vld [tilespmem:s5+$0x4280];
	v5 =	vmovc v24;
	s5 =	smov.u32 s7  }
0x14b: {  	v10 =	vadd.f32 v22, v10;
	v18 =	vmul.f32 v19, v18;
	v16 =	vadd.f32 v20, v16  }
0x14c: {  	v4 =	vmul.f32 v4, v7;
	v6 =	vmul.f32 v6, v7;
	v19 =	vadd.f32 v21, v1  }
0x14d: {  	v14 =	vadd.f32 v23, v14;
	v17 =	vmax.f32 v17, $0.0e+00;
	v15 =	vadd.f32 v18, v15  }
0x14e: {  	v13 =	vmul.f32 v13, v2;
	v4 =	vadd.f32 v4, v12;
	v6 =	vadd.f32 v6, v11  }
0x14f: {  	v11 =	vld [tilespmem:s5+$0x4280];
	v20 =	vmul.f32 v17, v5;
	v7 =	vmax.f32 v19, $0.0e+00;
	v2 =	vmul.f32 v8, v2  }
0x150: {  	v18 =	vmul.f32 v3, v17;
	v19 =	vld [tilespmem:s5+$0x4C80];
	v12 =	vmul.f32 v7, v9;
	v8 =	vadd.f32 v13, v1  }
0x151: {  	s31 =	simm.s32 $0x0;
	v13 =	vld [tilespmem:s5+$0x4780];
	v9 =	vmul.f32 v17, v9;
	v14 =	vadd.f32 v20, v14;
	v1 =	vadd.f32 v2, v1  }
0x152: {  	v2 =	vmul.f32 v3, v7;
	v10 =	vadd.f32 v12, v10;
	v12 =	vadd.f32 v18, v16;
	v16 =	vld [tilespmem:s31+$0x9400]  }
0x153: {  	v5 =	vmul.f32 v5, v7;
	v9 =	vadd.f32 v9, v15;
	v15 =	vld [tilespmem:s31+$0x8F00];
	v18 =	vimm.s32 $0x6  }
0x154: {  	s7 =	simm.s32 $0x80;
	v17 =	vmax.f32 v1, $0.0e+00;
	v1 =	vmax.f32 v8, $0.0e+00;
	v20 =	vadd.f32 v2, v4  }
0x155: {  	v23 =	vld [tilespmem:s7+$0x9400];
	v2 =	vimm.s32 $0x1;
	v7 =	vmul.f32 v17, v11;
	v8 =	vmul.f32 v19, v1  }
0x156: {  	v3 =	vld [tilespmem:s31+$0x5680];
	v22 =	vadd.f32 v5, v6;
	v2 =	vperm.xlane v0, v2;
	v5 =	vmul.f32 v1, v11  }
0x157: {  	v4 =	vld [tilespmem:s31+$0x5B80];
	v21 =	vmul.f32 v1, v13;
	v1 =	vperm.xlane v0, v18  }
0x158: {  	v18 =	vld [tilespmem:s31+$0x5180];
	v7 =	vadd.f32 v7, v10;
	v6 =	vmul.f32 v16, v2;
	v11 =	vmul.f32 v15, v2  }
0x159: {  	s5 =	simm.s32 $0x100;
	v10 =	vadd.f32 v8, v12;
	v8 =	vadd.f32 v21, v14;
	v14 =	vld [tilespmem:s7+$0x8F00]  }
0x15a: {  	v12 =	vmul.f32 v19, v17;
	v16 =	vld [tilespmem:s5+$0x9400];
	v19 =	vadd.f32 v6, v1;
	v15 =	vadd.f32 v11, v1  }
0x15b: {  	v13 =	vmul.f32 v13, v17;
	v17 =	vmul.f32 v23, v2;
	v11 =	vadd.f32 v5, v9;
	v5 =	vld [tilespmem:s7+$0x5B80]  }
0x15c: {  	v6 =	vld [tilespmem:s7+$0x5680];
	v9 =	vadd.f32 v12, v20;
	v15 =	vmax.f32 v15, $0.0e+00;
	v19 =	vmax.f32 v19, $0.0e+00  }
0x15d: {  	v12 =	vadd.f32 v13, v22;
	v13 =	vld [tilespmem:s5+$0x8F00];
	v22 =	vmul.f32 v15, v18;
	v20 =	vmul.f32 v4, v19  }
0x15e: {  	s6 =	simm.s32 $0x600;
	v17 =	vadd.f32 v17, v1;
	v21 =	vmul.f32 v14, v2;
	v14 =	vld [tilespmem:s7+$0x5180];
	v23 =	vmul.f32 v19, v3  }
.LBB2_13:
0x15f: {  	p0 =	sne.s32 s6, $0x1200;
	v24 =	vld [tilespmem:s5+$0x5680];
	v7 =	vadd.f32 v22, v7;
	v18 =	vmul.f32 v19, v18;
	v10 =	vadd.f32 v20, v10;
	s7 =	smov.u32 s6;
	s6 =	sadd.s32 $0x200, s6  }
.Ltmp6:
0x160: {  	v20 =	vmul.f32 v4, v15;
	v19 =	vadd.f32 v21, v1;
	v8 =	vadd.f32 v23, v8;
	v4 =	vmovc v5;
	(pc) =	sbr.rel @p0 .LBB2_13-.Ltmp6, $4  }
0x161: {  	s7 =	sshra.s32 s7, $0x2;
	v21 =	vmul.f32 v3, v15;
	v3 =	vmovc v6;
	v23 =	vmul.f32 v16, v2;
	v5 =	vld [tilespmem:s5+$0x5B80];
	v11 =	vadd.f32 v18, v11  }
0x162: {  	v9 =	vadd.f32 v20, v9;
	v16 =	vld [tilespmem:s7+$0x9400];
	v15 =	vmax.f32 v19, $0.0e+00;
	v19 =	vmax.f32 v17, $0.0e+00;
	v25 =	vmovc v13  }
0x163: {  	v12 =	vadd.f32 v21, v12;
	v13 =	vld [tilespmem:s7+$0x8F00];
	v22 =	vmul.f32 v15, v14;
	v20 =	vmul.f32 v4, v19;
	v18 =	vmovc v14  }
0x164: {  	v21 =	vmul.f32 v25, v2;
	v17 =	vadd.f32 v23, v1;
	v23 =	vmul.f32 v19, v3;
	v14 =	vld [tilespmem:s5+$0x5180];
	v6 =	vmovc v24;
	s5 =	smov.u32 s7  }
0x165: {  	v7 =	vadd.f32 v22, v7;
	v18 =	vmul.f32 v19, v18;
	v10 =	vadd.f32 v20, v10  }
0x166: {  	v4 =	vmul.f32 v4, v15;
	v3 =	vmul.f32 v3, v15;
	v19 =	vadd.f32 v21, v1  }
0x167: {  	v8 =	vadd.f32 v23, v8;
	v17 =	vmax.f32 v17, $0.0e+00;
	v16 =	vmul.f32 v16, v2  }
0x168: {  	v11 =	vadd.f32 v18, v11;
	v18 =	vmul.f32 v5, v17;
	v15 =	vmax.f32 v19, $0.0e+00  }
0x169: {  	v4 =	vadd.f32 v4, v9;
	v2 =	vmul.f32 v13, v2;
	v13 =	vld [tilespmem:s5+$0x5180];
	v9 =	vmul.f32 v15, v14  }
0x16a: {  	v12 =	vadd.f32 v3, v12;
	v20 =	vmul.f32 v17, v6;
	v19 =	vld [tilespmem:s5+$0x5B80];
	v3 =	vadd.f32 v16, v1  }
0x16b: {  	s31 =	simm.s32 $0x0;
	v16 =	vld [tilespmem:s5+$0x5680];
	v1 =	vadd.f32 v2, v1;
	v7 =	vadd.f32 v9, v7;
	v9 =	vmul.f32 v17, v14  }
0x16c: {  	v10 =	vadd.f32 v18, v10;
	v6 =	vmul.f32 v6, v15;
	v2 =	vmul.f32 v5, v15;
	v5 =	vld [tilespmem:s31+$0x9400]  }
0x16d: {  	v14 =	vmax.f32 v1, $0.0e+00;
	v1 =	vmax.f32 v3, $0.0e+00;
	v9 =	vadd.f32 v9, v11;
	v11 =	vld [tilespmem:s31+$0x8F00]  }
0x16e: {  	s7 =	simm.s32 $0x80;
	v15 =	vadd.f32 v2, v4;
	v2 =	vimm.s32 $0x2;
	v17 =	vmul.f32 v14, v13  }
0x16f: {  	v22 =	vld [tilespmem:s7+$0x9400];
	v8 =	vadd.f32 v20, v8;
	v20 =	vmul.f32 v19, v1;
	v2 =	vperm.xlane v0, v2  }
0x170: {  	v18 =	vimm.s32 $0x7;
	v3 =	vld [tilespmem:s31+$0x6580];
	v13 =	vmul.f32 v1, v13;
	v21 =	vmul.f32 v1, v16  }
0x171: {  	v4 =	vld [tilespmem:s31+$0x6A80];
	v1 =	vperm.xlane v0, v18;
	v5 =	vmul.f32 v5, v2  }
0x172: {  	v12 =	vadd.f32 v6, v12;
	v18 =	vld [tilespmem:s31+$0x6080];
	v7 =	vadd.f32 v17, v7;
	v11 =	vmul.f32 v11, v2  }
0x173: {  	v17 =	vmul.f32 v19, v14;
	v8 =	vadd.f32 v21, v8;
	v21 =	vld [tilespmem:s7+$0x8F00];
	v19 =	vadd.f32 v5, v1  }
0x174: {  	v6 =	vld [tilespmem:s7+$0x6580];
	v10 =	vadd.f32 v20, v10;
	v20 =	vadd.f32 v11, v1  }
0x175: {  	s5 =	simm.s32 $0x100;
	v5 =	vld [tilespmem:s7+$0x6A80];
	v19 =	vmax.f32 v19, $0.0e+00;
	v11 =	vadd.f32 v13, v9;
	v13 =	vmul.f32 v16, v14  }
0x176: {  	v9 =	vadd.f32 v17, v15;
	v14 =	vmul.f32 v22, v2;
	v16 =	vld [tilespmem:s5+$0x9400];
	v15 =	vmax.f32 v20, $0.0e+00  }
0x177: {  	v12 =	vadd.f32 v13, v12;
	v13 =	vld [tilespmem:s5+$0x8F00];
	v20 =	vmul.f32 v4, v19;
	v22 =	vmul.f32 v15, v18  }
0x178: {  	s6 =	simm.s32 $0x600;
	v23 =	vmul.f32 v19, v3;
	v21 =	vmul.f32 v21, v2;
	v17 =	vadd.f32 v14, v1;
	v14 =	vld [tilespmem:s7+$0x6080]  }
.LBB2_15:
0x179: {  	p0 =	sne.s32 s6, $0x1200;
	v24 =	vld [tilespmem:s5+$0x6580];
	v7 =	vadd.f32 v22, v7;
	v18 =	vmul.f32 v19, v18;
	v10 =	vadd.f32 v20, v10;
	s7 =	smov.u32 s6;
	s6 =	sadd.s32 $0x200, s6  }
.Ltmp7:
0x17a: {  	v20 =	vmul.f32 v4, v15;
	v19 =	vadd.f32 v21, v1;
	v8 =	vadd.f32 v23, v8;
	v4 =	vmovc v5;
	(pc) =	sbr.rel @p0 .LBB2_15-.Ltmp7, $4  }
0x17b: {  	s7 =	sshra.s32 s7, $0x2;
	v21 =	vmul.f32 v3, v15;
	v3 =	vmovc v6;
	v23 =	vmul.f32 v16, v2;
	v5 =	vld [tilespmem:s5+$0x6A80];
	v11 =	vadd.f32 v18, v11  }
0x17c: {  	v9 =	vadd.f32 v20, v9;
	v16 =	vld [tilespmem:s7+$0x9400];
	v15 =	vmax.f32 v19, $0.0e+00;
	v19 =	vmax.f32 v17, $0.0e+00;
	v25 =	vmovc v13  }
0x17d: {  	v12 =	vadd.f32 v21, v12;
	v13 =	vld [tilespmem:s7+$0x8F00];
	v22 =	vmul.f32 v15, v14;
	v20 =	vmul.f32 v4, v19;
	v18 =	vmovc v14  }
0x17e: {  	v21 =	vmul.f32 v25, v2;
	v17 =	vadd.f32 v23, v1;
	v23 =	vmul.f32 v19, v3;
	v14 =	vld [tilespmem:s5+$0x6080];
	v6 =	vmovc v24;
	s5 =	smov.u32 s7  }
0x17f: {  	v7 =	vadd.f32 v22, v7;
	v18 =	vmul.f32 v19, v18;
	v10 =	vadd.f32 v20, v10  }
0x180: {  	v4 =	vmul.f32 v4, v15;
	v3 =	vmul.f32 v3, v15;
	v19 =	vadd.f32 v21, v1  }
0x181: {  	v8 =	vadd.f32 v23, v8;
	v17 =	vmax.f32 v17, $0.0e+00;
	v16 =	vmul.f32 v16, v2  }
0x182: {  	v11 =	vadd.f32 v18, v11;
	v18 =	vmul.f32 v5, v17;
	v15 =	vmax.f32 v19, $0.0e+00  }
0x183: {  	v4 =	vadd.f32 v4, v9;
	v2 =	vmul.f32 v13, v2;
	v13 =	vld [tilespmem:s5+$0x6080];
	v9 =	vmul.f32 v15, v14  }
0x184: {  	v12 =	vadd.f32 v3, v12;
	v20 =	vmul.f32 v17, v6;
	v19 =	vld [tilespmem:s5+$0x6A80];
	v3 =	vadd.f32 v16, v1  }
0x185: {  	s31 =	simm.s32 $0x0;
	v16 =	vld [tilespmem:s5+$0x6580];
	v1 =	vadd.f32 v2, v1;
	v7 =	vadd.f32 v9, v7;
	v9 =	vmul.f32 v17, v14  }
0x186: {  	v10 =	vadd.f32 v18, v10;
	v6 =	vmul.f32 v6, v15;
	v2 =	vmul.f32 v5, v15;
	v5 =	vld [tilespmem:s31+$0x9400]  }
0x187: {  	v14 =	vmax.f32 v1, $0.0e+00;
	v1 =	vmax.f32 v3, $0.0e+00;
	v9 =	vadd.f32 v9, v11;
	v11 =	vld [tilespmem:s31+$0x8F00]  }
0x188: {  	s7 =	simm.s32 $0x80;
	v15 =	vadd.f32 v2, v4;
	v2 =	vimm.s32 $0x3;
	v17 =	vmul.f32 v14, v13  }
0x189: {  	v22 =	vld [tilespmem:s7+$0x9400];
	v8 =	vadd.f32 v20, v8;
	v20 =	vmul.f32 v19, v1;
	v2 =	vperm.xlane v0, v2  }
0x18a: {  	v18 =	vimm.s32 $0x8;
	v3 =	vld [tilespmem:s31+$0x7480];
	v13 =	vmul.f32 v1, v13;
	v21 =	vmul.f32 v1, v16  }
0x18b: {  	v4 =	vld [tilespmem:s31+$0x7980];
	v1 =	vperm.xlane v0, v18;
	v5 =	vmul.f32 v5, v2  }
0x18c: {  	v12 =	vadd.f32 v6, v12;
	v18 =	vld [tilespmem:s31+$0x6F80];
	v7 =	vadd.f32 v17, v7;
	v11 =	vmul.f32 v11, v2  }
0x18d: {  	v17 =	vmul.f32 v19, v14;
	v8 =	vadd.f32 v21, v8;
	v21 =	vld [tilespmem:s7+$0x8F00];
	v19 =	vadd.f32 v5, v1  }
0x18e: {  	v6 =	vld [tilespmem:s7+$0x7480];
	v10 =	vadd.f32 v20, v10;
	v20 =	vadd.f32 v11, v1  }
0x18f: {  	s5 =	simm.s32 $0x100;
	v5 =	vld [tilespmem:s7+$0x7980];
	v19 =	vmax.f32 v19, $0.0e+00;
	v11 =	vadd.f32 v13, v9;
	v13 =	vmul.f32 v16, v14  }
0x190: {  	v9 =	vadd.f32 v17, v15;
	v14 =	vmul.f32 v22, v2;
	v16 =	vld [tilespmem:s5+$0x9400];
	v15 =	vmax.f32 v20, $0.0e+00  }
0x191: {  	v12 =	vadd.f32 v13, v12;
	v13 =	vld [tilespmem:s5+$0x8F00];
	v20 =	vmul.f32 v4, v19;
	v22 =	vmul.f32 v15, v18  }
0x192: {  	s6 =	simm.s32 $0x600;
	v23 =	vmul.f32 v19, v3;
	v21 =	vmul.f32 v21, v2;
	v17 =	vadd.f32 v14, v1;
	v14 =	vld [tilespmem:s7+$0x6F80]  }
.LBB2_17:
0x193: {  	p0 =	sne.s32 s6, $0x1200;
	v24 =	vld [tilespmem:s5+$0x7480];
	v7 =	vadd.f32 v22, v7;
	v18 =	vmul.f32 v19, v18;
	v10 =	vadd.f32 v20, v10;
	s7 =	smov.u32 s6;
	s6 =	sadd.s32 $0x200, s6  }
.Ltmp8:
0x194: {  	v20 =	vmul.f32 v4, v15;
	v19 =	vadd.f32 v21, v1;
	v8 =	vadd.f32 v23, v8;
	v4 =	vmovc v5;
	(pc) =	sbr.rel @p0 .LBB2_17-.Ltmp8, $4  }
0x195: {  	s7 =	sshra.s32 s7, $0x2;
	v21 =	vmul.f32 v3, v15;
	v3 =	vmovc v6;
	v23 =	vmul.f32 v16, v2;
	v5 =	vld [tilespmem:s5+$0x7980];
	v11 =	vadd.f32 v18, v11  }
0x196: {  	v9 =	vadd.f32 v20, v9;
	v16 =	vld [tilespmem:s7+$0x9400];
	v15 =	vmax.f32 v19, $0.0e+00;
	v19 =	vmax.f32 v17, $0.0e+00;
	v25 =	vmovc v13  }
0x197: {  	v12 =	vadd.f32 v21, v12;
	v13 =	vld [tilespmem:s7+$0x8F00];
	v22 =	vmul.f32 v15, v14;
	v20 =	vmul.f32 v4, v19;
	v18 =	vmovc v14  }
0x198: {  	v21 =	vmul.f32 v25, v2;
	v17 =	vadd.f32 v23, v1;
	v23 =	vmul.f32 v19, v3;
	v14 =	vld [tilespmem:s5+$0x6F80];
	v6 =	vmovc v24;
	s5 =	smov.u32 s7  }
0x199: {  	v7 =	vadd.f32 v22, v7;
	v18 =	vmul.f32 v19, v18  }
0x19a: {  	v10 =	vadd.f32 v20, v10;
	v4 =	vmul.f32 v4, v15;
	v19 =	vadd.f32 v21, v1  }
0x19b: {  	v3 =	vmul.f32 v3, v15;
	v8 =	vadd.f32 v23, v8;
	v17 =	vmax.f32 v17, $0.0e+00  }
0x19c: {  	v16 =	vmul.f32 v16, v2;
	v11 =	vadd.f32 v18, v11;
	v15 =	vmax.f32 v19, $0.0e+00  }
0x19d: {  	v20 =	vld [tilespmem:s5+$0x7480];
	v4 =	vadd.f32 v4, v9;
	v18 =	vmul.f32 v5, v17;
	v9 =	vmul.f32 v15, v14  }
0x19e: {  	v3 =	vadd.f32 v3, v12;
	v19 =	vld [tilespmem:s5+$0x7980];
	v2 =	vmul.f32 v13, v2;
	v13 =	vmul.f32 v17, v6  }
0x19f: {  	s31 =	simm.s32 $0x0;
	v12 =	vadd.f32 v16, v1;
	v16 =	vld [tilespmem:s5+$0x6F80];
	v9 =	vadd.f32 v9, v7;
	v7 =	vmul.f32 v17, v14  }
0x1a0: {  	v10 =	vadd.f32 v18, v10;
	v1 =	vadd.f32 v2, v1;
	v2 =	vmul.f32 v5, v15;
	v5 =	vld [tilespmem:s31+$0x9400]  }
0x1a1: {  	v6 =	vmul.f32 v6, v15;
	v8 =	vadd.f32 v13, v8;
	v14 =	vadd.f32 v7, v11;
	v11 =	vld [tilespmem:s31+$0x8F00]  }
0x1a2: {  	v12 =	vmax.f32 v12, $0.0e+00;
	v15 =	vmax.f32 v1, $0.0e+00;
	v17 =	vadd.f32 v2, v4  }
0x1a3: {  	v13 =	vld [tilespmem:s31+$0x8880];
	v1 =	vimm.s32 $0x4;
	v22 =	vmul.f32 v12, v20;
	v21 =	vmul.f32 v19, v12  }
0x1a4: {  	s7 =	simm.s32 $0x80;
	v2 =	vimm.s32 $0x9;
	v7 =	vld [tilespmem:s31+$0x8380];
	v1 =	vperm.xlane v0, v1;
	v4 =	vmul.f32 v15, v16  }
0x1a5: {  	v23 =	vadd.f32 v6, v3;
	v2 =	vperm.xlane v0, v2;
	v6 =	vmul.f32 v12, v16;
	v12 =	vld [tilespmem:s7+$0x9400]  }
0x1a6: {  	v5 =	vmul.f32 v5, v1;
	v18 =	vadd.f32 v4, v9;
	v9 =	vmul.f32 v11, v1;
	v11 =	vld [tilespmem:s31+$0x7E80]  }
0x1a7: {  	v16 =	vld [tilespmem:s7+$0x8F00];
	v3 =	vadd.f32 v21, v10;
	v10 =	vmul.f32 v19, v15;
	v4 =	vadd.f32 v22, v8  }
0x1a8: {  	v8 =	vld [tilespmem:s7+$0x8380];
	v19 =	vadd.f32 v5, v2;
	v9 =	vadd.f32 v9, v2  }
0x1a9: {  	s5 =	simm.s32 $0x100;
	v15 =	vmul.f32 v20, v15;
	v5 =	vadd.f32 v6, v14;
	v17 =	vadd.f32 v10, v17;
	v6 =	vld [tilespmem:s7+$0x8880]  }
0x1aa: {  	v10 =	vld [tilespmem:s5+$0x9400];
	v12 =	vmul.f32 v12, v1;
	v14 =	vmax.f32 v19, $0.0e+00;
	v20 =	vmax.f32 v9, $0.0e+00  }
0x1ab: {  	v21 =	vld [tilespmem:s5+$0x8F00];
	v19 =	vadd.f32 v15, v23;
	v15 =	vmul.f32 v13, v14;
	v22 =	vmul.f32 v20, v11  }
0x1ac: {  	s6 =	simm.s32 $0x600;
	v23 =	vmul.f32 v16, v1;
	v16 =	vmul.f32 v14, v7;
	v12 =	vadd.f32 v12, v2;
	v9 =	vld [tilespmem:s7+$0x7E80]  }
.LBB2_19:
0x1ad: {  	p0 =	sne.s32 s6, $0x1200;
	v24 =	vld [tilespmem:s5+$0x8380];
	v18 =	vadd.f32 v22, v18;
	v11 =	vmul.f32 v14, v11;
	v3 =	vadd.f32 v15, v3;
	s7 =	smov.u32 s6;
	s6 =	sadd.s32 $0x200, s6  }
.Ltmp9:
0x1ae: {  	v15 =	vmul.f32 v13, v20;
	v14 =	vadd.f32 v23, v2;
	v4 =	vadd.f32 v16, v4;
	v13 =	vmovc v6;
	(pc) =	sbr.rel @p0 .LBB2_19-.Ltmp9, $4  }
0x1af: {  	s7 =	sshra.s32 s7, $0x2;
	v23 =	vmul.f32 v7, v20;
	v7 =	vmovc v8;
	v16 =	vmul.f32 v10, v1;
	v6 =	vld [tilespmem:s5+$0x8880];
	v5 =	vadd.f32 v11, v5  }
0x1b0: {  	v17 =	vadd.f32 v15, v17;
	v10 =	vld [tilespmem:s7+$0x9400];
	v20 =	vmax.f32 v14, $0.0e+00;
	v14 =	vmax.f32 v12, $0.0e+00;
	v25 =	vmovc v21  }
0x1b1: {  	v19 =	vadd.f32 v23, v19;
	v21 =	vld [tilespmem:s7+$0x8F00];
	v22 =	vmul.f32 v20, v9;
	v15 =	vmul.f32 v13, v14;
	v11 =	vmovc v9  }
0x1b2: {  	v23 =	vmul.f32 v25, v1;
	v12 =	vadd.f32 v16, v2;
	v16 =	vmul.f32 v14, v7;
	v9 =	vld [tilespmem:s5+$0x7E80];
	v8 =	vmovc v24;
	s5 =	smov.u32 s7  }
0x1b3: {  	v18 =	vadd.f32 v22, v18;
	v7 =	vmul.f32 v7, v20;
	v13 =	vmul.f32 v13, v20  }
0x1b4: {  	v31 =	vimm.s32 $0xFEDCBA98;
	v32 =	vimm.s32 $0x76543210;
	v37 =	vimm.s32 $0xBA98FEDC  }
0x1b5: {  	v39 =	vimm.s32 $0x32107654;
	v43 =	vimm.s32 $0xDCFE98BA;
	v44 =	vimm.s32 $0x54761032  }
0x1b6: {  	v53 =	vimm.s32 $0xEFCDAB89;
	v54 =	vimm.s32 $0x67452301;
	v21 =	vmul.f32 v21, v1  }
0x1b7: {  	v25 =	vld [tilespmem:s5+$0x8880];
	v23 =	vadd.f32 v23, v2;
	v22 =	vunpack.c.l.s4.s8 v32;
	v38 =	vunpack.c.l.s4.s8 v37  }
0x1b8: {  	v41 =	vunpack.c.l.s4.s8 v39;
	v7 =	vadd.f32 v7, v19;
	v30 =	vadd.f32 v21, v2;
	v21 =	vld [tilespmem:s5+$0x8380]  }
0x1b9: {  	v24 =	vld [tilespmem:s5+$0x7E80];
	v19 =	vunpack.c.l.s4.s8 v31;
	v13 =	vadd.f32 v13, v17;
	v23 =	vmax.f32 v23, $0.0e+00  }
0x1ba: {  	v35 =	vunpack.c.0.s8.s32 v22;
	v29 =	vmul.f32 v23, v9;
	v33 =	vmul.f32 v6, v23  }
0x1bb: {  	v26 =	vmul.f32 v8, v23;
	v19 =	vunpack.c.0.s8.s32 v19;
	v20 =	vmax.f32 v30, $0.0e+00  }
0x1bc: {  	v18 =	vadd.f32 v29, v18;
	v13 =	vadd.f32 v33, v13;
	v40 =	vmul.f32 v25, v20  }
0x1bd: {  	v34 =	vadd.f32 v26, v7;
	v19 =	vand.u32 $0xF, v19;
	v36 =	vmul.f32 v21, v20  }
0x1be: {  	v7 =	vcombine.low v19, v35;
	v27 =	vmul.f32 v20, v24;
	v17 =	vadd.f32 v40, v13  }
0x1bf: {  	v19 =	vunpack.c.0.s8.s32 v38;
	v20 =	vunpack.c.0.s8.s32 v41;
	v22 =	vadd.f32 v36, v34  }
0x1c0: {  	v45 =	vunpack.c.l.s4.s8 v43;
	v18 =	vadd.f32 v27, v18;
	v49 =	vperm.xlane v17, v7  }
0x1c1: {  	v46 =	vunpack.c.l.s4.s8 v44;
	v19 =	vcombine.low v20, v19;
	v47 =	vperm.xlane v22, v7  }
0x1c2: {  	v48 =	vunpack.c.0.s8.s32 v45;
	v42 =	vperm.xlane v18, v7;
	v17 =	vadd.f32 v49, v17  }
0x1c3: {  	v26 =	vunpack.c.0.s8.s32 v46;
	v13 =	vand.u32 $0xF, v19;
	v50 =	vadd.f32 v47, v22  }
0x1c4: {  	v23 =	vunpack.c.l.s4.s8 v53;
	v18 =	vadd.f32 v42, v18;
	v28 =	vperm.xlane v17, v13  }
0x1c5: {  	v52 =	vcombine.low v26, v48;
	v26 =	vunpack.c.l.s4.s8 v54;
	v55 =	vperm.xlane v50, v13  }
0x1c6: {  	v56 =	vunpack.c.0.s8.s32 v23;
	v51 =	vperm.xlane v18, v13;
	v17 =	vadd.f32 v28, v17  }
0x1c7: {  	v57 =	vunpack.c.0.s8.s32 v26;
	v20 =	vand.u32 $0xF, v52;
	v19 =	vadd.f32 v55, v50  }
0x1c8: {  	v60 =	vimm.s32 $0xFFFEDCBA;
	v18 =	vadd.f32 v51, v18;
	v59 =	vperm.xlane v17, v20  }
0x1c9: {  	vm1 =	vcmask $0x1F00;
	v22 =	vcombine.low v57, v56;
	v27 =	vperm.xlane v19, v20  }
0x1ca: {  	v61 =	vunpack.c.l.s4.s8 v60;
	v58 =	vperm.xlane v18, v20;
	v17 =	vadd.f32 v59, v17  }
0x1cb: {  	vm0 =	vcmask $0x3F0C;
	v22 =	vand.u32 $0xF, v22;
	v19 =	vadd.f32 v27, v19  }
0x1cc: {  	v23 =	vunpack.c.0.s8.s32 v61;
	v18 =	vadd.f32 v58, v18;
	v63 =	vperm.xlane v17, v22  }
0x1cd: {  	vm13 =	vcmask $0xB00;
	vm14 =	vcmask $0x3F08;
	v27 =	vperm.xlane v19, v22  }
0x1ce: {  	v23 =	vnsel vm1, $0xF, v23;
	v62 =	vperm.xlane v18, v22;
	v17 =	vadd.f32 v63, v17  }
0x1cf: {  	v31 =	vimm.f32 $0.0e+00;
	v0 =	vperm.xlane v0, v23;
	v19 =	vadd.f32 v27, v19  }
0x1d0: {  	v23 =	vsel vm13, $0x3F800000, v31;
	v18 =	vadd.f32 v62, v18;
	v17 =	vsel vm0, $0xF149F2CA, v17  }
0x1d1: {  	vm2 =	vmmov $0x1;
	v0 =	vmul.f32 v23, v0;
	v17 =	vsel vm14, v17, v19  }
0x1d2: {  	v17 =	vsel vm2, v18, v17  }
0x1d3: {  	v32 =	vmul.f32 v10, v1;
	v33 =	vadd.f32 v17, v0  }
0x1d4: {  	v11 =	vmul.f32 v14, v11;
	v3 =	vadd.f32 v15, v3;
	v4 =	vadd.f32 v16, v4  }
0x1d5: {  	v12 =	vmax.f32 v12, $0.0e+00;
	v1 =	vadd.f32 v32, v2;
	v34 =	vperm.xlane v33, v7  }
0x1d6: {  	v5 =	vadd.f32 v11, v5;
	v37 =	vmul.f32 v12, v9;
	v35 =	vmul.f32 v6, v12  }
0x1d7: {  	v1 =	vmax.f32 v1, $0.0e+00;
	v36 =	vmul.f32 v12, v8;
	v2 =	vmax.f32 v33, v34  }
0x1d8: {  	v38 =	vmul.f32 v25, v1;
	v3 =	vadd.f32 v35, v3;
	v39 =	vperm.xlane v2, v13  }
0x1d9: {  	v5 =	vadd.f32 v37, v5;
	v40 =	vmul.f32 v1, v21;
	v4 =	vadd.f32 v36, v4  }
0x1da: {  	v1 =	vmul.f32 v1, v24;
	v3 =	vadd.f32 v38, v3;
	v2 =	vmax.f32 v2, v39  }
0x1db: {  	v4 =	vadd.f32 v40, v4;
	v41 =	vperm.xlane v2, v20  }
0x1dc: {  	v1 =	vadd.f32 v1, v5;
	v42 =	vperm.xlane v3, v7  }
0x1dd: {  	v43 =	vperm.xlane v4, v7;
	v2 =	vmax.f32 v2, v41  }
0x1de: {  	v45 =	vperm.xlane v1, v7;
	v3 =	vadd.f32 v42, v3;
	v44 =	vperm.xlane v2, v22  }
0x1df: {  	v4 =	vadd.f32 v43, v4  }
0x1e0: {  	v1 =	vadd.f32 v45, v1;
	v5 =	vperm.xlane v3, v13;
	v2 =	vmax.f32 v2, v44  }
0x1e1: {  	v6 =	vperm.xlane v4, v13;
	v2 =	vsub.f32 v33, v2  }
0x1e2: {  	v46 =	vperm.xlane v1, v13;
	v3 =	vadd.f32 v5, v3  }
0x1e3: {  	v4 =	vadd.f32 v6, v4;
	v2 =	vmul.f32 $1.442695020e+00, v2  }
0x1e4: {  	v1 =	vadd.f32 v46, v1;
	v5 =	vperm.xlane v3, v20  }
0x1e5: {  	v47 =	vperm.xlane v4, v20;
	(erf) = vpow2.f32 v2  }
0x1e6: {  	v48 =	vperm.xlane v1, v20;
	v3 =	vadd.f32 v5, v3  }
0x1e7: {  	v2 =	vadd.f32 v47, v4  }
0x1e8: {  	v1 =	vadd.f32 v48, v1;
	v49 =	vperm.xlane v3, v22  }
0x1e9: {  	v50 =	vperm.xlane v2, v22  }
0x1ea: {  	v6 =	vperm.xlane v1, v22;
	v3 =	vadd.f32 v49, v3  }
0x1eb: {  	v2 =	vadd.f32 v50, v2  }
0x1ec: {  	v1 =	vadd.f32 v6, v1;
	v3 =	vsel vm0, $0xF149F2CA, v3  }
0x1ed: {  	v2 =	vsel vm14, v3, v2  }
0x1ee: {  	vm15 =	vmmov $0x7;
	v1 =	vsel vm2, v1, v2;
	v51 =	vpop (erf)  }
0x1ef: {  	v0 =	vadd.f32 v1, v0;
	v52 =	vnsel vm15, $0x0, v51  }
0x1f0: {  	v53 =	vperm.xlane v52, v7  }
0x1f1: {  	v54 =	vperm.xlane v0, v7  }
0x1f2: {  	v1 =	vadd.f32 v52, v53  }
0x1f3: {  	v3 =	vmax.f32 v0, v54  }
0x1f4: {  	v56 =	vperm.xlane v3, v13;
	v55 =	vperm.xlane v1, v13;
	_ =	sdelay $0x1  }
0x1f5: {  	v3 =	vmax.f32 v3, v56;
	v1 =	vadd.f32 v1, v55  }
0x1f6: {  	v57 =	vperm.xlane v3, v20  }
0x1f7: {  	v58 =	vperm.xlane v1, v20  }
0x1f8: {  	v3 =	vmax.f32 v3, v57  }
0x1f9: {  	v4 =	vperm.xlane v3, v22;
	v1 =	vadd.f32 v1, v58;
	_ =	sdelay $0x1  }
0x1fa: {  	v3 =	vmax.f32 v3, v4;
	v5 =	vperm.xlane v1, v22  }
0x1fb: {  	v0 =	vsub.f32 v0, v3  }
0x1fc: {  	v1 =	vadd.f32 v1, v5  }
0x1fd: {  	v0 =	vmul.f32 $1.442695020e+00, v0  }
0x1fe: {  	(erf) = vrcp.f32 v1  }
0x1ff: {  	(erf) = vpow2.f32 v0;
	_ =	sdelay $0x7  }
0x200: {  	v59 =	vpop (erf)  }
0x201: {  	v60 =	vpop (erf)  }
0x202: {  	v1 =	vnsel vm15, $0x0, v60  }
0x203: {  	v61 =	vperm.xlane v1, v7;
	_ =	sdelay $0x1  }
0x204: {  	v3 =	vadd.f32 v1, v61;
	_ =	sdelay $0x1  }
0x205: {  	v62 =	vperm.xlane v3, v13;
	_ =	sdelay $0x1  }
0x206: {  	v3 =	vadd.f32 v3, v62;
	_ =	sdelay $0x1  }
0x207: {  	v4 =	vperm.xlane v3, v20;
	_ =	sdelay $0x1  }
0x208: {  	v3 =	vadd.f32 v3, v4;
	_ =	sdelay $0x1  }
0x209: {  	v4 =	vperm.xlane v3, v22;
	_ =	sdelay $0x1  }
0x20a: {  	v3 =	vadd.f32 v3, v4;
	_ =	sdelay $0x1  }
0x20b: {  	(erf) = vrcp.f32 v3;
	_ =	sdelay $0x8  }
0x20c: {  	s2 =	sshll.u32 s2, $0xA;
	v0 =	vmul.f32 v59, v52;
	v63 =	vpop (erf)  }
0x20d: {  	s2 =	sor.u32 s3, s2;
	v1 =	vmul.f32 v63, v1  }
0x20e: {  	s29 =	simm.s32 $0x0;
	s2 =	sshrl.u32 s2, $0x3;
	[tilespmem:$0x9B00] =	vst v0  }
0x20f: {  	s30 =	simm.s32 $0x9B00;
	s31 =	simm.s32 $0x8;
	s2 =	sadd.s32 s4, s2;
	[tilespmem:$0x9B80] =	vst v1  }
0x210: {  	[hbm4b:s2+s29] =	stream.linear.scatter [tilespmem:s30], [sflag:$0x8], $0x100, $0x38;
	[tilespmem:$0x9C00] =	vst v63  }
0x211: {  	_ =	swait.ge [sflag:s31], $0x100  }
0x212: {  	[sflag:s31] =	ssyncset.done $0x0  }
0x213: {  	[sflag:s31] =	ssyncadd.s32 $0xFFFFFF00  }
0x214: {  	_ =	sfence.sel $0x180000  }
0x215: {  	[bflag:$0x0] =	sbarrier.arrive $0xFFFF  }
0x216: {  	p0 =	sne.s32 s0, $0x0;
	_ =	strace $0x90000047  }
0x217: {  	s0 =	sadd.s32 @!p0 $0x100000, s1;
	[bflag:$0x2] =	sbarrier.arrive $0xFFFF  }
0x218: {  	[sflag:s0] =	ssyncadd.tile.s32 @!p0 $0x1;
	_ =	shalt  }
.Lfunc_end2:
_tile_overlayer_lowered:
.L_overlay_start_2:
0x219: {  	(tag) =	ssettag $0x2  }
0x21a: {  	s0 =	rddreg [dreg:$0x0];
	s2 =	stileid.u32  }
0x21b: {  	s1 =	rddreg [dreg:$0x1];
	p0 =	sne.s32 s2, $0x0  }
0x21c: {  	s3 =	rddreg [dreg:$0x2];
	[bflag:$0x3] =	sbarrier.arrive $0xFFFF;
	s2 =	simm.s32 @!p0 $0x1C08  }
0x21d: {  	[timem:s3], [sflag:s2] =	dma.local @!p0 [hbm:s0], s1  }
0x21e: {  	s0 =	simm.s32 @!p0 $0x8  }
0x21f: {  	_ =	swait.ge @!p0 [sflag:s0], s1  }
0x220: {  	s1 =	ssub.s32 @!p0 $0x0, s1;
	[sflag:s0] =	ssyncset.done @!p0 $0x0  }
0x221: {  	[sflag:s0] =	ssyncadd.s32 @!p0 s1  }
0x222: {  	[bflag:$0x3] =	sbarrier.arrive $0xFFFF  }
0x223: {  	_ =	shalt  }

</sc_bundles>
